<compile_context>
chip_gen: v7x
topology: tpu7x:2x2x1
jax: 0.10.2.dev20260603
libtpu: 0.0.44.dev20260713+nightly
codegen_flags: <defaults>
</compile_context>

<pallas_src>
import functools

import jax
import jax.numpy as jnp
from jax import lax
from jax.experimental import pallas as pl
from jax.experimental.pallas import tpu as pltpu
from jax.experimental.pallas import tpu_sc as plsc

_EPS = 1e-8
_NEG = -jnp.inf
_BM = 25600
_TCAND = 8


def _norm_rows(x):
    n = jnp.sqrt(jnp.sum(x * x, axis=-1, keepdims=True))
    return x / (n + _EPS)


def _extract_top(v, aux_list, iota, n):
    big = jnp.int32(0x7FFFFFFF)
    tops, auxes = [], [[] for _ in aux_list]
    for _ in range(n):
        m = jnp.max(v, axis=1, keepdims=True)
        s = jnp.min(jnp.where(v == m, iota, big), axis=1, keepdims=True)
        hit = iota == s
        tops.append(m)
        for k, a in enumerate(aux_list):
            auxes[k].append(jnp.sum(jnp.where(hit, a, 0), axis=1, keepdims=True))
        v = jnp.where(hit, _NEG, v)
    tops = jnp.concatenate(tops, axis=1)
    auxes = [jnp.concatenate(a, axis=1).astype(aux_list[k].dtype)
             for k, a in enumerate(auxes)]
    return tops, auxes


def _main_body(nblk, M, B, Q,
               query_ref, mem_ref, cnt_ref, cntb_ref, conf_ref, val_ref,
               idx_ref, memany_ref,
               tv_ref, gsig_ref, gated_ref,
               run_v, run_i, run_c, rows_m, rows_v, sem):
    i = pl.program_id(0)
    qn = _norm_rows(query_ref[...])

    @pl.when(i == 0)
    def _init():
        run_v[...] = jnp.full((Q, 2), _NEG, jnp.float32)
        run_i[...] = jnp.zeros((Q, 2), jnp.int32)
        run_c[...] = jnp.zeros((Q, 2), jnp.float32)

    dd = query_ref.shape[1]
    ones_row = jnp.ones((1, dd), jnp.float32)
    dn = (((1,), (1,)), ((), ()))

    def _row_normed(blk, nrows):
        n2c = jax.lax.dot_general(blk * blk, ones_row, dn)
        inv = 1.0 / (jnp.sqrt(n2c.reshape(nrows // 128, 128)) + _EPS)
        return blk * inv.reshape(nrows, 1)

    @pl.when(i < nblk)
    def _mem_step():
        blk = mem_ref[...]
        mn = _row_normed(blk, _BM)
        sims = jax.lax.dot_general(qn, mn, dn)
        loc = jax.lax.broadcasted_iota(jnp.int32, (Q, _BM), 1)
        gpos = loc + i * _BM
        cnt = cnt_ref[...] + cntb_ref[...]
        ok = (cnt == 0) & (gpos < M)
        sims = jnp.where(ok, sims, _NEG)
        confb = jnp.broadcast_to(conf_ref[...], (Q, _BM))
        bv, (bi, bc) = _extract_top(sims, [gpos, confb], loc, 2)
        cv = jnp.concatenate([run_v[...], bv], axis=1)
        ci = jnp.concatenate([run_i[...], bi], axis=1)
        cc = jnp.concatenate([run_c[...], bc], axis=1)
        s4 = jax.lax.broadcasted_iota(jnp.int32, (Q, 4), 1)
        nv, (ni, nc) = _extract_top(cv, [ci, cc], s4, 2)
        run_v[...] = nv
        run_i[...] = ni
        run_c[...] = nc

    @pl.when(i == nblk)
    def _val_step():
        vn = _row_normed(val_ref[...], B)
        sims = jax.lax.dot_general(qn, vn, dn)
        iob = jax.lax.broadcasted_iota(jnp.int32, (Q, B), 1)
        idxr = idx_ref[...]
        idxb = jnp.broadcast_to(idxr, (Q, B))
        tv, (tb,) = _extract_top(sims, [iob], iob, _TCAND)
        keep_v, keep_e = [], []
        for t in range(_TCAND):
            b_t = tb[:, t:t + 1]
            p_t = jnp.sum(jnp.where(iob == b_t, idxb, 0), axis=1, keepdims=True)
            later = jnp.any((idxb == p_t) & (iob > b_t), axis=1, keepdims=True)
            v_t = tv[:, t:t + 1]
            keep_v.append(jnp.where(later, _NEG, v_t))
            keep_e.append(b_t + M)
        cand_v = jnp.concatenate([run_v[...]] + keep_v, axis=1)
        cand_e = jnp.concatenate([run_i[...]] + keep_e, axis=1)
        cand_c = jnp.concatenate(
            [run_c[...], jnp.full((Q, _TCAND), 0.5, jnp.float32)], axis=1)
        sl = jax.lax.broadcasted_iota(jnp.int32, (Q, 2 + _TCAND), 1)
        fv, (fe, fc) = _extract_top(cand_v, [cand_e, cand_c], sl, 2)
        gate = 0.7 + 0.3 * fc
        tv_ref[...] = fv
        gsig_ref[...] = jnp.mean(gate, axis=1, keepdims=True)
        isv = fe >= M
        qio = jax.lax.broadcasted_iota(jnp.int32, (Q, 2), 0)
        kio = jax.lax.broadcasted_iota(jnp.int32, (Q, 2), 1)
        cps = []
        for q in range(Q):
            for k in range(2):
                h = (qio == q) & (kio == k)
                p_s = jnp.sum(jnp.where(h & (~isv), fe, 0))
                b_s = jnp.sum(jnp.where(h & isv, fe - M, 0))
                r = 2 * q + k
                cp = pltpu.make_async_copy(
                    memany_ref.at[pl.ds(p_s, 1)],
                    rows_m.at[pl.ds(r, 1)], sem)
                cp.start()
                cps.append(cp)
                rows_v[pl.ds(r, 1), :] = val_ref[pl.ds(b_s, 1), :]
        for cp in cps:
            cp.wait()
        riota = jax.lax.broadcasted_iota(jnp.int32, (2 * Q, dd), 0)
        gme = jnp.zeros((2 * Q, dd), jnp.float32)
        gve = jnp.zeros((2 * Q, dd), jnp.float32)
        isvf = isv.astype(jnp.float32)
        for q in range(Q):
            for k in range(2):
                def bc(x):
                    return jax.lax.broadcast_in_dim(
                        x[q:q + 1, k:k + 1], (2 * Q, dd), (0, 1))
                gqk, vqk = bc(gate), bc(isvf)
                hit = (riota == 2 * q + k).astype(jnp.float32)
                gme = gme + hit * gqk * (1.0 - vqk)
                gve = gve + hit * gqk * vqk
        gated_ref[...] = rows_m[...] * gme + rows_v[...] * gve


def _count_scatter(idx, Mp):
    B = idx.shape[0]
    info = plsc.get_sparse_core_info()
    NC, NS = info.num_cores, info.num_subcores
    bpt = B // (NC * NS)
    mpt = Mp // NS
    mesh = plsc.VectorSubcoreMesh(core_axis_name="c", subcore_axis_name="s")

    @functools.partial(
        pl.kernel, mesh=mesh,
        out_type=[jax.ShapeDtypeStruct((1, Mp), jnp.float32)
                  for _ in range(NC)],
        scratch_types=[
            pltpu.VMEM((mpt,), jnp.float32),
            pltpu.VMEM((bpt,), jnp.int32),
            pltpu.VMEM((bpt,), jnp.float32),
            pltpu.VMEM_SHARED((Mp,), jnp.float32),
        ],
    )
    def k(idx_hbm, out0, out1, zbuf, idxv, onesv, shared):
        c = lax.axis_index("c")
        s = lax.axis_index("s")

        def fill(ref, n, value):
            v = jnp.full((16,), value, ref.dtype)

            def body(j, _):
                ref[pl.ds(j * 16, 16)] = v
                return 0

            lax.fori_loop(0, n // 16, body, 0)

        fill(zbuf, mpt, 0.0)
        fill(onesv, bpt, 1.0)
        pltpu.sync_copy(zbuf, shared.at[pl.ds(s * mpt, mpt)])
        plsc.subcore_barrier()
        t = c * NS + s
        pltpu.sync_copy(idx_hbm.at[pl.ds(t * bpt, bpt)], idxv)
        pltpu.sync_copy(onesv, shared.at[idxv], add=True)
        plsc.subcore_barrier()

        @pl.when(c == 0)
        def _out0():
            pltpu.sync_copy(shared.at[pl.ds(s * mpt, mpt)],
                            out0.at[0, pl.ds(s * mpt, mpt)])

        @pl.when(c == 1)
        def _out1():
            pltpu.sync_copy(shared.at[pl.ds(s * mpt, mpt)],
                            out1.at[0, pl.ds(s * mpt, mpt)])

    return k(idx)


def _main_call(query, mem, cnt2, cnt2b, conf2, val, idxr):
    M, d = mem.shape
    B = val.shape[0]
    Q = query.shape[0]
    nblk = (M + _BM - 1) // _BM
    grid = (nblk + 1,)
    last = nblk - 1

    def mem_map(i):
        return (jnp.minimum(i, last), 0)

    def lane_map(i):
        return (0, jnp.minimum(i, last))

    def const2(i):
        return (0, 0)

    out_shapes = [
        jax.ShapeDtypeStruct((Q, 2), jnp.float32),
        jax.ShapeDtypeStruct((Q, 1), jnp.float32),
        jax.ShapeDtypeStruct((2 * Q, d), jnp.float32),
    ]
    return pl.pallas_call(
        functools.partial(_main_body, nblk, M, B, Q),
        grid=grid,
        in_specs=[
            pl.BlockSpec((Q, d), const2),
            pl.BlockSpec((_BM, d), mem_map),
            pl.BlockSpec((1, _BM), lane_map),
            pl.BlockSpec((1, _BM), lane_map),
            pl.BlockSpec((1, _BM), lane_map),
            pl.BlockSpec((B, d), const2),
            pl.BlockSpec((1, B), const2),
            pl.BlockSpec(memory_space=pl.ANY),
        ],
        out_specs=[
            pl.BlockSpec((Q, 2), const2),
            pl.BlockSpec((Q, 1), const2),
            pl.BlockSpec((2 * Q, d), const2),
        ],
        out_shape=out_shapes,
        scratch_shapes=[
            pltpu.VMEM((Q, 2), jnp.float32),
            pltpu.VMEM((Q, 2), jnp.int32),
            pltpu.VMEM((Q, 2), jnp.float32),
            pltpu.VMEM((2 * Q, d), jnp.float32),
            pltpu.VMEM((2 * Q, d), jnp.float32),
            pltpu.SemaphoreType.DMA,
        ],
        interpret=False,
    )(query, mem, cnt2, cnt2b, conf2, val, idxr, mem)


def kernel(mem, confidence, val, query, idx):
    M, d = mem.shape
    B = val.shape[0]
    Q = query.shape[0]
    nblk = (M + _BM - 1) // _BM
    Mp = nblk * _BM

    cnt0, cnt1 = _count_scatter(idx, Mp)
    conf2 = confidence.reshape(1, M)
    idxr = idx.reshape(1, B)
    top_vals, gsig, gated = _main_call(query, mem, cnt0, cnt1, conf2, val, idxr)
    return gated.reshape(Q, 2, d), gsig.reshape(Q), top_vals

# --- scband reference (transcript-rebuilt; emitter-appended) ---
"""Pipeline reference for scband-hippocampus-system-2327872274913 (READ-ONLY COPY).

The authoritative reference and input builder live on the scoring server;
editing this copy changes nothing except your own understanding.
"""

import jax, jax.numpy as jnp
import numpy as np


def setup_inputs(seed: int = 0) -> dict:
    key = jax.random.key(seed)
    k1, k2, k3, k4, k5 = jax.random.split(key, 5)
    M, d, B, Q = 100000, 64, 16384, 8
    mem = jax.random.normal(k1, (M, d), dtype=jnp.float32)
    confidence = jax.random.uniform(k2, (M,), dtype=jnp.float32)
    val = jax.random.normal(k3, (B, d), dtype=jnp.float32)
    query = jax.random.normal(k4, (Q, d), dtype=jnp.float32)
    idx = jax.random.randint(k5, (B,), 0, M, dtype=jnp.int32)
    return {"mem": mem, "confidence": confidence, "val": val, "query": query, "idx": idx}


def reference(mem, confidence, val, query, idx):
    # CA3.store: scatter-overwrite feature vectors into the episodic memory buffer
    # (circular-buffer write positions given by idx); new entries get confidence=0.5
    new_mem = mem.at[idx].set(val)
    new_conf = confidence.at[idx].set(0.5)
    # CA3.recall: cosine similarity of each query against every stored memory
    eps = 1e-8
    qn = query / (jnp.linalg.norm(query, axis=-1, keepdims=True) + eps)
    mn = new_mem / (jnp.linalg.norm(new_mem, axis=-1, keepdims=True) + eps)
    sims = qn @ mn.T  # [Q, M]
    top_vals, top_idx = jax.lax.top_k(sims, 2)  # recall_topk=2
    # gather recalled memories and their confidences
    recalled = new_mem[top_idx]          # [Q, k, d]
    conf_sel = new_conf[top_idx]         # [Q, k]
    # CA1 gate: gate = gate_base + gate_confidence_weight * confidence
    gate = 0.7 + 0.3 * conf_sel          # [Q, k]
    gated = recalled * gate[..., None]   # gated recalled memories [Q, k, d]
    gate_signal = jnp.mean(gate, axis=1)  # [Q]
    return gated, gate_signal, top_vals

if __name__ == "__main__":
    import jax
    _d = setup_inputs()
    print(jax.jit(kernel)(*tuple(_d.values())))

</pallas_src>

<mosaic_0001>
#map = affine_map<(d0, d1) -> (0)>
#map1 = affine_map<(d0, d1) -> (0, 0)>
module attributes {stable_mosaic.version = 14 : i64} {
  func.func @k(%arg0: i32, %arg1: i32, %arg2: memref<16384xi32, #tpu.memory_space<hbm>>, %arg3: memref<1x102400xf32, #tpu.memory_space<hbm>>, %arg4: memref<1x102400xf32, #tpu.memory_space<hbm>>, %arg5: memref<6400xf32, #tpu.memory_space<vmem>>, %arg6: memref<512xi32, #tpu.memory_space<vmem>>, %arg7: memref<512xf32, #tpu.memory_space<vmem>>, %arg8: memref<102400xf32, #tpu.memory_space<vmem_shared>>) attributes {dimension_semantics = [#tpu.dimension_semantics<core_parallel>, #tpu.dimension_semantics<subcore_parallel>], iteration_bounds = array<i64: 2, 16>, scalar_prefetch = 0 : i64, scratch_operands = 4 : i64, tpu.core_type = #tpu.core_type<sc_vector_subcore>, window_params = [{transform_indices = #map}, {transform_indices = #map1}, {transform_indices = #map1}]} {
    %broadcast_in_dim3A = arith.constant 0.000000e+00 : f32
    %broadcast_in_dim3A_0 = vector.broadcast %broadcast_in_dim3A : f32 to vector<16xf32>
    %scan3A = arith.constant 0 : i32
    %scan3A_1 = arith.constant 0 : i32
    %scan3A_2 = arith.constant 400 : i32
    %scan3A_3 = arith.addi %scan3A_1, %scan3A_2 : i32
    %scan3A_4 = arith.constant 1 : i32
    %scan3A_5 = scf.for %scan3A_29 = %scan3A_1 to %scan3A_3 step %scan3A_4 iter_args(%scan3A_30 = %scan3A) -> (i32)  : i32 {
      %mul3A_31 = arith.constant 16 : i32
      %mul3A_32 = arith.muli %scan3A_29, %mul3A_31 : i32
      %swap3A = arith.index_cast %mul3A_32 : i32 to index
      %swap3A_33 = tpu.vector_load %arg5[%swap3A] {strides = array<i32>} : memref<6400xf32, #tpu.memory_space<vmem>>, vector<16xf32>,
      %swap3A_34 = vector.shape_cast %swap3A_33 : vector<16xf32> to vector<16xf32>
      %swap3A_35 = vector.shape_cast %broadcast_in_dim3A_0 : vector<16xf32> to vector<16xf32>
      tpu.vector_store %arg5[%swap3A], %swap3A_35 {strides = array<i32>} : memref<6400xf32, #tpu.memory_space<vmem>>, vector<16xf32>,
      %scan3A_36 = arith.constant 0 : i32
      scf.yield %scan3A_36 : i32
    }
    %scan3A_6 = arith.constant 400 : i32
    %broadcast_in_dim3A_7 = arith.constant 1.000000e+00 : f32
    %broadcast_in_dim3A_8 = vector.broadcast %broadcast_in_dim3A_7 : f32 to vector<16xf32>
    %scan3A_9 = arith.constant 0 : i32
    %scan3A_10 = arith.constant 0 : i32
    %scan3A_11 = arith.constant 32 : i32
    %scan3A_12 = arith.addi %scan3A_10, %scan3A_11 : i32
    %scan3A_13 = arith.constant 1 : i32
    %scan3A_14 = scf.for %scan3A_29 = %scan3A_10 to %scan3A_12 step %scan3A_13 iter_args(%scan3A_30 = %scan3A_9) -> (i32)  : i32 {
      %mul3A_31 = arith.constant 16 : i32
      %mul3A_32 = arith.muli %scan3A_29, %mul3A_31 : i32
      %swap3A = arith.index_cast %mul3A_32 : i32 to index
      %swap3A_33 = tpu.vector_load %arg7[%swap3A] {strides = array<i32>} : memref<512xf32, #tpu.memory_space<vmem>>, vector<16xf32>,
      %swap3A_34 = vector.shape_cast %swap3A_33 : vector<16xf32> to vector<16xf32>
      %swap3A_35 = vector.shape_cast %broadcast_in_dim3A_8 : vector<16xf32> to vector<16xf32>
      tpu.vector_store %arg7[%swap3A], %swap3A_35 {strides = array<i32>} : memref<512xf32, #tpu.memory_space<vmem>>, vector<16xf32>,
      %scan3A_36 = arith.constant 0 : i32
      scf.yield %scan3A_36 : i32
    }
    %scan3A_15 = arith.constant 32 : i32
    %mul3A = arith.constant 6400 : i32
    %mul3A_16 = arith.muli %arg1, %mul3A : i32
    "tpu.region"() ({
      %run_scoped3A = tpu.sem_alloc : memref<!tpu.dma_semaphore, #tpu.memory_space<semaphore_mem>>
      %dma_start3A = tpu.memref_slice %arg8[%mul3A_16] : memref<102400xf32, #tpu.memory_space<vmem_shared>> -> memref<6400xf32, #tpu.memory_space<vmem_shared>>
      %dma_start3A_29 = tpu.memref_slice %arg8[%mul3A_16] : memref<102400xf32, #tpu.memory_space<vmem_shared>> -> memref<6400xf32, #tpu.memory_space<vmem_shared>>
      tpu.enqueue_dma source(%arg5 : memref<6400xf32, #tpu.memory_space<vmem>>) target(%dma_start3A_29 : memref<6400xf32, #tpu.memory_space<vmem_shared>>) target_semaphore(%run_scoped3A : memref<!tpu.dma_semaphore, #tpu.memory_space<semaphore_mem>>)
      %dma_wait3A = tpu.memref_slice %arg8[%mul3A_16] : memref<102400xf32, #tpu.memory_space<vmem_shared>> -> memref<6400xf32, #tpu.memory_space<vmem_shared>>
      %dma_wait3A_30 = tpu.memref_slice %arg8[%mul3A_16] : memref<102400xf32, #tpu.memory_space<vmem_shared>> -> memref<6400xf32, #tpu.memory_space<vmem_shared>>
      tpu.wait_dma2 semaphore(%run_scoped3A : memref<!tpu.dma_semaphore, #tpu.memory_space<semaphore_mem>>) src(%arg5 : memref<6400xf32, #tpu.memory_space<vmem>>) dst(%dma_wait3A_30 : memref<6400xf32, #tpu.memory_space<vmem_shared>>)
      tpu.yield
    }) : () -> ()
    %barrier3A = arith.constant 0 : index
    tpu.barrier barrier_id(%barrier3A)
    %mul3A_17 = arith.constant 16 : i32
    %mul3A_18 = arith.muli %arg0, %mul3A_17 : i32
    %add3A = arith.addi %mul3A_18, %arg1 : i32
    %mul3A_19 = arith.constant 512 : i32
    %mul3A_20 = arith.muli %add3A, %mul3A_19 : i32
    "tpu.region"() ({
      %run_scoped3A = tpu.sem_alloc : memref<!tpu.dma_semaphore, #tpu.memory_space<semaphore_mem>>
      %dma_start3A = tpu.memref_slice %arg2[%mul3A_20] : memref<16384xi32, #tpu.memory_space<hbm>> -> memref<512xi32, #tpu.memory_space<hbm>>
      %dma_start3A_29 = tpu.memref_slice %arg2[%mul3A_20] : memref<16384xi32, #tpu.memory_space<hbm>> -> memref<512xi32, #tpu.memory_space<hbm>>
      tpu.enqueue_dma source(%dma_start3A_29 : memref<512xi32, #tpu.memory_space<hbm>>) target(%arg6 : memref<512xi32, #tpu.memory_space<vmem>>) target_semaphore(%run_scoped3A : memref<!tpu.dma_semaphore, #tpu.memory_space<semaphore_mem>>)
      %dma_wait3A = tpu.memref_slice %arg2[%mul3A_20] : memref<16384xi32, #tpu.memory_space<hbm>> -> memref<512xi32, #tpu.memory_space<hbm>>
      %dma_wait3A_30 = tpu.memref_slice %arg2[%mul3A_20] : memref<16384xi32, #tpu.memory_space<hbm>> -> memref<512xi32, #tpu.memory_space<hbm>>
      tpu.wait_dma2 semaphore(%run_scoped3A : memref<!tpu.dma_semaphore, #tpu.memory_space<semaphore_mem>>) src(%dma_wait3A_30 : memref<512xi32, #tpu.memory_space<hbm>>) dst(%arg6 : memref<512xi32, #tpu.memory_space<vmem>>)
      tpu.yield
    }) : () -> ()
    "tpu.region"() ({
      %run_scoped3A = tpu.sem_alloc : memref<!tpu.dma_semaphore, #tpu.memory_space<semaphore_mem>>
      %dma_start3A = arith.constant 0 : i32
      %dma_start3A_29 = tpu.memref_slice %arg8[%dma_start3A] : memref<102400xf32, #tpu.memory_space<vmem_shared>> -> memref<102400xf32, #tpu.memory_space<vmem_shared>>
      tpu.enqueue_indirect_dma source(%arg7 : memref<512xf32, #tpu.memory_space<vmem>>) target(%dma_start3A_29 : memref<102400xf32, #tpu.memory_space<vmem_shared>>) offsets(%arg6 : memref<512xi32, #tpu.memory_space<vmem>>) semaphore(%run_scoped3A : memref<!tpu.dma_semaphore, #tpu.memory_space<semaphore_mem>>) {add = true}
      %dma_wait3A = arith.constant 0 : i32
      %dma_wait3A_30 = tpu.memref_slice %arg8[%dma_wait3A] : memref<102400xf32, #tpu.memory_space<vmem_shared>> -> memref<102400xf32, #tpu.memory_space<vmem_shared>>
      tpu.wait_indirect_dma semaphore(%run_scoped3A : memref<!tpu.dma_semaphore, #tpu.memory_space<semaphore_mem>>) src(%arg7 : memref<512xf32, #tpu.memory_space<vmem>>) dst(%dma_wait3A_30 : memref<102400xf32, #tpu.memory_space<vmem_shared>>)
      tpu.yield
    }) : () -> ()
    %barrier3A_21 = arith.constant 0 : index
    tpu.barrier barrier_id(%barrier3A_21)
    %eq3A = arith.constant 0 : i32
    %eq3A_22 = arith.cmpi eq, %arg0, %eq3A : i32
    %convert_element_type3A = arith.extui %eq3A_22 : i1 to i32
    %cond3A = arith.constant 0 : i32
    %cond3A_23 = arith.cmpi ne, %convert_element_type3A, %cond3A : i32
    scf.if %cond3A_23 {
      %mul3A_29 = arith.constant 6400 : i32
      %mul3A_30 = arith.muli %arg1, %mul3A_29 : i32
      %mul3A_31 = arith.constant 6400 : i32
      %mul3A_32 = arith.muli %arg1, %mul3A_31 : i32
      %run_scoped3A = arith.constant 0 : i32
      "tpu.region"() ({
        %run_scoped3A_33 = tpu.sem_alloc : memref<!tpu.dma_semaphore, #tpu.memory_space<semaphore_mem>>
        %dma_start3A = tpu.memref_slice %arg3[%run_scoped3A, %mul3A_32] : memref<1x102400xf32, #tpu.memory_space<hbm>> -> memref<1x6400xf32, #tpu.memory_space<hbm>>
        %dma_start3A_34 = tpu.memref_squeeze %dma_start3A : memref<1x6400xf32, #tpu.memory_space<hbm>> -> memref<6400xf32, #tpu.memory_space<hbm>>
        %dma_start3A_35 = tpu.memref_slice %arg8[%mul3A_30] : memref<102400xf32, #tpu.memory_space<vmem_shared>> -> memref<6400xf32, #tpu.memory_space<vmem_shared>>
        tpu.enqueue_dma source(%dma_start3A_35 : memref<6400xf32, #tpu.memory_space<vmem_shared>>) target(%dma_start3A_34 : memref<6400xf32, #tpu.memory_space<hbm>>) target_semaphore(%run_scoped3A_33 : memref<!tpu.dma_semaphore, #tpu.memory_space<semaphore_mem>>)
        %dma_wait3A = tpu.memref_slice %arg3[%run_scoped3A, %mul3A_32] : memref<1x102400xf32, #tpu.memory_space<hbm>> -> memref<1x6400xf32, #tpu.memory_space<hbm>>
        %dma_wait3A_36 = tpu.memref_squeeze %dma_wait3A : memref<1x6400xf32, #tpu.memory_space<hbm>> -> memref<6400xf32, #tpu.memory_space<hbm>>
        %dma_wait3A_37 = tpu.memref_slice %arg8[%mul3A_30] : memref<102400xf32, #tpu.memory_space<vmem_shared>> -> memref<6400xf32, #tpu.memory_space<vmem_shared>>
        tpu.wait_dma2 semaphore(%run_scoped3A_33 : memref<!tpu.dma_semaphore, #tpu.memory_space<semaphore_mem>>) src(%dma_wait3A_37 : memref<6400xf32, #tpu.memory_space<vmem_shared>>) dst(%dma_wait3A_36 : memref<6400xf32, #tpu.memory_space<hbm>>)
        tpu.yield
      }) : () -> ()
    } else {
    }
    %eq3A_24 = arith.constant 1 : i32
    %eq3A_25 = arith.cmpi eq, %arg0, %eq3A_24 : i32
    %convert_element_type3A_26 = arith.extui %eq3A_25 : i1 to i32
    %cond3A_27 = arith.constant 0 : i32
    %cond3A_28 = arith.cmpi ne, %convert_element_type3A_26, %cond3A_27 : i32
    scf.if %cond3A_28 {
      %mul3A_29 = arith.constant 6400 : i32
      %mul3A_30 = arith.muli %arg1, %mul3A_29 : i32
      %mul3A_31 = arith.constant 6400 : i32
      %mul3A_32 = arith.muli %arg1, %mul3A_31 : i32
      %run_scoped3A = arith.constant 0 : i32
      "tpu.region"() ({
        %run_scoped3A_33 = tpu.sem_alloc : memref<!tpu.dma_semaphore, #tpu.memory_space<semaphore_mem>>
        %dma_start3A = tpu.memref_slice %arg4[%run_scoped3A, %mul3A_32] : memref<1x102400xf32, #tpu.memory_space<hbm>> -> memref<1x6400xf32, #tpu.memory_space<hbm>>
        %dma_start3A_34 = tpu.memref_squeeze %dma_start3A : memref<1x6400xf32, #tpu.memory_space<hbm>> -> memref<6400xf32, #tpu.memory_space<hbm>>
        %dma_start3A_35 = tpu.memref_slice %arg8[%mul3A_30] : memref<102400xf32, #tpu.memory_space<vmem_shared>> -> memref<6400xf32, #tpu.memory_space<vmem_shared>>
        tpu.enqueue_dma source(%dma_start3A_35 : memref<6400xf32, #tpu.memory_space<vmem_shared>>) target(%dma_start3A_34 : memref<6400xf32, #tpu.memory_space<hbm>>) target_semaphore(%run_scoped3A_33 : memref<!tpu.dma_semaphore, #tpu.memory_space<semaphore_mem>>)
        %dma_wait3A = tpu.memref_slice %arg4[%run_scoped3A, %mul3A_32] : memref<1x102400xf32, #tpu.memory_space<hbm>> -> memref<1x6400xf32, #tpu.memory_space<hbm>>
        %dma_wait3A_36 = tpu.memref_squeeze %dma_wait3A : memref<1x6400xf32, #tpu.memory_space<hbm>> -> memref<6400xf32, #tpu.memory_space<hbm>>
        %dma_wait3A_37 = tpu.memref_slice %arg8[%mul3A_30] : memref<102400xf32, #tpu.memory_space<vmem_shared>> -> memref<6400xf32, #tpu.memory_space<vmem_shared>>
        tpu.wait_dma2 semaphore(%run_scoped3A_33 : memref<!tpu.dma_semaphore, #tpu.memory_space<semaphore_mem>>) src(%dma_wait3A_37 : memref<6400xf32, #tpu.memory_space<vmem_shared>>) dst(%dma_wait3A_36 : memref<6400xf32, #tpu.memory_space<hbm>>)
        tpu.yield
      }) : () -> ()
    } else {
    }
    return
  }
}

module attributes {stable_mosaic.version = 14 : i64} {
  func.func @_main_body(%arg0: i32, %arg1: memref<8x64xf32, #tpu.memory_space<vmem>>, %arg2: memref<25600x64xf32, #tpu.memory_space<vmem>>, %arg3: memref<1x25600xf32, #tpu.memory_space<vmem>>, %arg4: memref<1x25600xf32, #tpu.memory_space<vmem>>, %arg5: memref<1x25600xf32, #tpu.memory_space<vmem>>, %arg6: memref<16384x64xf32, #tpu.memory_space<vmem>>, %arg7: memref<1x16384xi32, #tpu.memory_space<vmem>>, %arg8: memref<100000x64xf32, #tpu.memory_space<any>>, %arg9: memref<8x2xf32, #tpu.memory_space<vmem>>, %arg10: memref<8x1xf32, #tpu.memory_space<vmem>>, %arg11: memref<16x64xf32, #tpu.memory_space<vmem>>, %arg12: memref<8x2xf32, #tpu.memory_space<vmem>>, %arg13: memref<8x2xi32, #tpu.memory_space<vmem>>, %arg14: memref<8x2xf32, #tpu.memory_space<vmem>>, %arg15: memref<16x64xf32, #tpu.memory_space<vmem>>, %arg16: memref<16x64xf32, #tpu.memory_space<vmem>>, %arg17: memref<!tpu.dma_semaphore, #tpu.memory_space<semaphore_mem>>) attributes {dimension_semantics = [#tpu.dimension_semantics<arbitrary>], iteration_bounds = array<i64: 5>, scalar_prefetch = 0 : i64, scratch_operands = 6 : i64, tpu.core_type = #tpu.core_type<tc>, window_params = [{pipeline_mode = #tpu.pipeline_mode<synchronous>, transform_indices = @transform_0, window_bounds = array<i64: 8, 64>}, {transform_indices = @transform_1, window_bounds = array<i64: 25600, 64>}, {transform_indices = @transform_2, window_bounds = array<i64: 1, 25600>}, {transform_indices = @transform_3, window_bounds = array<i64: 1, 25600>}, {transform_indices = @transform_4, window_bounds = array<i64: 1, 25600>}, {pipeline_mode = #tpu.pipeline_mode<synchronous>, transform_indices = @transform_5, window_bounds = array<i64: 16384, 64>}, {pipeline_mode = #tpu.pipeline_mode<synchronous>, transform_indices = @transform_6, window_bounds = array<i64: 1, 16384>}, {}, {pipeline_mode = #tpu.pipeline_mode<synchronous>, transform_indices = @transform_8, window_bounds = array<i64: 8, 2>}, {pipeline_mode = #tpu.pipeline_mode<synchronous>, transform_indices = @transform_9, window_bounds = array<i64: 8, 1>}, {pipeline_mode = #tpu.pipeline_mode<synchronous>, transform_indices = @transform_10, window_bounds = array<i64: 16, 64>}]} {
    %get3A = arith.constant 0 : index
    %get3A_0 = arith.constant 0 : index
    %get3A_1 = vector.load %arg1[%get3A, %get3A_0] : memref<8x64xf32, #tpu.memory_space<vmem>>, vector<8x64xf32>
    %mul3A = arith.mulf %get3A_1, %get3A_1 : vector<8x64xf32>
    %reduce_sum3A = arith.constant dense<0.000000e+00> : vector<8xf32>
    %reduce_sum3A_2 = vector.multi_reduction <add>, %mul3A, %reduce_sum3A [1] : vector<8x64xf32> to vector<8xf32>
    %broadcast_in_dim3A = vector.shape_cast %reduce_sum3A_2 : vector<8xf32> to vector<8x1xf32>
    %sqrt3A = math.sqrt %broadcast_in_dim3A : vector<8x1xf32>
    %add3A = arith.constant 9.99999993E-9 : f32
    %add3A_3 = vector.broadcast %add3A : f32 to vector<8x1xf32>
    %add3A_4 = arith.addf %sqrt3A, %add3A_3 : vector<8x1xf32>
    %div3A = vector.broadcast %add3A_4 : vector<8x1xf32> to vector<8x64xf32>
    %div3A_5 = arith.divf %get3A_1, %div3A : vector<8x64xf32>
    %eq3A = arith.constant 0 : i32
    %eq3A_6 = arith.cmpi eq, %arg0, %eq3A : i32
    %convert_element_type3A = arith.extui %eq3A_6 : i1 to i32
    %cond3A = arith.constant 0 : i32
    %cond3A_7 = arith.cmpi ne, %convert_element_type3A, %cond3A : i32
    scf.if %cond3A_7 {
      %broadcast_in_dim3A_19 = arith.constant 0xFF800000 : f32
      %broadcast_in_dim3A_20 = vector.broadcast %broadcast_in_dim3A_19 : f32 to vector<8x2xf32>
      %swap3A = arith.constant 0 : index
      %swap3A_21 = arith.constant 0 : index
      %swap3A_22 = vector.load %arg12[%swap3A, %swap3A_21] : memref<8x2xf32, #tpu.memory_space<vmem>>, vector<8x2xf32>
      tpu.vector_store %arg12[%swap3A, %swap3A_21], %broadcast_in_dim3A_20 {strides = array<i32>} : memref<8x2xf32, #tpu.memory_space<vmem>>, vector<8x2xf32>,
      %broadcast_in_dim3A_23 = arith.constant 0 : i32
      %broadcast_in_dim3A_24 = vector.broadcast %broadcast_in_dim3A_23 : i32 to vector<8x2xi32>
      %swap3A_25 = arith.constant 0 : index
      %swap3A_26 = arith.constant 0 : index
      %swap3A_27 = vector.load %arg13[%swap3A_25, %swap3A_26] : memref<8x2xi32, #tpu.memory_space<vmem>>, vector<8x2xi32>
      tpu.vector_store %arg13[%swap3A_25, %swap3A_26], %broadcast_in_dim3A_24 {strides = array<i32>} : memref<8x2xi32, #tpu.memory_space<vmem>>, vector<8x2xi32>,
      %broadcast_in_dim3A_28 = arith.constant 0.000000e+00 : f32
      %broadcast_in_dim3A_29 = vector.broadcast %broadcast_in_dim3A_28 : f32 to vector<8x2xf32>
      %swap3A_30 = arith.constant 0 : index
      %swap3A_31 = arith.constant 0 : index
      %swap3A_32 = vector.load %arg14[%swap3A_30, %swap3A_31] : memref<8x2xf32, #tpu.memory_space<vmem>>, vector<8x2xf32>
      tpu.vector_store %arg14[%swap3A_30, %swap3A_31], %broadcast_in_dim3A_29 {strides = array<i32>} : memref<8x2xf32, #tpu.memory_space<vmem>>, vector<8x2xf32>,
    } else {
    }
    %broadcast_in_dim3A_8 = arith.constant 1.000000e+00 : f32
    %broadcast_in_dim3A_9 = vector.broadcast %broadcast_in_dim3A_8 : f32 to vector<1x64xf32>
    %lt3A = arith.constant 4 : i32
    %lt3A_10 = arith.cmpi slt, %arg0, %lt3A : i32
    %convert_element_type3A_11 = arith.extui %lt3A_10 : i1 to i32
    %cond3A_12 = arith.constant 0 : i32
    %cond3A_13 = arith.cmpi ne, %convert_element_type3A_11, %cond3A_12 : i32
    scf.if %cond3A_13 {
      %get3A_19 = arith.constant 0 : index
      %get3A_20 = arith.constant 0 : index
      %get3A_21 = vector.load %arg2[%get3A_19, %get3A_20] : memref<25600x64xf32, #tpu.memory_space<vmem>>, vector<25600x64xf32>
      %mul3A_22 = arith.mulf %get3A_21, %get3A_21 : vector<25600x64xf32>
      %dot_general3A = arith.constant dense<0.000000e+00> : vector<25600x1xf32>
      %dot_general3A_23 = tpu.matmul %mul3A_22, %broadcast_in_dim3A_9, %dot_general3A {dimension_numbers = #tpu.dot_dimension_numbers<[1], [1], [0], [0], [0, 0, 1, 0], [], []>, transpose_lhs_hint = false} : vector<25600x64xf32>, vector<1x64xf32>, vector<25600x1xf32> -> vector<25600x1xf32>
      %reshape3A = vector.shape_cast %dot_general3A_23 : vector<25600x1xf32> to vector<200x128xf32>
      %sqrt3A_24 = math.sqrt %reshape3A : vector<200x128xf32>
      %add3A_25 = arith.constant 9.99999993E-9 : f32
      %add3A_26 = vector.broadcast %add3A_25 : f32 to vector<200x128xf32>
      %add3A_27 = arith.addf %sqrt3A_24, %add3A_26 : vector<200x128xf32>
      %div3A_28 = arith.constant 1.000000e+00 : f32
      %div3A_29 = vector.broadcast %div3A_28 : f32 to vector<200x128xf32>
      %div3A_30 = arith.divf %div3A_29, %add3A_27 : vector<200x128xf32>
      %reshape3A_31 = vector.shape_cast %div3A_30 : vector<200x128xf32> to vector<25600x1xf32>
      %mul3A_32 = vector.broadcast %reshape3A_31 : vector<25600x1xf32> to vector<25600x64xf32>
      %mul3A_33 = arith.mulf %get3A_21, %mul3A_32 : vector<25600x64xf32>
      %dot_general3A_34 = arith.constant dense<0.000000e+00> : vector<8x25600xf32>
      %dot_general3A_35 = tpu.matmul %div3A_5, %mul3A_33, %dot_general3A_34 {dimension_numbers = #tpu.dot_dimension_numbers<[1], [1], [0], [0], [0, 0, 1, 0], [], []>, transpose_lhs_hint = false} : vector<8x64xf32>, vector<25600x64xf32>, vector<8x25600xf32> -> vector<8x25600xf32>
      %iota3A = tpu.iota {dimensions = array<i32: 1>} : vector<8x25600xi32>
      %mul3A_36 = arith.constant 25600 : i32
      %mul3A_37 = arith.muli %arg0, %mul3A_36 : i32
      %add3A_38 = vector.broadcast %mul3A_37 : i32 to vector<8x25600xi32>
      %add3A_39 = arith.addi %iota3A, %add3A_38 : vector<8x25600xi32>
      %get3A_40 = arith.constant 0 : index
      %get3A_41 = arith.constant 0 : index
      %get3A_42 = vector.load %arg3[%get3A_40, %get3A_41] : memref<1x25600xf32, #tpu.memory_space<vmem>>, vector<1x25600xf32>
      %get3A_43 = arith.constant 0 : index
      %get3A_44 = arith.constant 0 : index
      %get3A_45 = vector.load %arg4[%get3A_43, %get3A_44] : memref<1x25600xf32, #tpu.memory_space<vmem>>, vector<1x25600xf32>
      %add3A_46 = arith.addf %get3A_42, %get3A_45 : vector<1x25600xf32>
      %eq3A_47 = arith.constant 0.000000e+00 : f32
      %eq3A_48 = vector.broadcast %eq3A_47 : f32 to vector<1x25600xf32>
      %eq3A_49 = arith.cmpf oeq, %add3A_46, %eq3A_48 : vector<1x25600xf32>
      %lt3A_50 = arith.constant 100000 : i32
      %lt3A_51 = vector.broadcast %lt3A_50 : i32 to vector<8x25600xi32>
      %lt3A_52 = arith.cmpi slt, %add3A_39, %lt3A_51 : vector<8x25600xi32>
      %and3A = vector.broadcast %eq3A_49 : vector<1x25600xi1> to vector<8x25600xi1>
      %and3A_53 = arith.andi %and3A, %lt3A_52 : vector<8x25600xi1>
      %jit3A = arith.constant 0xFF800000 : f32
      %broadcast_in_dim3A_54 = vector.broadcast %jit3A : f32 to vector<8x25600xf32>
      %select_n3A = arith.select %and3A_53, %dot_general3A_35, %broadcast_in_dim3A_54 : vector<8x25600xi1>, vector<8x25600xf32>
      %get3A_55 = arith.constant 0 : index
      %get3A_56 = arith.constant 0 : index
      %get3A_57 = vector.load %arg5[%get3A_55, %get3A_56] : memref<1x25600xf32, #tpu.memory_space<vmem>>, vector<1x25600xf32>
      %broadcast_in_dim3A_58 = vector.shape_cast %get3A_57 : vector<1x25600xf32> to vector<1x25600xf32>
      %broadcast_in_dim3A_59 = vector.broadcast %broadcast_in_dim3A_58 : vector<1x25600xf32> to vector<8x25600xf32>
      %reduce_max3A = arith.constant dense<0xFF800000> : vector<8xf32>
      %reduce_max3A_60 = vector.multi_reduction <maximumf>, %select_n3A, %reduce_max3A [1] : vector<8x25600xf32> to vector<8xf32>
      %broadcast_in_dim3A_61 = vector.shape_cast %reduce_max3A_60 : vector<8xf32> to vector<8x1xf32>
      %eq3A_62 = vector.broadcast %broadcast_in_dim3A_61 : vector<8x1xf32> to vector<8x25600xf32>
      %eq3A_63 = arith.cmpf oeq, %select_n3A, %eq3A_62 : vector<8x25600xf32>
      %jit3A_64 = arith.constant 2147483647 : i32
      %broadcast_in_dim3A_65 = vector.broadcast %jit3A_64 : i32 to vector<8x25600xi32>
      %select_n3A_66 = arith.select %eq3A_63, %iota3A, %broadcast_in_dim3A_65 : vector<8x25600xi1>, vector<8x25600xi32>
      %reduce_min3A = arith.constant dense<2147483647> : vector<8xi32>
      %reduce_min3A_67 = vector.multi_reduction <minsi>, %select_n3A_66, %reduce_min3A [1] : vector<8x25600xi32> to vector<8xi32>
      %broadcast_in_dim3A_68 = vector.shape_cast %reduce_min3A_67 : vector<8xi32> to vector<8x1xi32>
      %eq3A_69 = vector.broadcast %broadcast_in_dim3A_68 : vector<8x1xi32> to vector<8x25600xi32>
      %eq3A_70 = arith.cmpi eq, %iota3A, %eq3A_69 : vector<8x25600xi32>
      %jit3A_71 = arith.constant 0 : i32
      %broadcast_in_dim3A_72 = vector.broadcast %jit3A_71 : i32 to vector<8x25600xi32>
      %select_n3A_73 = arith.select %eq3A_70, %add3A_39, %broadcast_in_dim3A_72 : vector<8x25600xi1>, vector<8x25600xi32>
      %reduce_sum3A_74 = arith.constant dense<0> : vector<8xi32>
      %reduce_sum3A_75 = vector.multi_reduction <add>, %select_n3A_73, %reduce_sum3A_74 [1] : vector<8x25600xi32> to vector<8xi32>
      %broadcast_in_dim3A_76 = vector.shape_cast %reduce_sum3A_75 : vector<8xi32> to vector<8x1xi32>
      %jit3A_77 = arith.constant 0 : i32
      %convert_element_type3A_78 = arith.sitofp %jit3A_77 : i32 to f32
      %broadcast_in_dim3A_79 = vector.broadcast %convert_element_type3A_78 : f32 to vector<8x25600xf32>
      %select_n3A_80 = arith.select %eq3A_70, %broadcast_in_dim3A_59, %broadcast_in_dim3A_79 : vector<8x25600xi1>, vector<8x25600xf32>
      %reduce_sum3A_81 = arith.constant dense<0.000000e+00> : vector<8xf32>
      %reduce_sum3A_82 = vector.multi_reduction <add>, %select_n3A_80, %reduce_sum3A_81 [1] : vector<8x25600xf32> to vector<8xf32>
      %broadcast_in_dim3A_83 = vector.shape_cast %reduce_sum3A_82 : vector<8xf32> to vector<8x1xf32>
      %jit3A_84 = arith.constant 0xFF800000 : f32
      %broadcast_in_dim3A_85 = vector.broadcast %jit3A_84 : f32 to vector<8x25600xf32>
      %select_n3A_86 = arith.select %eq3A_70, %broadcast_in_dim3A_85, %select_n3A : vector<8x25600xi1>, vector<8x25600xf32>
      %reduce_max3A_87 = arith.constant dense<0xFF800000> : vector<8xf32>
      %reduce_max3A_88 = vector.multi_reduction <maximumf>, %select_n3A_86, %reduce_max3A_87 [1] : vector<8x25600xf32> to vector<8xf32>
      %broadcast_in_dim3A_89 = vector.shape_cast %reduce_max3A_88 : vector<8xf32> to vector<8x1xf32>
      %eq3A_90 = vector.broadcast %broadcast_in_dim3A_89 : vector<8x1xf32> to vector<8x25600xf32>
      %eq3A_91 = arith.cmpf oeq, %select_n3A_86, %eq3A_90 : vector<8x25600xf32>
      %jit3A_92 = arith.constant 2147483647 : i32
      %broadcast_in_dim3A_93 = vector.broadcast %jit3A_92 : i32 to vector<8x25600xi32>
      %select_n3A_94 = arith.select %eq3A_91, %iota3A, %broadcast_in_dim3A_93 : vector<8x25600xi1>, vector<8x25600xi32>
      %reduce_min3A_95 = arith.constant dense<2147483647> : vector<8xi32>
      %reduce_min3A_96 = vector.multi_reduction <minsi>, %select_n3A_94, %reduce_min3A_95 [1] : vector<8x25600xi32> to vector<8xi32>
      %broadcast_in_dim3A_97 = vector.shape_cast %reduce_min3A_96 : vector<8xi32> to vector<8x1xi32>
      %eq3A_98 = vector.broadcast %broadcast_in_dim3A_97 : vector<8x1xi32> to vector<8x25600xi32>
      %eq3A_99 = arith.cmpi eq, %iota3A, %eq3A_98 : vector<8x25600xi32>
      %jit3A_100 = arith.constant 0 : i32
      %broadcast_in_dim3A_101 = vector.broadcast %jit3A_100 : i32 to vector<8x25600xi32>
      %select_n3A_102 = arith.select %eq3A_99, %add3A_39, %broadcast_in_dim3A_101 : vector<8x25600xi1>, vector<8x25600xi32>
      %reduce_sum3A_103 = arith.constant dense<0> : vector<8xi32>
      %reduce_sum3A_104 = vector.multi_reduction <add>, %select_n3A_102, %reduce_sum3A_103 [1] : vector<8x25600xi32> to vector<8xi32>
      %broadcast_in_dim3A_105 = vector.shape_cast %reduce_sum3A_104 : vector<8xi32> to vector<8x1xi32>
      %jit3A_106 = arith.constant 0 : i32
      %convert_element_type3A_107 = arith.sitofp %jit3A_106 : i32 to f32
      %broadcast_in_dim3A_108 = vector.broadcast %convert_element_type3A_107 : f32 to vector<8x25600xf32>
      %select_n3A_109 = arith.select %eq3A_99, %broadcast_in_dim3A_59, %broadcast_in_dim3A_108 : vector<8x25600xi1>, vector<8x25600xf32>
      %reduce_sum3A_110 = arith.constant dense<0.000000e+00> : vector<8xf32>
      %reduce_sum3A_111 = vector.multi_reduction <add>, %select_n3A_109, %reduce_sum3A_110 [1] : vector<8x25600xf32> to vector<8xf32>
      %broadcast_in_dim3A_112 = vector.shape_cast %reduce_sum3A_111 : vector<8xf32> to vector<8x1xf32>
      %concatenate3A = tpu.concatenate %broadcast_in_dim3A_61, %broadcast_in_dim3A_89 in 1 : vector<8x1xf32>, vector<8x1xf32> -> vector<8x2xf32>
      %concatenate3A_113 = tpu.concatenate %broadcast_in_dim3A_76, %broadcast_in_dim3A_105 in 1 : vector<8x1xi32>, vector<8x1xi32> -> vector<8x2xi32>
      %concatenate3A_114 = tpu.concatenate %broadcast_in_dim3A_83, %broadcast_in_dim3A_112 in 1 : vector<8x1xf32>, vector<8x1xf32> -> vector<8x2xf32>
      %get3A_115 = arith.constant 0 : index
      %get3A_116 = arith.constant 0 : index
      %get3A_117 = vector.load %arg12[%get3A_115, %get3A_116] : memref<8x2xf32, #tpu.memory_space<vmem>>, vector<8x2xf32>
      %concatenate3A_118 = tpu.concatenate %get3A_117, %concatenate3A in 1 : vector<8x2xf32>, vector<8x2xf32> -> vector<8x4xf32>
      %get3A_119 = arith.constant 0 : index
      %get3A_120 = arith.constant 0 : index
      %get3A_121 = vector.load %arg13[%get3A_119, %get3A_120] : memref<8x2xi32, #tpu.memory_space<vmem>>, vector<8x2xi32>
      %concatenate3A_122 = tpu.concatenate %get3A_121, %concatenate3A_113 in 1 : vector<8x2xi32>, vector<8x2xi32> -> vector<8x4xi32>
      %get3A_123 = arith.constant 0 : index
      %get3A_124 = arith.constant 0 : index
      %get3A_125 = vector.load %arg14[%get3A_123, %get3A_124] : memref<8x2xf32, #tpu.memory_space<vmem>>, vector<8x2xf32>
      %concatenate3A_126 = tpu.concatenate %get3A_125, %concatenate3A_114 in 1 : vector<8x2xf32>, vector<8x2xf32> -> vector<8x4xf32>
      %iota3A_127 = tpu.iota {dimensions = array<i32: 1>} : vector<8x4xi32>
      %reduce_max3A_128 = arith.constant dense<0xFF800000> : vector<8xf32>
      %reduce_max3A_129 = vector.multi_reduction <maximumf>, %concatenate3A_118, %reduce_max3A_128 [1] : vector<8x4xf32> to vector<8xf32>
      %broadcast_in_dim3A_130 = vector.shape_cast %reduce_max3A_129 : vector<8xf32> to vector<8x1xf32>
      %eq3A_131 = vector.broadcast %broadcast_in_dim3A_130 : vector<8x1xf32> to vector<8x4xf32>
      %eq3A_132 = arith.cmpf oeq, %concatenate3A_118, %eq3A_131 : vector<8x4xf32>
      %jit3A_133 = arith.constant 2147483647 : i32
      %broadcast_in_dim3A_134 = vector.broadcast %jit3A_133 : i32 to vector<8x4xi32>
      %select_n3A_135 = arith.select %eq3A_132, %iota3A_127, %broadcast_in_dim3A_134 : vector<8x4xi1>, vector<8x4xi32>
      %reduce_min3A_136 = arith.constant dense<2147483647> : vector<8xi32>
      %reduce_min3A_137 = vector.multi_reduction <minsi>, %select_n3A_135, %reduce_min3A_136 [1] : vector<8x4xi32> to vector<8xi32>
      %broadcast_in_dim3A_138 = vector.shape_cast %reduce_min3A_137 : vector<8xi32> to vector<8x1xi32>
      %eq3A_139 = vector.broadcast %broadcast_in_dim3A_138 : vector<8x1xi32> to vector<8x4xi32>
      %eq3A_140 = arith.cmpi eq, %iota3A_127, %eq3A_139 : vector<8x4xi32>
      %jit3A_141 = arith.constant 0 : i32
      %broadcast_in_dim3A_142 = vector.broadcast %jit3A_141 : i32 to vector<8x4xi32>
      %select_n3A_143 = arith.select %eq3A_140, %concatenate3A_122, %broadcast_in_dim3A_142 : vector<8x4xi1>, vector<8x4xi32>
      %reduce_sum3A_144 = arith.constant dense<0> : vector<8xi32>
      %reduce_sum3A_145 = vector.multi_reduction <add>, %select_n3A_143, %reduce_sum3A_144 [1] : vector<8x4xi32> to vector<8xi32>
      %broadcast_in_dim3A_146 = vector.shape_cast %reduce_sum3A_145 : vector<8xi32> to vector<8x1xi32>
      %jit3A_147 = arith.constant 0 : i32
      %convert_element_type3A_148 = arith.sitofp %jit3A_147 : i32 to f32
      %broadcast_in_dim3A_149 = vector.broadcast %convert_element_type3A_148 : f32 to vector<8x4xf32>
      %select_n3A_150 = arith.select %eq3A_140, %concatenate3A_126, %broadcast_in_dim3A_149 : vector<8x4xi1>, vector<8x4xf32>
      %reduce_sum3A_151 = arith.constant dense<0.000000e+00> : vector<8xf32>
      %reduce_sum3A_152 = vector.multi_reduction <add>, %select_n3A_150, %reduce_sum3A_151 [1] : vector<8x4xf32> to vector<8xf32>
      %broadcast_in_dim3A_153 = vector.shape_cast %reduce_sum3A_152 : vector<8xf32> to vector<8x1xf32>
      %jit3A_154 = arith.constant 0xFF800000 : f32
      %broadcast_in_dim3A_155 = vector.broadcast %jit3A_154 : f32 to vector<8x4xf32>
      %select_n3A_156 = arith.select %eq3A_140, %broadcast_in_dim3A_155, %concatenate3A_118 : vector<8x4xi1>, vector<8x4xf32>
      %reduce_max3A_157 = arith.constant dense<0xFF800000> : vector<8xf32>
      %reduce_max3A_158 = vector.multi_reduction <maximumf>, %select_n3A_156, %reduce_max3A_157 [1] : vector<8x4xf32> to vector<8xf32>
      %broadcast_in_dim3A_159 = vector.shape_cast %reduce_max3A_158 : vector<8xf32> to vector<8x1xf32>
      %eq3A_160 = vector.broadcast %broadcast_in_dim3A_159 : vector<8x1xf32> to vector<8x4xf32>
      %eq3A_161 = arith.cmpf oeq, %select_n3A_156, %eq3A_160 : vector<8x4xf32>
      %jit3A_162 = arith.constant 2147483647 : i32
      %broadcast_in_dim3A_163 = vector.broadcast %jit3A_162 : i32 to vector<8x4xi32>
      %select_n3A_164 = arith.select %eq3A_161, %iota3A_127, %broadcast_in_dim3A_163 : vector<8x4xi1>, vector<8x4xi32>
      %reduce_min3A_165 = arith.constant dense<2147483647> : vector<8xi32>
      %reduce_min3A_166 = vector.multi_reduction <minsi>, %select_n3A_164, %reduce_min3A_165 [1] : vector<8x4xi32> to vector<8xi32>
      %broadcast_in_dim3A_167 = vector.shape_cast %reduce_min3A_166 : vector<8xi32> to vector<8x1xi32>
      %eq3A_168 = vector.broadcast %broadcast_in_dim3A_167 : vector<8x1xi32> to vector<8x4xi32>
      %eq3A_169 = arith.cmpi eq, %iota3A_127, %eq3A_168 : vector<8x4xi32>
      %jit3A_170 = arith.constant 0 : i32
      %broadcast_in_dim3A_171 = vector.broadcast %jit3A_170 : i32 to vector<8x4xi32>
      %select_n3A_172 = arith.select %eq3A_169, %concatenate3A_122, %broadcast_in_dim3A_171 : vector<8x4xi1>, vector<8x4xi32>
      %reduce_sum3A_173 = arith.constant dense<0> : vector<8xi32>
      %reduce_sum3A_174 = vector.multi_reduction <add>, %select_n3A_172, %reduce_sum3A_173 [1] : vector<8x4xi32> to vector<8xi32>
      %broadcast_in_dim3A_175 = vector.shape_cast %reduce_sum3A_174 : vector<8xi32> to vector<8x1xi32>
      %jit3A_176 = arith.constant 0 : i32
      %convert_element_type3A_177 = arith.sitofp %jit3A_176 : i32 to f32
      %broadcast_in_dim3A_178 = vector.broadcast %convert_element_type3A_177 : f32 to vector<8x4xf32>
      %select_n3A_179 = arith.select %eq3A_169, %concatenate3A_126, %broadcast_in_dim3A_178 : vector<8x4xi1>, vector<8x4xf32>
      %reduce_sum3A_180 = arith.constant dense<0.000000e+00> : vector<8xf32>
      %reduce_sum3A_181 = vector.multi_reduction <add>, %select_n3A_179, %reduce_sum3A_180 [1] : vector<8x4xf32> to vector<8xf32>
      %broadcast_in_dim3A_182 = vector.shape_cast %reduce_sum3A_181 : vector<8xf32> to vector<8x1xf32>
      %concatenate3A_183 = tpu.concatenate %broadcast_in_dim3A_130, %broadcast_in_dim3A_159 in 1 : vector<8x1xf32>, vector<8x1xf32> -> vector<8x2xf32>
      %concatenate3A_184 = tpu.concatenate %broadcast_in_dim3A_146, %broadcast_in_dim3A_175 in 1 : vector<8x1xi32>, vector<8x1xi32> -> vector<8x2xi32>
      %concatenate3A_185 = tpu.concatenate %broadcast_in_dim3A_153, %broadcast_in_dim3A_182 in 1 : vector<8x1xf32>, vector<8x1xf32> -> vector<8x2xf32>
      %swap3A = arith.constant 0 : index
      %swap3A_186 = arith.constant 0 : index
      %swap3A_187 = vector.load %arg12[%swap3A, %swap3A_186] : memref<8x2xf32, #tpu.memory_space<vmem>>, vector<8x2xf32>
      tpu.vector_store %arg12[%swap3A, %swap3A_186], %concatenate3A_183 {strides = array<i32>} : memref<8x2xf32, #tpu.memory_space<vmem>>, vector<8x2xf32>,
      %swap3A_188 = arith.constant 0 : index
      %swap3A_189 = arith.constant 0 : index
      %swap3A_190 = vector.load %arg13[%swap3A_188, %swap3A_189] : memref<8x2xi32, #tpu.memory_space<vmem>>, vector<8x2xi32>
      tpu.vector_store %arg13[%swap3A_188, %swap3A_189], %concatenate3A_184 {strides = array<i32>} : memref<8x2xi32, #tpu.memory_space<vmem>>, vector<8x2xi32>,
      %swap3A_191 = arith.constant 0 : index
      %swap3A_192 = arith.constant 0 : index
      %swap3A_193 = vector.load %arg14[%swap3A_191, %swap3A_192] : memref<8x2xf32, #tpu.memory_space<vmem>>, vector<8x2xf32>
      tpu.vector_store %arg14[%swap3A_191, %swap3A_192], %concatenate3A_185 {strides = array<i32>} : memref<8x2xf32, #tpu.memory_space<vmem>>, vector<8x2xf32>,
    } else {
    }
    %eq3A_14 = arith.constant 4 : i32
    %eq3A_15 = arith.cmpi eq, %arg0, %eq3A_14 : i32
    %convert_element_type3A_16 = arith.extui %eq3A_15 : i1 to i32
    %cond3A_17 = arith.constant 0 : i32
    %cond3A_18 = arith.cmpi ne, %convert_element_type3A_16, %cond3A_17 : i32
    scf.if %cond3A_18 {
      %get3A_19 = arith.constant 0 : index
      %get3A_20 = arith.constant 0 : index
      %get3A_21 = vector.load %arg6[%get3A_19, %get3A_20] : memref<16384x64xf32, #tpu.memory_space<vmem>>, vector<16384x64xf32>
      %mul3A_22 = arith.mulf %get3A_21, %get3A_21 : vector<16384x64xf32>
      %dot_general3A = arith.constant dense<0.000000e+00> : vector<16384x1xf32>
      %dot_general3A_23 = tpu.matmul %mul3A_22, %broadcast_in_dim3A_9, %dot_general3A {dimension_numbers = #tpu.dot_dimension_numbers<[1], [1], [0], [0], [0, 0, 1, 0], [], []>, transpose_lhs_hint = false} : vector<16384x64xf32>, vector<1x64xf32>, vector<16384x1xf32> -> vector<16384x1xf32>
      %reshape3A = vector.shape_cast %dot_general3A_23 : vector<16384x1xf32> to vector<128x128xf32>
      %sqrt3A_24 = math.sqrt %reshape3A : vector<128x128xf32>
      %add3A_25 = arith.constant 9.99999993E-9 : f32
      %add3A_26 = vector.broadcast %add3A_25 : f32 to vector<128x128xf32>
      %add3A_27 = arith.addf %sqrt3A_24, %add3A_26 : vector<128x128xf32>
      %div3A_28 = arith.constant 1.000000e+00 : f32
      %div3A_29 = vector.broadcast %div3A_28 : f32 to vector<128x128xf32>
      %div3A_30 = arith.divf %div3A_29, %add3A_27 : vector<128x128xf32>
      %reshape3A_31 = vector.shape_cast %div3A_30 : vector<128x128xf32> to vector<16384x1xf32>
      %mul3A_32 = vector.broadcast %reshape3A_31 : vector<16384x1xf32> to vector<16384x64xf32>
      %mul3A_33 = arith.mulf %get3A_21, %mul3A_32 : vector<16384x64xf32>
      %dot_general3A_34 = arith.constant dense<0.000000e+00> : vector<8x16384xf32>
      %dot_general3A_35 = tpu.matmul %div3A_5, %mul3A_33, %dot_general3A_34 {dimension_numbers = #tpu.dot_dimension_numbers<[1], [1], [0], [0], [0, 0, 1, 0], [], []>, transpose_lhs_hint = false} : vector<8x64xf32>, vector<16384x64xf32>, vector<8x16384xf32> -> vector<8x16384xf32>
      %iota3A = tpu.iota {dimensions = array<i32: 1>} : vector<8x16384xi32>
      %get3A_36 = arith.constant 0 : index
      %get3A_37 = arith.constant 0 : index
      %get3A_38 = vector.load %arg7[%get3A_36, %get3A_37] : memref<1x16384xi32, #tpu.memory_space<vmem>>, vector<1x16384xi32>
      %broadcast_in_dim3A_39 = vector.shape_cast %get3A_38 : vector<1x16384xi32> to vector<1x16384xi32>
      %broadcast_in_dim3A_40 = vector.broadcast %broadcast_in_dim3A_39 : vector<1x16384xi32> to vector<8x16384xi32>
      %reduce_max3A = arith.constant dense<0xFF800000> : vector<8xf32>
      %reduce_max3A_41 = vector.multi_reduction <maximumf>, %dot_general3A_35, %reduce_max3A [1] : vector<8x16384xf32> to vector<8xf32>
      %broadcast_in_dim3A_42 = vector.shape_cast %reduce_max3A_41 : vector<8xf32> to vector<8x1xf32>
      %eq3A_43 = vector.broadcast %broadcast_in_dim3A_42 : vector<8x1xf32> to vector<8x16384xf32>
      %eq3A_44 = arith.cmpf oeq, %dot_general3A_35, %eq3A_43 : vector<8x16384xf32>
      %jit3A = arith.constant 2147483647 : i32
      %broadcast_in_dim3A_45 = vector.broadcast %jit3A : i32 to vector<8x16384xi32>
      %select_n3A = arith.select %eq3A_44, %iota3A, %broadcast_in_dim3A_45 : vector<8x16384xi1>, vector<8x16384xi32>
      %reduce_min3A = arith.constant dense<2147483647> : vector<8xi32>
      %reduce_min3A_46 = vector.multi_reduction <minsi>, %select_n3A, %reduce_min3A [1] : vector<8x16384xi32> to vector<8xi32>
      %broadcast_in_dim3A_47 = vector.shape_cast %reduce_min3A_46 : vector<8xi32> to vector<8x1xi32>
      %eq3A_48 = vector.broadcast %broadcast_in_dim3A_47 : vector<8x1xi32> to vector<8x16384xi32>
      %eq3A_49 = arith.cmpi eq, %iota3A, %eq3A_48 : vector<8x16384xi32>
      %jit3A_50 = arith.constant 0 : i32
      %broadcast_in_dim3A_51 = vector.broadcast %jit3A_50 : i32 to vector<8x16384xi32>
      %select_n3A_52 = arith.select %eq3A_49, %iota3A, %broadcast_in_dim3A_51 : vector<8x16384xi1>, vector<8x16384xi32>
      %reduce_sum3A_53 = arith.constant dense<0> : vector<8xi32>
      %reduce_sum3A_54 = vector.multi_reduction <add>, %select_n3A_52, %reduce_sum3A_53 [1] : vector<8x16384xi32> to vector<8xi32>
      %broadcast_in_dim3A_55 = vector.shape_cast %reduce_sum3A_54 : vector<8xi32> to vector<8x1xi32>
      %jit3A_56 = arith.constant 0xFF800000 : f32
      %broadcast_in_dim3A_57 = vector.broadcast %jit3A_56 : f32 to vector<8x16384xf32>
      %select_n3A_58 = arith.select %eq3A_49, %broadcast_in_dim3A_57, %dot_general3A_35 : vector<8x16384xi1>, vector<8x16384xf32>
      %reduce_max3A_59 = arith.constant dense<0xFF800000> : vector<8xf32>
      %reduce_max3A_60 = vector.multi_reduction <maximumf>, %select_n3A_58, %reduce_max3A_59 [1] : vector<8x16384xf32> to vector<8xf32>
      %broadcast_in_dim3A_61 = vector.shape_cast %reduce_max3A_60 : vector<8xf32> to vector<8x1xf32>
      %eq3A_62 = vector.broadcast %broadcast_in_dim3A_61 : vector<8x1xf32> to vector<8x16384xf32>
      %eq3A_63 = arith.cmpf oeq, %select_n3A_58, %eq3A_62 : vector<8x16384xf32>
      %jit3A_64 = arith.constant 2147483647 : i32
      %broadcast_in_dim3A_65 = vector.broadcast %jit3A_64 : i32 to vector<8x16384xi32>
      %select_n3A_66 = arith.select %eq3A_63, %iota3A, %broadcast_in_dim3A_65 : vector<8x16384xi1>, vector<8x16384xi32>
      %reduce_min3A_67 = arith.constant dense<2147483647> : vector<8xi32>
      %reduce_min3A_68 = vector.multi_reduction <minsi>, %select_n3A_66, %reduce_min3A_67 [1] : vector<8x16384xi32> to vector<8xi32>
      %broadcast_in_dim3A_69 = vector.shape_cast %reduce_min3A_68 : vector<8xi32> to vector<8x1xi32>
      %eq3A_70 = vector.broadcast %broadcast_in_dim3A_69 : vector<8x1xi32> to vector<8x16384xi32>
      %eq3A_71 = arith.cmpi eq, %iota3A, %eq3A_70 : vector<8x16384xi32>
      %jit3A_72 = arith.constant 0 : i32
      %broadcast_in_dim3A_73 = vector.broadcast %jit3A_72 : i32 to vector<8x16384xi32>
      %select_n3A_74 = arith.select %eq3A_71, %iota3A, %broadcast_in_dim3A_73 : vector<8x16384xi1>, vector<8x16384xi32>
      %reduce_sum3A_75 = arith.constant dense<0> : vector<8xi32>
      %reduce_sum3A_76 = vector.multi_reduction <add>, %select_n3A_74, %reduce_sum3A_75 [1] : vector<8x16384xi32> to vector<8xi32>
      %broadcast_in_dim3A_77 = vector.shape_cast %reduce_sum3A_76 : vector<8xi32> to vector<8x1xi32>
      %jit3A_78 = arith.constant 0xFF800000 : f32
      %broadcast_in_dim3A_79 = vector.broadcast %jit3A_78 : f32 to vector<8x16384xf32>
      %select_n3A_80 = arith.select %eq3A_71, %broadcast_in_dim3A_79, %select_n3A_58 : vector<8x16384xi1>, vector<8x16384xf32>
      %reduce_max3A_81 = arith.constant dense<0xFF800000> : vector<8xf32>
      %reduce_max3A_82 = vector.multi_reduction <maximumf>, %select_n3A_80, %reduce_max3A_81 [1] : vector<8x16384xf32> to vector<8xf32>
      %broadcast_in_dim3A_83 = vector.shape_cast %reduce_max3A_82 : vector<8xf32> to vector<8x1xf32>
      %eq3A_84 = vector.broadcast %broadcast_in_dim3A_83 : vector<8x1xf32> to vector<8x16384xf32>
      %eq3A_85 = arith.cmpf oeq, %select_n3A_80, %eq3A_84 : vector<8x16384xf32>
      %jit3A_86 = arith.constant 2147483647 : i32
      %broadcast_in_dim3A_87 = vector.broadcast %jit3A_86 : i32 to vector<8x16384xi32>
      %select_n3A_88 = arith.select %eq3A_85, %iota3A, %broadcast_in_dim3A_87 : vector<8x16384xi1>, vector<8x16384xi32>
      %reduce_min3A_89 = arith.constant dense<2147483647> : vector<8xi32>
      %reduce_min3A_90 = vector.multi_reduction <minsi>, %select_n3A_88, %reduce_min3A_89 [1] : vector<8x16384xi32> to vector<8xi32>
      %broadcast_in_dim3A_91 = vector.shape_cast %reduce_min3A_90 : vector<8xi32> to vector<8x1xi32>
      %eq3A_92 = vector.broadcast %broadcast_in_dim3A_91 : vector<8x1xi32> to vector<8x16384xi32>
      %eq3A_93 = arith.cmpi eq, %iota3A, %eq3A_92 : vector<8x16384xi32>
      %jit3A_94 = arith.constant 0 : i32
      %broadcast_in_dim3A_95 = vector.broadcast %jit3A_94 : i32 to vector<8x16384xi32>
      %select_n3A_96 = arith.select %eq3A_93, %iota3A, %broadcast_in_dim3A_95 : vector<8x16384xi1>, vector<8x16384xi32>
      %reduce_sum3A_97 = arith.constant dense<0> : vector<8xi32>
      %reduce_sum3A_98 = vector.multi_reduction <add>, %select_n3A_96, %reduce_sum3A_97 [1] : vector<8x16384xi32> to vector<8xi32>
      %broadcast_in_dim3A_99 = vector.shape_cast %reduce_sum3A_98 : vector<8xi32> to vector<8x1xi32>
      %jit3A_100 = arith.constant 0xFF800000 : f32
      %broadcast_in_dim3A_101 = vector.broadcast %jit3A_100 : f32 to vector<8x16384xf32>
      %select_n3A_102 = arith.select %eq3A_93, %broadcast_in_dim3A_101, %select_n3A_80 : vector<8x16384xi1>, vector<8x16384xf32>
      %reduce_max3A_103 = arith.constant dense<0xFF800000> : vector<8xf32>
      %reduce_max3A_104 = vector.multi_reduction <maximumf>, %select_n3A_102, %reduce_max3A_103 [1] : vector<8x16384xf32> to vector<8xf32>
      %broadcast_in_dim3A_105 = vector.shape_cast %reduce_max3A_104 : vector<8xf32> to vector<8x1xf32>
      %eq3A_106 = vector.broadcast %broadcast_in_dim3A_105 : vector<8x1xf32> to vector<8x16384xf32>
      %eq3A_107 = arith.cmpf oeq, %select_n3A_102, %eq3A_106 : vector<8x16384xf32>
      %jit3A_108 = arith.constant 2147483647 : i32
      %broadcast_in_dim3A_109 = vector.broadcast %jit3A_108 : i32 to vector<8x16384xi32>
      %select_n3A_110 = arith.select %eq3A_107, %iota3A, %broadcast_in_dim3A_109 : vector<8x16384xi1>, vector<8x16384xi32>
      %reduce_min3A_111 = arith.constant dense<2147483647> : vector<8xi32>
      %reduce_min3A_112 = vector.multi_reduction <minsi>, %select_n3A_110, %reduce_min3A_111 [1] : vector<8x16384xi32> to vector<8xi32>
      %broadcast_in_dim3A_113 = vector.shape_cast %reduce_min3A_112 : vector<8xi32> to vector<8x1xi32>
      %eq3A_114 = vector.broadcast %broadcast_in_dim3A_113 : vector<8x1xi32> to vector<8x16384xi32>
      %eq3A_115 = arith.cmpi eq, %iota3A, %eq3A_114 : vector<8x16384xi32>
      %jit3A_116 = arith.constant 0 : i32
      %broadcast_in_dim3A_117 = vector.broadcast %jit3A_116 : i32 to vector<8x16384xi32>
      %select_n3A_118 = arith.select %eq3A_115, %iota3A, %broadcast_in_dim3A_117 : vector<8x16384xi1>, vector<8x16384xi32>
      %reduce_sum3A_119 = arith.constant dense<0> : vector<8xi32>
      %reduce_sum3A_120 = vector.multi_reduction <add>, %select_n3A_118, %reduce_sum3A_119 [1] : vector<8x16384xi32> to vector<8xi32>
      %broadcast_in_dim3A_121 = vector.shape_cast %reduce_sum3A_120 : vector<8xi32> to vector<8x1xi32>
      %jit3A_122 = arith.constant 0xFF800000 : f32
      %broadcast_in_dim3A_123 = vector.broadcast %jit3A_122 : f32 to vector<8x16384xf32>
      %select_n3A_124 = arith.select %eq3A_115, %broadcast_in_dim3A_123, %select_n3A_102 : vector<8x16384xi1>, vector<8x16384xf32>
      %reduce_max3A_125 = arith.constant dense<0xFF800000> : vector<8xf32>
      %reduce_max3A_126 = vector.multi_reduction <maximumf>, %select_n3A_124, %reduce_max3A_125 [1] : vector<8x16384xf32> to vector<8xf32>
      %broadcast_in_dim3A_127 = vector.shape_cast %reduce_max3A_126 : vector<8xf32> to vector<8x1xf32>
      %eq3A_128 = vector.broadcast %broadcast_in_dim3A_127 : vector<8x1xf32> to vector<8x16384xf32>
      %eq3A_129 = arith.cmpf oeq, %select_n3A_124, %eq3A_128 : vector<8x16384xf32>
      %jit3A_130 = arith.constant 2147483647 : i32
      %broadcast_in_dim3A_131 = vector.broadcast %jit3A_130 : i32 to vector<8x16384xi32>
      %select_n3A_132 = arith.select %eq3A_129, %iota3A, %broadcast_in_dim3A_131 : vector<8x16384xi1>, vector<8x16384xi32>
      %reduce_min3A_133 = arith.constant dense<2147483647> : vector<8xi32>
      %reduce_min3A_134 = vector.multi_reduction <minsi>, %select_n3A_132, %reduce_min3A_133 [1] : vector<8x16384xi32> to vector<8xi32>
      %broadcast_in_dim3A_135 = vector.shape_cast %reduce_min3A_134 : vector<8xi32> to vector<8x1xi32>
      %eq3A_136 = vector.broadcast %broadcast_in_dim3A_135 : vector<8x1xi32> to vector<8x16384xi32>
      %eq3A_137 = arith.cmpi eq, %iota3A, %eq3A_136 : vector<8x16384xi32>
      %jit3A_138 = arith.constant 0 : i32
      %broadcast_in_dim3A_139 = vector.broadcast %jit3A_138 : i32 to vector<8x16384xi32>
      %select_n3A_140 = arith.select %eq3A_137, %iota3A, %broadcast_in_dim3A_139 : vector<8x16384xi1>, vector<8x16384xi32>
      %reduce_sum3A_141 = arith.constant dense<0> : vector<8xi32>
      %reduce_sum3A_142 = vector.multi_reduction <add>, %select_n3A_140, %reduce_sum3A_141 [1] : vector<8x16384xi32> to vector<8xi32>
      %broadcast_in_dim3A_143 = vector.shape_cast %reduce_sum3A_142 : vector<8xi32> to vector<8x1xi32>
      %jit3A_144 = arith.constant 0xFF800000 : f32
      %broadcast_in_dim3A_145 = vector.broadcast %jit3A_144 : f32 to vector<8x16384xf32>
      %select_n3A_146 = arith.select %eq3A_137, %broadcast_in_dim3A_145, %select_n3A_124 : vector<8x16384xi1>, vector<8x16384xf32>
      %reduce_max3A_147 = arith.constant dense<0xFF800000> : vector<8xf32>
      %reduce_max3A_148 = vector.multi_reduction <maximumf>, %select_n3A_146, %reduce_max3A_147 [1] : vector<8x16384xf32> to vector<8xf32>
      %broadcast_in_dim3A_149 = vector.shape_cast %reduce_max3A_148 : vector<8xf32> to vector<8x1xf32>
      %eq3A_150 = vector.broadcast %broadcast_in_dim3A_149 : vector<8x1xf32> to vector<8x16384xf32>
      %eq3A_151 = arith.cmpf oeq, %select_n3A_146, %eq3A_150 : vector<8x16384xf32>
      %jit3A_152 = arith.constant 2147483647 : i32
      %broadcast_in_dim3A_153 = vector.broadcast %jit3A_152 : i32 to vector<8x16384xi32>
      %select_n3A_154 = arith.select %eq3A_151, %iota3A, %broadcast_in_dim3A_153 : vector<8x16384xi1>, vector<8x16384xi32>
      %reduce_min3A_155 = arith.constant dense<2147483647> : vector<8xi32>
      %reduce_min3A_156 = vector.multi_reduction <minsi>, %select_n3A_154, %reduce_min3A_155 [1] : vector<8x16384xi32> to vector<8xi32>
      %broadcast_in_dim3A_157 = vector.shape_cast %reduce_min3A_156 : vector<8xi32> to vector<8x1xi32>
      %eq3A_158 = vector.broadcast %broadcast_in_dim3A_157 : vector<8x1xi32> to vector<8x16384xi32>
      %eq3A_159 = arith.cmpi eq, %iota3A, %eq3A_158 : vector<8x16384xi32>
      %jit3A_160 = arith.constant 0 : i32
      %broadcast_in_dim3A_161 = vector.broadcast %jit3A_160 : i32 to vector<8x16384xi32>
      %select_n3A_162 = arith.select %eq3A_159, %iota3A, %broadcast_in_dim3A_161 : vector<8x16384xi1>, vector<8x16384xi32>
      %reduce_sum3A_163 = arith.constant dense<0> : vector<8xi32>
      %reduce_sum3A_164 = vector.multi_reduction <add>, %select_n3A_162, %reduce_sum3A_163 [1] : vector<8x16384xi32> to vector<8xi32>
      %broadcast_in_dim3A_165 = vector.shape_cast %reduce_sum3A_164 : vector<8xi32> to vector<8x1xi32>
      %jit3A_166 = arith.constant 0xFF800000 : f32
      %broadcast_in_dim3A_167 = vector.broadcast %jit3A_166 : f32 to vector<8x16384xf32>
      %select_n3A_168 = arith.select %eq3A_159, %broadcast_in_dim3A_167, %select_n3A_146 : vector<8x16384xi1>, vector<8x16384xf32>
      %reduce_max3A_169 = arith.constant dense<0xFF800000> : vector<8xf32>
      %reduce_max3A_170 = vector.multi_reduction <maximumf>, %select_n3A_168, %reduce_max3A_169 [1] : vector<8x16384xf32> to vector<8xf32>
      %broadcast_in_dim3A_171 = vector.shape_cast %reduce_max3A_170 : vector<8xf32> to vector<8x1xf32>
      %eq3A_172 = vector.broadcast %broadcast_in_dim3A_171 : vector<8x1xf32> to vector<8x16384xf32>
      %eq3A_173 = arith.cmpf oeq, %select_n3A_168, %eq3A_172 : vector<8x16384xf32>
      %jit3A_174 = arith.constant 2147483647 : i32
      %broadcast_in_dim3A_175 = vector.broadcast %jit3A_174 : i32 to vector<8x16384xi32>
      %select_n3A_176 = arith.select %eq3A_173, %iota3A, %broadcast_in_dim3A_175 : vector<8x16384xi1>, vector<8x16384xi32>
      %reduce_min3A_177 = arith.constant dense<2147483647> : vector<8xi32>
      %reduce_min3A_178 = vector.multi_reduction <minsi>, %select_n3A_176, %reduce_min3A_177 [1] : vector<8x16384xi32> to vector<8xi32>
      %broadcast_in_dim3A_179 = vector.shape_cast %reduce_min3A_178 : vector<8xi32> to vector<8x1xi32>
      %eq3A_180 = vector.broadcast %broadcast_in_dim3A_179 : vector<8x1xi32> to vector<8x16384xi32>
      %eq3A_181 = arith.cmpi eq, %iota3A, %eq3A_180 : vector<8x16384xi32>
      %jit3A_182 = arith.constant 0 : i32
      %broadcast_in_dim3A_183 = vector.broadcast %jit3A_182 : i32 to vector<8x16384xi32>
      %select_n3A_184 = arith.select %eq3A_181, %iota3A, %broadcast_in_dim3A_183 : vector<8x16384xi1>, vector<8x16384xi32>
      %reduce_sum3A_185 = arith.constant dense<0> : vector<8xi32>
      %reduce_sum3A_186 = vector.multi_reduction <add>, %select_n3A_184, %reduce_sum3A_185 [1] : vector<8x16384xi32> to vector<8xi32>
      %broadcast_in_dim3A_187 = vector.shape_cast %reduce_sum3A_186 : vector<8xi32> to vector<8x1xi32>
      %jit3A_188 = arith.constant 0xFF800000 : f32
      %broadcast_in_dim3A_189 = vector.broadcast %jit3A_188 : f32 to vector<8x16384xf32>
      %select_n3A_190 = arith.select %eq3A_181, %broadcast_in_dim3A_189, %select_n3A_168 : vector<8x16384xi1>, vector<8x16384xf32>
      %reduce_max3A_191 = arith.constant dense<0xFF800000> : vector<8xf32>
      %reduce_max3A_192 = vector.multi_reduction <maximumf>, %select_n3A_190, %reduce_max3A_191 [1] : vector<8x16384xf32> to vector<8xf32>
      %broadcast_in_dim3A_193 = vector.shape_cast %reduce_max3A_192 : vector<8xf32> to vector<8x1xf32>
      %eq3A_194 = vector.broadcast %broadcast_in_dim3A_193 : vector<8x1xf32> to vector<8x16384xf32>
      %eq3A_195 = arith.cmpf oeq, %select_n3A_190, %eq3A_194 : vector<8x16384xf32>
      %jit3A_196 = arith.constant 2147483647 : i32
      %broadcast_in_dim3A_197 = vector.broadcast %jit3A_196 : i32 to vector<8x16384xi32>
      %select_n3A_198 = arith.select %eq3A_195, %iota3A, %broadcast_in_dim3A_197 : vector<8x16384xi1>, vector<8x16384xi32>
      %reduce_min3A_199 = arith.constant dense<2147483647> : vector<8xi32>
      %reduce_min3A_200 = vector.multi_reduction <minsi>, %select_n3A_198, %reduce_min3A_199 [1] : vector<8x16384xi32> to vector<8xi32>
      %broadcast_in_dim3A_201 = vector.shape_cast %reduce_min3A_200 : vector<8xi32> to vector<8x1xi32>
      %eq3A_202 = vector.broadcast %broadcast_in_dim3A_201 : vector<8x1xi32> to vector<8x16384xi32>
      %eq3A_203 = arith.cmpi eq, %iota3A, %eq3A_202 : vector<8x16384xi32>
      %jit3A_204 = arith.constant 0 : i32
      %broadcast_in_dim3A_205 = vector.broadcast %jit3A_204 : i32 to vector<8x16384xi32>
      %select_n3A_206 = arith.select %eq3A_203, %iota3A, %broadcast_in_dim3A_205 : vector<8x16384xi1>, vector<8x16384xi32>
      %reduce_sum3A_207 = arith.constant dense<0> : vector<8xi32>
      %reduce_sum3A_208 = vector.multi_reduction <add>, %select_n3A_206, %reduce_sum3A_207 [1] : vector<8x16384xi32> to vector<8xi32>
      %broadcast_in_dim3A_209 = vector.shape_cast %reduce_sum3A_208 : vector<8xi32> to vector<8x1xi32>
      %concatenate3A = tpu.concatenate %broadcast_in_dim3A_42, %broadcast_in_dim3A_61, %broadcast_in_dim3A_83, %broadcast_in_dim3A_105, %broadcast_in_dim3A_127, %broadcast_in_dim3A_149, %broadcast_in_dim3A_171, %broadcast_in_dim3A_193 in 1 : vector<8x1xf32>, vector<8x1xf32>, vector<8x1xf32>, vector<8x1xf32>, vector<8x1xf32>, vector<8x1xf32>, vector<8x1xf32>, vector<8x1xf32> -> vector<8x8xf32>
      %concatenate3A_210 = tpu.concatenate %broadcast_in_dim3A_55, %broadcast_in_dim3A_77, %broadcast_in_dim3A_99, %broadcast_in_dim3A_121, %broadcast_in_dim3A_143, %broadcast_in_dim3A_165, %broadcast_in_dim3A_187, %broadcast_in_dim3A_209 in 1 : vector<8x1xi32>, vector<8x1xi32>, vector<8x1xi32>, vector<8x1xi32>, vector<8x1xi32>, vector<8x1xi32>, vector<8x1xi32>, vector<8x1xi32> -> vector<8x8xi32>
      %slice3A = vector.extract_strided_slice %concatenate3A_210 {offsets = [0, 0], sizes = [8, 1], strides = [1, 1]} : vector<8x8xi32> to vector<8x1xi32>
      %eq3A_211 = vector.broadcast %slice3A : vector<8x1xi32> to vector<8x16384xi32>
      %eq3A_212 = arith.cmpi eq, %iota3A, %eq3A_211 : vector<8x16384xi32>
      %jit3A_213 = arith.constant 0 : i32
      %broadcast_in_dim3A_214 = vector.broadcast %jit3A_213 : i32 to vector<8x16384xi32>
      %select_n3A_215 = arith.select %eq3A_212, %broadcast_in_dim3A_40, %broadcast_in_dim3A_214 : vector<8x16384xi1>, vector<8x16384xi32>
      %reduce_sum3A_216 = arith.constant dense<0> : vector<8xi32>
      %reduce_sum3A_217 = vector.multi_reduction <add>, %select_n3A_215, %reduce_sum3A_216 [1] : vector<8x16384xi32> to vector<8xi32>
      %broadcast_in_dim3A_218 = vector.shape_cast %reduce_sum3A_217 : vector<8xi32> to vector<8x1xi32>
      %eq3A_219 = vector.broadcast %broadcast_in_dim3A_218 : vector<8x1xi32> to vector<8x16384xi32>
      %eq3A_220 = arith.cmpi eq, %broadcast_in_dim3A_40, %eq3A_219 : vector<8x16384xi32>
      %gt3A = vector.broadcast %slice3A : vector<8x1xi32> to vector<8x16384xi32>
      %gt3A_221 = arith.cmpi sgt, %iota3A, %gt3A : vector<8x16384xi32>
      %and3A = arith.andi %eq3A_220, %gt3A_221 : vector<8x16384xi1>
      %reduce_or3A = arith.constant 1.000000e+00 : f32
      %reduce_or3A_222 = arith.constant 0.000000e+00 : f32
      %reduce_or3A_223 = vector.broadcast %reduce_or3A : f32 to vector<8x16384xf32>
      %reduce_or3A_224 = vector.broadcast %reduce_or3A_222 : f32 to vector<8x16384xf32>
      %reduce_or3A_225 = arith.select %and3A, %reduce_or3A_223, %reduce_or3A_224 : vector<8x16384xi1>, vector<8x16384xf32>
      %reduce_or3A_226 = arith.constant dense<0xFF800000> : vector<8xf32>
      %reduce_or3A_227 = vector.multi_reduction <maximumf>, %reduce_or3A_225, %reduce_or3A_226 [1] : vector<8x16384xf32> to vector<8xf32>
      %reduce_or3A_228 = arith.constant 0.000000e+00 : f32
      %reduce_or3A_229 = vector.broadcast %reduce_or3A_228 : f32 to vector<8xf32>
      %reduce_or3A_230 = arith.cmpf ogt, %reduce_or3A_227, %reduce_or3A_229 : vector<8xf32>
      %broadcast_in_dim3A_231 = vector.shape_cast %reduce_or3A_230 : vector<8xi1> to vector<8x1xi1>
      %slice3A_232 = vector.extract_strided_slice %concatenate3A {offsets = [0, 0], sizes = [8, 1], strides = [1, 1]} : vector<8x8xf32> to vector<8x1xf32>
      %jit3A_233 = arith.constant 0xFF800000 : f32
      %broadcast_in_dim3A_234 = vector.broadcast %jit3A_233 : f32 to vector<8x1xf32>
      %select_n3A_235 = arith.select %broadcast_in_dim3A_231, %broadcast_in_dim3A_234, %slice3A_232 : vector<8x1xi1>, vector<8x1xf32>
      %add3A_236 = arith.constant 100000 : i32
      %add3A_237 = vector.broadcast %add3A_236 : i32 to vector<8x1xi32>
      %add3A_238 = arith.addi %slice3A, %add3A_237 : vector<8x1xi32>
      %slice3A_239 = vector.extract_strided_slice %concatenate3A_210 {offsets = [0, 1], sizes = [8, 1], strides = [1, 1]} : vector<8x8xi32> to vector<8x1xi32>
      %eq3A_240 = vector.broadcast %slice3A_239 : vector<8x1xi32> to vector<8x16384xi32>
      %eq3A_241 = arith.cmpi eq, %iota3A, %eq3A_240 : vector<8x16384xi32>
      %jit3A_242 = arith.constant 0 : i32
      %broadcast_in_dim3A_243 = vector.broadcast %jit3A_242 : i32 to vector<8x16384xi32>
      %select_n3A_244 = arith.select %eq3A_241, %broadcast_in_dim3A_40, %broadcast_in_dim3A_243 : vector<8x16384xi1>, vector<8x16384xi32>
      %reduce_sum3A_245 = arith.constant dense<0> : vector<8xi32>
      %reduce_sum3A_246 = vector.multi_reduction <add>, %select_n3A_244, %reduce_sum3A_245 [1] : vector<8x16384xi32> to vector<8xi32>
      %broadcast_in_dim3A_247 = vector.shape_cast %reduce_sum3A_246 : vector<8xi32> to vector<8x1xi32>
      %eq3A_248 = vector.broadcast %broadcast_in_dim3A_247 : vector<8x1xi32> to vector<8x16384xi32>
      %eq3A_249 = arith.cmpi eq, %broadcast_in_dim3A_40, %eq3A_248 : vector<8x16384xi32>
      %gt3A_250 = vector.broadcast %slice3A_239 : vector<8x1xi32> to vector<8x16384xi32>
      %gt3A_251 = arith.cmpi sgt, %iota3A, %gt3A_250 : vector<8x16384xi32>
      %and3A_252 = arith.andi %eq3A_249, %gt3A_251 : vector<8x16384xi1>
      %reduce_or3A_253 = arith.constant 1.000000e+00 : f32
      %reduce_or3A_254 = arith.constant 0.000000e+00 : f32
      %reduce_or3A_255 = vector.broadcast %reduce_or3A_253 : f32 to vector<8x16384xf32>
      %reduce_or3A_256 = vector.broadcast %reduce_or3A_254 : f32 to vector<8x16384xf32>
      %reduce_or3A_257 = arith.select %and3A_252, %reduce_or3A_255, %reduce_or3A_256 : vector<8x16384xi1>, vector<8x16384xf32>
      %reduce_or3A_258 = arith.constant dense<0xFF800000> : vector<8xf32>
      %reduce_or3A_259 = vector.multi_reduction <maximumf>, %reduce_or3A_257, %reduce_or3A_258 [1] : vector<8x16384xf32> to vector<8xf32>
      %reduce_or3A_260 = arith.constant 0.000000e+00 : f32
      %reduce_or3A_261 = vector.broadcast %reduce_or3A_260 : f32 to vector<8xf32>
      %reduce_or3A_262 = arith.cmpf ogt, %reduce_or3A_259, %reduce_or3A_261 : vector<8xf32>
      %broadcast_in_dim3A_263 = vector.shape_cast %reduce_or3A_262 : vector<8xi1> to vector<8x1xi1>
      %slice3A_264 = vector.extract_strided_slice %concatenate3A {offsets = [0, 1], sizes = [8, 1], strides = [1, 1]} : vector<8x8xf32> to vector<8x1xf32>
      %jit3A_265 = arith.constant 0xFF800000 : f32
      %broadcast_in_dim3A_266 = vector.broadcast %jit3A_265 : f32 to vector<8x1xf32>
      %select_n3A_267 = arith.select %broadcast_in_dim3A_263, %broadcast_in_dim3A_266, %slice3A_264 : vector<8x1xi1>, vector<8x1xf32>
      %add3A_268 = arith.constant 100000 : i32
      %add3A_269 = vector.broadcast %add3A_268 : i32 to vector<8x1xi32>
      %add3A_270 = arith.addi %slice3A_239, %add3A_269 : vector<8x1xi32>
      %slice3A_271 = vector.extract_strided_slice %concatenate3A_210 {offsets = [0, 2], sizes = [8, 1], strides = [1, 1]} : vector<8x8xi32> to vector<8x1xi32>
      %eq3A_272 = vector.broadcast %slice3A_271 : vector<8x1xi32> to vector<8x16384xi32>
      %eq3A_273 = arith.cmpi eq, %iota3A, %eq3A_272 : vector<8x16384xi32>
      %jit3A_274 = arith.constant 0 : i32
      %broadcast_in_dim3A_275 = vector.broadcast %jit3A_274 : i32 to vector<8x16384xi32>
      %select_n3A_276 = arith.select %eq3A_273, %broadcast_in_dim3A_40, %broadcast_in_dim3A_275 : vector<8x16384xi1>, vector<8x16384xi32>
      %reduce_sum3A_277 = arith.constant dense<0> : vector<8xi32>
      %reduce_sum3A_278 = vector.multi_reduction <add>, %select_n3A_276, %reduce_sum3A_277 [1] : vector<8x16384xi32> to vector<8xi32>
      %broadcast_in_dim3A_279 = vector.shape_cast %reduce_sum3A_278 : vector<8xi32> to vector<8x1xi32>
      %eq3A_280 = vector.broadcast %broadcast_in_dim3A_279 : vector<8x1xi32> to vector<8x16384xi32>
      %eq3A_281 = arith.cmpi eq, %broadcast_in_dim3A_40, %eq3A_280 : vector<8x16384xi32>
      %gt3A_282 = vector.broadcast %slice3A_271 : vector<8x1xi32> to vector<8x16384xi32>
      %gt3A_283 = arith.cmpi sgt, %iota3A, %gt3A_282 : vector<8x16384xi32>
      %and3A_284 = arith.andi %eq3A_281, %gt3A_283 : vector<8x16384xi1>
      %reduce_or3A_285 = arith.constant 1.000000e+00 : f32
      %reduce_or3A_286 = arith.constant 0.000000e+00 : f32
      %reduce_or3A_287 = vector.broadcast %reduce_or3A_285 : f32 to vector<8x16384xf32>
      %reduce_or3A_288 = vector.broadcast %reduce_or3A_286 : f32 to vector<8x16384xf32>
      %reduce_or3A_289 = arith.select %and3A_284, %reduce_or3A_287, %reduce_or3A_288 : vector<8x16384xi1>, vector<8x16384xf32>
      %reduce_or3A_290 = arith.constant dense<0xFF800000> : vector<8xf32>
      %reduce_or3A_291 = vector.multi_reduction <maximumf>, %reduce_or3A_289, %reduce_or3A_290 [1] : vector<8x16384xf32> to vector<8xf32>
      %reduce_or3A_292 = arith.constant 0.000000e+00 : f32
      %reduce_or3A_293 = vector.broadcast %reduce_or3A_292 : f32 to vector<8xf32>
      %reduce_or3A_294 = arith.cmpf ogt, %reduce_or3A_291, %reduce_or3A_293 : vector<8xf32>
      %broadcast_in_dim3A_295 = vector.shape_cast %reduce_or3A_294 : vector<8xi1> to vector<8x1xi1>
      %slice3A_296 = vector.extract_strided_slice %concatenate3A {offsets = [0, 2], sizes = [8, 1], strides = [1, 1]} : vector<8x8xf32> to vector<8x1xf32>
      %jit3A_297 = arith.constant 0xFF800000 : f32
      %broadcast_in_dim3A_298 = vector.broadcast %jit3A_297 : f32 to vector<8x1xf32>
      %select_n3A_299 = arith.select %broadcast_in_dim3A_295, %broadcast_in_dim3A_298, %slice3A_296 : vector<8x1xi1>, vector<8x1xf32>
      %add3A_300 = arith.constant 100000 : i32
      %add3A_301 = vector.broadcast %add3A_300 : i32 to vector<8x1xi32>
      %add3A_302 = arith.addi %slice3A_271, %add3A_301 : vector<8x1xi32>
      %slice3A_303 = vector.extract_strided_slice %concatenate3A_210 {offsets = [0, 3], sizes = [8, 1], strides = [1, 1]} : vector<8x8xi32> to vector<8x1xi32>
      %eq3A_304 = vector.broadcast %slice3A_303 : vector<8x1xi32> to vector<8x16384xi32>
      %eq3A_305 = arith.cmpi eq, %iota3A, %eq3A_304 : vector<8x16384xi32>
      %jit3A_306 = arith.constant 0 : i32
      %broadcast_in_dim3A_307 = vector.broadcast %jit3A_306 : i32 to vector<8x16384xi32>
      %select_n3A_308 = arith.select %eq3A_305, %broadcast_in_dim3A_40, %broadcast_in_dim3A_307 : vector<8x16384xi1>, vector<8x16384xi32>
      %reduce_sum3A_309 = arith.constant dense<0> : vector<8xi32>
      %reduce_sum3A_310 = vector.multi_reduction <add>, %select_n3A_308, %reduce_sum3A_309 [1] : vector<8x16384xi32> to vector<8xi32>
      %broadcast_in_dim3A_311 = vector.shape_cast %reduce_sum3A_310 : vector<8xi32> to vector<8x1xi32>
      %eq3A_312 = vector.broadcast %broadcast_in_dim3A_311 : vector<8x1xi32> to vector<8x16384xi32>
      %eq3A_313 = arith.cmpi eq, %broadcast_in_dim3A_40, %eq3A_312 : vector<8x16384xi32>
      %gt3A_314 = vector.broadcast %slice3A_303 : vector<8x1xi32> to vector<8x16384xi32>
      %gt3A_315 = arith.cmpi sgt, %iota3A, %gt3A_314 : vector<8x16384xi32>
      %and3A_316 = arith.andi %eq3A_313, %gt3A_315 : vector<8x16384xi1>
      %reduce_or3A_317 = arith.constant 1.000000e+00 : f32
      %reduce_or3A_318 = arith.constant 0.000000e+00 : f32
      %reduce_or3A_319 = vector.broadcast %reduce_or3A_317 : f32 to vector<8x16384xf32>
      %reduce_or3A_320 = vector.broadcast %reduce_or3A_318 : f32 to vector<8x16384xf32>
      %reduce_or3A_321 = arith.select %and3A_316, %reduce_or3A_319, %reduce_or3A_320 : vector<8x16384xi1>, vector<8x16384xf32>
      %reduce_or3A_322 = arith.constant dense<0xFF800000> : vector<8xf32>
      %reduce_or3A_323 = vector.multi_reduction <maximumf>, %reduce_or3A_321, %reduce_or3A_322 [1] : vector<8x16384xf32> to vector<8xf32>
      %reduce_or3A_324 = arith.constant 0.000000e+00 : f32
      %reduce_or3A_325 = vector.broadcast %reduce_or3A_324 : f32 to vector<8xf32>
      %reduce_or3A_326 = arith.cmpf ogt, %reduce_or3A_323, %reduce_or3A_325 : vector<8xf32>
      %broadcast_in_dim3A_327 = vector.shape_cast %reduce_or3A_326 : vector<8xi1> to vector<8x1xi1>
      %slice3A_328 = vector.extract_strided_slice %concatenate3A {offsets = [0, 3], sizes = [8, 1], strides = [1, 1]} : vector<8x8xf32> to vector<8x1xf32>
      %jit3A_329 = arith.constant 0xFF800000 : f32
      %broadcast_in_dim3A_330 = vector.broadcast %jit3A_329 : f32 to vector<8x1xf32>
      %select_n3A_331 = arith.select %broadcast_in_dim3A_327, %broadcast_in_dim3A_330, %slice3A_328 : vector<8x1xi1>, vector<8x1xf32>
      %add3A_332 = arith.constant 100000 : i32
      %add3A_333 = vector.broadcast %add3A_332 : i32 to vector<8x1xi32>
      %add3A_334 = arith.addi %slice3A_303, %add3A_333 : vector<8x1xi32>
      %slice3A_335 = vector.extract_strided_slice %concatenate3A_210 {offsets = [0, 4], sizes = [8, 1], strides = [1, 1]} : vector<8x8xi32> to vector<8x1xi32>
      %eq3A_336 = vector.broadcast %slice3A_335 : vector<8x1xi32> to vector<8x16384xi32>
      %eq3A_337 = arith.cmpi eq, %iota3A, %eq3A_336 : vector<8x16384xi32>
      %jit3A_338 = arith.constant 0 : i32
      %broadcast_in_dim3A_339 = vector.broadcast %jit3A_338 : i32 to vector<8x16384xi32>
      %select_n3A_340 = arith.select %eq3A_337, %broadcast_in_dim3A_40, %broadcast_in_dim3A_339 : vector<8x16384xi1>, vector<8x16384xi32>
      %reduce_sum3A_341 = arith.constant dense<0> : vector<8xi32>
      %reduce_sum3A_342 = vector.multi_reduction <add>, %select_n3A_340, %reduce_sum3A_341 [1] : vector<8x16384xi32> to vector<8xi32>
      %broadcast_in_dim3A_343 = vector.shape_cast %reduce_sum3A_342 : vector<8xi32> to vector<8x1xi32>
      %eq3A_344 = vector.broadcast %broadcast_in_dim3A_343 : vector<8x1xi32> to vector<8x16384xi32>
      %eq3A_345 = arith.cmpi eq, %broadcast_in_dim3A_40, %eq3A_344 : vector<8x16384xi32>
      %gt3A_346 = vector.broadcast %slice3A_335 : vector<8x1xi32> to vector<8x16384xi32>
      %gt3A_347 = arith.cmpi sgt, %iota3A, %gt3A_346 : vector<8x16384xi32>
      %and3A_348 = arith.andi %eq3A_345, %gt3A_347 : vector<8x16384xi1>
      %reduce_or3A_349 = arith.constant 1.000000e+00 : f32
      %reduce_or3A_350 = arith.constant 0.000000e+00 : f32
      %reduce_or3A_351 = vector.broadcast %reduce_or3A_349 : f32 to vector<8x16384xf32>
      %reduce_or3A_352 = vector.broadcast %reduce_or3A_350 : f32 to vector<8x16384xf32>
      %reduce_or3A_353 = arith.select %and3A_348, %reduce_or3A_351, %reduce_or3A_352 : vector<8x16384xi1>, vector<8x16384xf32>
      %reduce_or3A_354 = arith.constant dense<0xFF800000> : vector<8xf32>
      %reduce_or3A_355 = vector.multi_reduction <maximumf>, %reduce_or3A_353, %reduce_or3A_354 [1] : vector<8x16384xf32> to vector<8xf32>
      %reduce_or3A_356 = arith.constant 0.000000e+00 : f32
      %reduce_or3A_357 = vector.broadcast %reduce_or3A_356 : f32 to vector<8xf32>
      %reduce_or3A_358 = arith.cmpf ogt, %reduce_or3A_355, %reduce_or3A_357 : vector<8xf32>
      %broadcast_in_dim3A_359 = vector.shape_cast %reduce_or3A_358 : vector<8xi1> to vector<8x1xi1>
      %slice3A_360 = vector.extract_strided_slice %concatenate3A {offsets = [0, 4], sizes = [8, 1], strides = [1, 1]} : vector<8x8xf32> to vector<8x1xf32>
      %jit3A_361 = arith.constant 0xFF800000 : f32
      %broadcast_in_dim3A_362 = vector.broadcast %jit3A_361 : f32 to vector<8x1xf32>
      %select_n3A_363 = arith.select %broadcast_in_dim3A_359, %broadcast_in_dim3A_362, %slice3A_360 : vector<8x1xi1>, vector<8x1xf32>
      %add3A_364 = arith.constant 100000 : i32
      %add3A_365 = vector.broadcast %add3A_364 : i32 to vector<8x1xi32>
      %add3A_366 = arith.addi %slice3A_335, %add3A_365 : vector<8x1xi32>
      %slice3A_367 = vector.extract_strided_slice %concatenate3A_210 {offsets = [0, 5], sizes = [8, 1], strides = [1, 1]} : vector<8x8xi32> to vector<8x1xi32>
      %eq3A_368 = vector.broadcast %slice3A_367 : vector<8x1xi32> to vector<8x16384xi32>
      %eq3A_369 = arith.cmpi eq, %iota3A, %eq3A_368 : vector<8x16384xi32>
      %jit3A_370 = arith.constant 0 : i32
      %broadcast_in_dim3A_371 = vector.broadcast %jit3A_370 : i32 to vector<8x16384xi32>
      %select_n3A_372 = arith.select %eq3A_369, %broadcast_in_dim3A_40, %broadcast_in_dim3A_371 : vector<8x16384xi1>, vector<8x16384xi32>
      %reduce_sum3A_373 = arith.constant dense<0> : vector<8xi32>
      %reduce_sum3A_374 = vector.multi_reduction <add>, %select_n3A_372, %reduce_sum3A_373 [1] : vector<8x16384xi32> to vector<8xi32>
      %broadcast_in_dim3A_375 = vector.shape_cast %reduce_sum3A_374 : vector<8xi32> to vector<8x1xi32>
      %eq3A_376 = vector.broadcast %broadcast_in_dim3A_375 : vector<8x1xi32> to vector<8x16384xi32>
      %eq3A_377 = arith.cmpi eq, %broadcast_in_dim3A_40, %eq3A_376 : vector<8x16384xi32>
      %gt3A_378 = vector.broadcast %slice3A_367 : vector<8x1xi32> to vector<8x16384xi32>
      %gt3A_379 = arith.cmpi sgt, %iota3A, %gt3A_378 : vector<8x16384xi32>
      %and3A_380 = arith.andi %eq3A_377, %gt3A_379 : vector<8x16384xi1>
      %reduce_or3A_381 = arith.constant 1.000000e+00 : f32
      %reduce_or3A_382 = arith.constant 0.000000e+00 : f32
      %reduce_or3A_383 = vector.broadcast %reduce_or3A_381 : f32 to vector<8x16384xf32>
      %reduce_or3A_384 = vector.broadcast %reduce_or3A_382 : f32 to vector<8x16384xf32>
      %reduce_or3A_385 = arith.select %and3A_380, %reduce_or3A_383, %reduce_or3A_384 : vector<8x16384xi1>, vector<8x16384xf32>
      %reduce_or3A_386 = arith.constant dense<0xFF800000> : vector<8xf32>
      %reduce_or3A_387 = vector.multi_reduction <maximumf>, %reduce_or3A_385, %reduce_or3A_386 [1] : vector<8x16384xf32> to vector<8xf32>
      %reduce_or3A_388 = arith.constant 0.000000e+00 : f32
      %reduce_or3A_389 = vector.broadcast %reduce_or3A_388 : f32 to vector<8xf32>
      %reduce_or3A_390 = arith.cmpf ogt, %reduce_or3A_387, %reduce_or3A_389 : vector<8xf32>
      %broadcast_in_dim3A_391 = vector.shape_cast %reduce_or3A_390 : vector<8xi1> to vector<8x1xi1>
      %slice3A_392 = vector.extract_strided_slice %concatenate3A {offsets = [0, 5], sizes = [8, 1], strides = [1, 1]} : vector<8x8xf32> to vector<8x1xf32>
      %jit3A_393 = arith.constant 0xFF800000 : f32
      %broadcast_in_dim3A_394 = vector.broadcast %jit3A_393 : f32 to vector<8x1xf32>
      %select_n3A_395 = arith.select %broadcast_in_dim3A_391, %broadcast_in_dim3A_394, %slice3A_392 : vector<8x1xi1>, vector<8x1xf32>
      %add3A_396 = arith.constant 100000 : i32
      %add3A_397 = vector.broadcast %add3A_396 : i32 to vector<8x1xi32>
      %add3A_398 = arith.addi %slice3A_367, %add3A_397 : vector<8x1xi32>
      %slice3A_399 = vector.extract_strided_slice %concatenate3A_210 {offsets = [0, 6], sizes = [8, 1], strides = [1, 1]} : vector<8x8xi32> to vector<8x1xi32>
      %eq3A_400 = vector.broadcast %slice3A_399 : vector<8x1xi32> to vector<8x16384xi32>
      %eq3A_401 = arith.cmpi eq, %iota3A, %eq3A_400 : vector<8x16384xi32>
      %jit3A_402 = arith.constant 0 : i32
      %broadcast_in_dim3A_403 = vector.broadcast %jit3A_402 : i32 to vector<8x16384xi32>
      %select_n3A_404 = arith.select %eq3A_401, %broadcast_in_dim3A_40, %broadcast_in_dim3A_403 : vector<8x16384xi1>, vector<8x16384xi32>
      %reduce_sum3A_405 = arith.constant dense<0> : vector<8xi32>
      %reduce_sum3A_406 = vector.multi_reduction <add>, %select_n3A_404, %reduce_sum3A_405 [1] : vector<8x16384xi32> to vector<8xi32>
      %broadcast_in_dim3A_407 = vector.shape_cast %reduce_sum3A_406 : vector<8xi32> to vector<8x1xi32>
      %eq3A_408 = vector.broadcast %broadcast_in_dim3A_407 : vector<8x1xi32> to vector<8x16384xi32>
      %eq3A_409 = arith.cmpi eq, %broadcast_in_dim3A_40, %eq3A_408 : vector<8x16384xi32>
      %gt3A_410 = vector.broadcast %slice3A_399 : vector<8x1xi32> to vector<8x16384xi32>
      %gt3A_411 = arith.cmpi sgt, %iota3A, %gt3A_410 : vector<8x16384xi32>
      %and3A_412 = arith.andi %eq3A_409, %gt3A_411 : vector<8x16384xi1>
      %reduce_or3A_413 = arith.constant 1.000000e+00 : f32
      %reduce_or3A_414 = arith.constant 0.000000e+00 : f32
      %reduce_or3A_415 = vector.broadcast %reduce_or3A_413 : f32 to vector<8x16384xf32>
      %reduce_or3A_416 = vector.broadcast %reduce_or3A_414 : f32 to vector<8x16384xf32>
      %reduce_or3A_417 = arith.select %and3A_412, %reduce_or3A_415, %reduce_or3A_416 : vector<8x16384xi1>, vector<8x16384xf32>
      %reduce_or3A_418 = arith.constant dense<0xFF800000> : vector<8xf32>
      %reduce_or3A_419 = vector.multi_reduction <maximumf>, %reduce_or3A_417, %reduce_or3A_418 [1] : vector<8x16384xf32> to vector<8xf32>
      %reduce_or3A_420 = arith.constant 0.000000e+00 : f32
      %reduce_or3A_421 = vector.broadcast %reduce_or3A_420 : f32 to vector<8xf32>
      %reduce_or3A_422 = arith.cmpf ogt, %reduce_or3A_419, %reduce_or3A_421 : vector<8xf32>
      %broadcast_in_dim3A_423 = vector.shape_cast %reduce_or3A_422 : vector<8xi1> to vector<8x1xi1>
      %slice3A_424 = vector.extract_strided_slice %concatenate3A {offsets = [0, 6], sizes = [8, 1], strides = [1, 1]} : vector<8x8xf32> to vector<8x1xf32>
      %jit3A_425 = arith.constant 0xFF800000 : f32
      %broadcast_in_dim3A_426 = vector.broadcast %jit3A_425 : f32 to vector<8x1xf32>
      %select_n3A_427 = arith.select %broadcast_in_dim3A_423, %broadcast_in_dim3A_426, %slice3A_424 : vector<8x1xi1>, vector<8x1xf32>
      %add3A_428 = arith.constant 100000 : i32
      %add3A_429 = vector.broadcast %add3A_428 : i32 to vector<8x1xi32>
      %add3A_430 = arith.addi %slice3A_399, %add3A_429 : vector<8x1xi32>
      %slice3A_431 = vector.extract_strided_slice %concatenate3A_210 {offsets = [0, 7], sizes = [8, 1], strides = [1, 1]} : vector<8x8xi32> to vector<8x1xi32>
      %eq3A_432 = vector.broadcast %slice3A_431 : vector<8x1xi32> to vector<8x16384xi32>
      %eq3A_433 = arith.cmpi eq, %iota3A, %eq3A_432 : vector<8x16384xi32>
      %jit3A_434 = arith.constant 0 : i32
      %broadcast_in_dim3A_435 = vector.broadcast %jit3A_434 : i32 to vector<8x16384xi32>
      %select_n3A_436 = arith.select %eq3A_433, %broadcast_in_dim3A_40, %broadcast_in_dim3A_435 : vector<8x16384xi1>, vector<8x16384xi32>
      %reduce_sum3A_437 = arith.constant dense<0> : vector<8xi32>
      %reduce_sum3A_438 = vector.multi_reduction <add>, %select_n3A_436, %reduce_sum3A_437 [1] : vector<8x16384xi32> to vector<8xi32>
      %broadcast_in_dim3A_439 = vector.shape_cast %reduce_sum3A_438 : vector<8xi32> to vector<8x1xi32>
      %eq3A_440 = vector.broadcast %broadcast_in_dim3A_439 : vector<8x1xi32> to vector<8x16384xi32>
      %eq3A_441 = arith.cmpi eq, %broadcast_in_dim3A_40, %eq3A_440 : vector<8x16384xi32>
      %gt3A_442 = vector.broadcast %slice3A_431 : vector<8x1xi32> to vector<8x16384xi32>
      %gt3A_443 = arith.cmpi sgt, %iota3A, %gt3A_442 : vector<8x16384xi32>
      %and3A_444 = arith.andi %eq3A_441, %gt3A_443 : vector<8x16384xi1>
      %reduce_or3A_445 = arith.constant 1.000000e+00 : f32
      %reduce_or3A_446 = arith.constant 0.000000e+00 : f32
      %reduce_or3A_447 = vector.broadcast %reduce_or3A_445 : f32 to vector<8x16384xf32>
      %reduce_or3A_448 = vector.broadcast %reduce_or3A_446 : f32 to vector<8x16384xf32>
      %reduce_or3A_449 = arith.select %and3A_444, %reduce_or3A_447, %reduce_or3A_448 : vector<8x16384xi1>, vector<8x16384xf32>
      %reduce_or3A_450 = arith.constant dense<0xFF800000> : vector<8xf32>
      %reduce_or3A_451 = vector.multi_reduction <maximumf>, %reduce_or3A_449, %reduce_or3A_450 [1] : vector<8x16384xf32> to vector<8xf32>
      %reduce_or3A_452 = arith.constant 0.000000e+00 : f32
      %reduce_or3A_453 = vector.broadcast %reduce_or3A_452 : f32 to vector<8xf32>
      %reduce_or3A_454 = arith.cmpf ogt, %reduce_or3A_451, %reduce_or3A_453 : vector<8xf32>
      %broadcast_in_dim3A_455 = vector.shape_cast %reduce_or3A_454 : vector<8xi1> to vector<8x1xi1>
      %slice3A_456 = vector.extract_strided_slice %concatenate3A {offsets = [0, 7], sizes = [8, 1], strides = [1, 1]} : vector<8x8xf32> to vector<8x1xf32>
      %jit3A_457 = arith.constant 0xFF800000 : f32
      %broadcast_in_dim3A_458 = vector.broadcast %jit3A_457 : f32 to vector<8x1xf32>
      %select_n3A_459 = arith.select %broadcast_in_dim3A_455, %broadcast_in_dim3A_458, %slice3A_456 : vector<8x1xi1>, vector<8x1xf32>
      %add3A_460 = arith.constant 100000 : i32
      %add3A_461 = vector.broadcast %add3A_460 : i32 to vector<8x1xi32>
      %add3A_462 = arith.addi %slice3A_431, %add3A_461 : vector<8x1xi32>
      %get3A_463 = arith.constant 0 : index
      %get3A_464 = arith.constant 0 : index
      %get3A_465 = vector.load %arg12[%get3A_463, %get3A_464] : memref<8x2xf32, #tpu.memory_space<vmem>>, vector<8x2xf32>
      %concatenate3A_466 = tpu.concatenate %get3A_465, %select_n3A_235, %select_n3A_267, %select_n3A_299, %select_n3A_331, %select_n3A_363, %select_n3A_395, %select_n3A_427, %select_n3A_459 in 1 : vector<8x2xf32>, vector<8x1xf32>, vector<8x1xf32>, vector<8x1xf32>, vector<8x1xf32>, vector<8x1xf32>, vector<8x1xf32>, vector<8x1xf32>, vector<8x1xf32> -> vector<8x10xf32>
      %get3A_467 = arith.constant 0 : index
      %get3A_468 = arith.constant 0 : index
      %get3A_469 = vector.load %arg13[%get3A_467, %get3A_468] : memref<8x2xi32, #tpu.memory_space<vmem>>, vector<8x2xi32>
      %concatenate3A_470 = tpu.concatenate %get3A_469, %add3A_238, %add3A_270, %add3A_302, %add3A_334, %add3A_366, %add3A_398, %add3A_430, %add3A_462 in 1 : vector<8x2xi32>, vector<8x1xi32>, vector<8x1xi32>, vector<8x1xi32>, vector<8x1xi32>, vector<8x1xi32>, vector<8x1xi32>, vector<8x1xi32>, vector<8x1xi32> -> vector<8x10xi32>
      %get3A_471 = arith.constant 0 : index
      %get3A_472 = arith.constant 0 : index
      %get3A_473 = vector.load %arg14[%get3A_471, %get3A_472] : memref<8x2xf32, #tpu.memory_space<vmem>>, vector<8x2xf32>
      %broadcast_in_dim3A_474 = arith.constant 5.000000e-01 : f32
      %broadcast_in_dim3A_475 = vector.broadcast %broadcast_in_dim3A_474 : f32 to vector<8x8xf32>
      %concatenate3A_476 = tpu.concatenate %get3A_473, %broadcast_in_dim3A_475 in 1 : vector<8x2xf32>, vector<8x8xf32> -> vector<8x10xf32>
      %iota3A_477 = tpu.iota {dimensions = array<i32: 1>} : vector<8x10xi32>
      %reduce_max3A_478 = arith.constant dense<0xFF800000> : vector<8xf32>
      %reduce_max3A_479 = vector.multi_reduction <maximumf>, %concatenate3A_466, %reduce_max3A_478 [1] : vector<8x10xf32> to vector<8xf32>
      %broadcast_in_dim3A_480 = vector.shape_cast %reduce_max3A_479 : vector<8xf32> to vector<8x1xf32>
      %eq3A_481 = vector.broadcast %broadcast_in_dim3A_480 : vector<8x1xf32> to vector<8x10xf32>
      %eq3A_482 = arith.cmpf oeq, %concatenate3A_466, %eq3A_481 : vector<8x10xf32>
      %jit3A_483 = arith.constant 2147483647 : i32
      %broadcast_in_dim3A_484 = vector.broadcast %jit3A_483 : i32 to vector<8x10xi32>
      %select_n3A_485 = arith.select %eq3A_482, %iota3A_477, %broadcast_in_dim3A_484 : vector<8x10xi1>, vector<8x10xi32>
      %reduce_min3A_486 = arith.constant dense<2147483647> : vector<8xi32>
      %reduce_min3A_487 = vector.multi_reduction <minsi>, %select_n3A_485, %reduce_min3A_486 [1] : vector<8x10xi32> to vector<8xi32>
      %broadcast_in_dim3A_488 = vector.shape_cast %reduce_min3A_487 : vector<8xi32> to vector<8x1xi32>
      %eq3A_489 = vector.broadcast %broadcast_in_dim3A_488 : vector<8x1xi32> to vector<8x10xi32>
      %eq3A_490 = arith.cmpi eq, %iota3A_477, %eq3A_489 : vector<8x10xi32>
      %jit3A_491 = arith.constant 0 : i32
      %broadcast_in_dim3A_492 = vector.broadcast %jit3A_491 : i32 to vector<8x10xi32>
      %select_n3A_493 = arith.select %eq3A_490, %concatenate3A_470, %broadcast_in_dim3A_492 : vector<8x10xi1>, vector<8x10xi32>
      %reduce_sum3A_494 = arith.constant dense<0> : vector<8xi32>
      %reduce_sum3A_495 = vector.multi_reduction <add>, %select_n3A_493, %reduce_sum3A_494 [1] : vector<8x10xi32> to vector<8xi32>
      %broadcast_in_dim3A_496 = vector.shape_cast %reduce_sum3A_495 : vector<8xi32> to vector<8x1xi32>
      %jit3A_497 = arith.constant 0 : i32
      %convert_element_type3A_498 = arith.sitofp %jit3A_497 : i32 to f32
      %broadcast_in_dim3A_499 = vector.broadcast %convert_element_type3A_498 : f32 to vector<8x10xf32>
      %select_n3A_500 = arith.select %eq3A_490, %concatenate3A_476, %broadcast_in_dim3A_499 : vector<8x10xi1>, vector<8x10xf32>
      %reduce_sum3A_501 = arith.constant dense<0.000000e+00> : vector<8xf32>
      %reduce_sum3A_502 = vector.multi_reduction <add>, %select_n3A_500, %reduce_sum3A_501 [1] : vector<8x10xf32> to vector<8xf32>
      %broadcast_in_dim3A_503 = vector.shape_cast %reduce_sum3A_502 : vector<8xf32> to vector<8x1xf32>
      %jit3A_504 = arith.constant 0xFF800000 : f32
      %broadcast_in_dim3A_505 = vector.broadcast %jit3A_504 : f32 to vector<8x10xf32>
      %select_n3A_506 = arith.select %eq3A_490, %broadcast_in_dim3A_505, %concatenate3A_466 : vector<8x10xi1>, vector<8x10xf32>
      %reduce_max3A_507 = arith.constant dense<0xFF800000> : vector<8xf32>
      %reduce_max3A_508 = vector.multi_reduction <maximumf>, %select_n3A_506, %reduce_max3A_507 [1] : vector<8x10xf32> to vector<8xf32>
      %broadcast_in_dim3A_509 = vector.shape_cast %reduce_max3A_508 : vector<8xf32> to vector<8x1xf32>
      %eq3A_510 = vector.broadcast %broadcast_in_dim3A_509 : vector<8x1xf32> to vector<8x10xf32>
      %eq3A_511 = arith.cmpf oeq, %select_n3A_506, %eq3A_510 : vector<8x10xf32>
      %jit3A_512 = arith.constant 2147483647 : i32
      %broadcast_in_dim3A_513 = vector.broadcast %jit3A_512 : i32 to vector<8x10xi32>
      %select_n3A_514 = arith.select %eq3A_511, %iota3A_477, %broadcast_in_dim3A_513 : vector<8x10xi1>, vector<8x10xi32>
      %reduce_min3A_515 = arith.constant dense<2147483647> : vector<8xi32>
      %reduce_min3A_516 = vector.multi_reduction <minsi>, %select_n3A_514, %reduce_min3A_515 [1] : vector<8x10xi32> to vector<8xi32>
      %broadcast_in_dim3A_517 = vector.shape_cast %reduce_min3A_516 : vector<8xi32> to vector<8x1xi32>
      %eq3A_518 = vector.broadcast %broadcast_in_dim3A_517 : vector<8x1xi32> to vector<8x10xi32>
      %eq3A_519 = arith.cmpi eq, %iota3A_477, %eq3A_518 : vector<8x10xi32>
      %jit3A_520 = arith.constant 0 : i32
      %broadcast_in_dim3A_521 = vector.broadcast %jit3A_520 : i32 to vector<8x10xi32>
      %select_n3A_522 = arith.select %eq3A_519, %concatenate3A_470, %broadcast_in_dim3A_521 : vector<8x10xi1>, vector<8x10xi32>
      %reduce_sum3A_523 = arith.constant dense<0> : vector<8xi32>
      %reduce_sum3A_524 = vector.multi_reduction <add>, %select_n3A_522, %reduce_sum3A_523 [1] : vector<8x10xi32> to vector<8xi32>
      %broadcast_in_dim3A_525 = vector.shape_cast %reduce_sum3A_524 : vector<8xi32> to vector<8x1xi32>
      %jit3A_526 = arith.constant 0 : i32
      %convert_element_type3A_527 = arith.sitofp %jit3A_526 : i32 to f32
      %broadcast_in_dim3A_528 = vector.broadcast %convert_element_type3A_527 : f32 to vector<8x10xf32>
      %select_n3A_529 = arith.select %eq3A_519, %concatenate3A_476, %broadcast_in_dim3A_528 : vector<8x10xi1>, vector<8x10xf32>
      %reduce_sum3A_530 = arith.constant dense<0.000000e+00> : vector<8xf32>
      %reduce_sum3A_531 = vector.multi_reduction <add>, %select_n3A_529, %reduce_sum3A_530 [1] : vector<8x10xf32> to vector<8xf32>
      %broadcast_in_dim3A_532 = vector.shape_cast %reduce_sum3A_531 : vector<8xf32> to vector<8x1xf32>
      %concatenate3A_533 = tpu.concatenate %broadcast_in_dim3A_480, %broadcast_in_dim3A_509 in 1 : vector<8x1xf32>, vector<8x1xf32> -> vector<8x2xf32>
      %concatenate3A_534 = tpu.concatenate %broadcast_in_dim3A_496, %broadcast_in_dim3A_525 in 1 : vector<8x1xi32>, vector<8x1xi32> -> vector<8x2xi32>
      %concatenate3A_535 = tpu.concatenate %broadcast_in_dim3A_503, %broadcast_in_dim3A_532 in 1 : vector<8x1xf32>, vector<8x1xf32> -> vector<8x2xf32>
      %mul3A_536 = arith.constant 3.000000e-01 : f32
      %mul3A_537 = vector.broadcast %mul3A_536 : f32 to vector<8x2xf32>
      %mul3A_538 = arith.mulf %mul3A_537, %concatenate3A_535 : vector<8x2xf32>
      %add3A_539 = arith.constant 0.699999988 : f32
      %add3A_540 = vector.broadcast %add3A_539 : f32 to vector<8x2xf32>
      %add3A_541 = arith.addf %add3A_540, %mul3A_538 : vector<8x2xf32>
      %swap3A = arith.constant 0 : index
      %swap3A_542 = arith.constant 0 : index
      %swap3A_543 = vector.load %arg9[%swap3A, %swap3A_542] : memref<8x2xf32, #tpu.memory_space<vmem>>, vector<8x2xf32>
      tpu.vector_store %arg9[%swap3A, %swap3A_542], %concatenate3A_533 {strides = array<i32>} : memref<8x2xf32, #tpu.memory_space<vmem>>, vector<8x2xf32>,
      %reduce_sum3A_544 = arith.constant dense<0.000000e+00> : vector<8xf32>
      %reduce_sum3A_545 = vector.multi_reduction <add>, %add3A_541, %reduce_sum3A_544 [1] : vector<8x2xf32> to vector<8xf32>
      %broadcast_in_dim3A_546 = vector.shape_cast %reduce_sum3A_545 : vector<8xf32> to vector<8x1xf32>
      %div3A_547 = arith.constant 2.000000e+00 : f32
      %div3A_548 = vector.broadcast %div3A_547 : f32 to vector<8x1xf32>
      %div3A_549 = arith.divf %broadcast_in_dim3A_546, %div3A_548 : vector<8x1xf32>
      %swap3A_550 = arith.constant 0 : index
      %swap3A_551 = arith.constant 0 : index
      %swap3A_552 = vector.load %arg10[%swap3A_550, %swap3A_551] : memref<8x1xf32, #tpu.memory_space<vmem>>, vector<8x1xf32>
      tpu.vector_store %arg10[%swap3A_550, %swap3A_551], %div3A_549 {strides = array<i32>} : memref<8x1xf32, #tpu.memory_space<vmem>>, vector<8x1xf32>,
      %ge3A = arith.constant 100000 : i32
      %ge3A_553 = vector.broadcast %ge3A : i32 to vector<8x2xi32>
      %ge3A_554 = arith.cmpi sge, %concatenate3A_534, %ge3A_553 : vector<8x2xi32>
      %iota3A_555 = tpu.iota {dimensions = array<i32: 0>} : vector<8x2xi32>
      %iota3A_556 = tpu.iota {dimensions = array<i32: 1>} : vector<8x2xi32>
      %eq3A_557 = arith.constant 0 : i32
      %eq3A_558 = vector.broadcast %eq3A_557 : i32 to vector<8x2xi32>
      %eq3A_559 = arith.cmpi eq, %iota3A_555, %eq3A_558 : vector<8x2xi32>
      %eq3A_560 = arith.constant 0 : i32
      %eq3A_561 = vector.broadcast %eq3A_560 : i32 to vector<8x2xi32>
      %eq3A_562 = arith.cmpi eq, %iota3A_556, %eq3A_561 : vector<8x2xi32>
      %and3A_563 = arith.andi %eq3A_559, %eq3A_562 : vector<8x2xi1>
      %not3A = arith.constant dense<true> : vector<8x2xi1>
      %not3A_564 = arith.xori %ge3A_554, %not3A : vector<8x2xi1>
      %and3A_565 = arith.andi %and3A_563, %not3A_564 : vector<8x2xi1>
      %jit3A_566 = arith.constant 0 : i32
      %broadcast_in_dim3A_567 = vector.broadcast %jit3A_566 : i32 to vector<8x2xi32>
      %select_n3A_568 = arith.select %and3A_565, %concatenate3A_534, %broadcast_in_dim3A_567 : vector<8x2xi1>, vector<8x2xi32>
      %reduce_sum3A_569 = vector.shape_cast %select_n3A_568 : vector<8x2xi32> to vector<1x8x2xi32>
      %reduce_sum3A_570 = arith.constant dense<0> : vector<1xi32>
      %reduce_sum3A_571 = vector.multi_reduction <add>, %reduce_sum3A_569, %reduce_sum3A_570 [1, 2] : vector<1x8x2xi32> to vector<1xi32>
      %reduce_sum3A_572 = vector.shape_cast %reduce_sum3A_571 : vector<1xi32> to vector<1x1x1xi32>
      %reduce_sum3A_573 = vector.extract %reduce_sum3A_572[0, 0, 0] : i32 from vector<1x1x1xi32>
      %and3A_574 = arith.andi %and3A_563, %ge3A_554 : vector<8x2xi1>
      %sub3A = arith.constant 100000 : i32
      %sub3A_575 = vector.broadcast %sub3A : i32 to vector<8x2xi32>
      %sub3A_576 = arith.subi %concatenate3A_534, %sub3A_575 : vector<8x2xi32>
      %jit3A_577 = arith.constant 0 : i32
      %broadcast_in_dim3A_578 = vector.broadcast %jit3A_577 : i32 to vector<8x2xi32>
      %select_n3A_579 = arith.select %and3A_574, %sub3A_576, %broadcast_in_dim3A_578 : vector<8x2xi1>, vector<8x2xi32>
      %reduce_sum3A_580 = vector.shape_cast %select_n3A_579 : vector<8x2xi32> to vector<1x8x2xi32>
      %reduce_sum3A_581 = arith.constant dense<0> : vector<1xi32>
      %reduce_sum3A_582 = vector.multi_reduction <add>, %reduce_sum3A_580, %reduce_sum3A_581 [1, 2] : vector<1x8x2xi32> to vector<1xi32>
      %reduce_sum3A_583 = vector.shape_cast %reduce_sum3A_582 : vector<1xi32> to vector<1x1x1xi32>
      %reduce_sum3A_584 = vector.extract %reduce_sum3A_583[0, 0, 0] : i32 from vector<1x1x1xi32>
      %dma_start3A = arith.constant 0 : i32
      %dma_start3A_585 = arith.constant 0 : i32
      %dma_start3A_586 = tpu.memref_slice %arg15[%dma_start3A, %dma_start3A_585] : memref<16x64xf32, #tpu.memory_space<vmem>> -> memref<1x64xf32, #tpu.memory_space<vmem>>
      %dma_start3A_587 = arith.constant 0 : i32
      %dma_start3A_588 = tpu.memref_slice %arg8[%reduce_sum3A_573, %dma_start3A_587] : memref<100000x64xf32, #tpu.memory_space<any>> -> memref<1x64xf32, #tpu.memory_space<any>>
      tpu.enqueue_dma source(%dma_start3A_588 : memref<1x64xf32, #tpu.memory_space<any>>) target(%dma_start3A_586 : memref<1x64xf32, #tpu.memory_space<vmem>>) target_semaphore(%arg17 : memref<!tpu.dma_semaphore, #tpu.memory_space<semaphore_mem>>)
      %get3A_589 = arith.index_cast %reduce_sum3A_584 : i32 to index
      %get3A_590 = arith.constant 0 : index
      %get3A_591 = vector.load %arg6[%get3A_589, %get3A_590] : memref<16384x64xf32, #tpu.memory_space<vmem>>, vector<1x64xf32>
      %swap3A_592 = arith.constant 0 : index
      %swap3A_593 = arith.constant 0 : index
      %swap3A_594 = vector.load %arg16[%swap3A_592, %swap3A_593] : memref<16x64xf32, #tpu.memory_space<vmem>>, vector<1x64xf32>
      tpu.vector_store %arg16[%swap3A_592, %swap3A_593], %get3A_591 {strides = array<i32>} : memref<16x64xf32, #tpu.memory_space<vmem>>, vector<1x64xf32>,
      %eq3A_595 = arith.constant 0 : i32
      %eq3A_596 = vector.broadcast %eq3A_595 : i32 to vector<8x2xi32>
      %eq3A_597 = arith.cmpi eq, %iota3A_555, %eq3A_596 : vector<8x2xi32>
      %eq3A_598 = arith.constant 1 : i32
      %eq3A_599 = vector.broadcast %eq3A_598 : i32 to vector<8x2xi32>
      %eq3A_600 = arith.cmpi eq, %iota3A_556, %eq3A_599 : vector<8x2xi32>
      %and3A_601 = arith.andi %eq3A_597, %eq3A_600 : vector<8x2xi1>
      %not3A_602 = arith.constant dense<true> : vector<8x2xi1>
      %not3A_603 = arith.xori %ge3A_554, %not3A_602 : vector<8x2xi1>
      %and3A_604 = arith.andi %and3A_601, %not3A_603 : vector<8x2xi1>
      %jit3A_605 = arith.constant 0 : i32
      %broadcast_in_dim3A_606 = vector.broadcast %jit3A_605 : i32 to vector<8x2xi32>
      %select_n3A_607 = arith.select %and3A_604, %concatenate3A_534, %broadcast_in_dim3A_606 : vector<8x2xi1>, vector<8x2xi32>
      %reduce_sum3A_608 = vector.shape_cast %select_n3A_607 : vector<8x2xi32> to vector<1x8x2xi32>
      %reduce_sum3A_609 = arith.constant dense<0> : vector<1xi32>
      %reduce_sum3A_610 = vector.multi_reduction <add>, %reduce_sum3A_608, %reduce_sum3A_609 [1, 2] : vector<1x8x2xi32> to vector<1xi32>
      %reduce_sum3A_611 = vector.shape_cast %reduce_sum3A_610 : vector<1xi32> to vector<1x1x1xi32>
      %reduce_sum3A_612 = vector.extract %reduce_sum3A_611[0, 0, 0] : i32 from vector<1x1x1xi32>
      %and3A_613 = arith.andi %and3A_601, %ge3A_554 : vector<8x2xi1>
      %sub3A_614 = arith.constant 100000 : i32
      %sub3A_615 = vector.broadcast %sub3A_614 : i32 to vector<8x2xi32>
      %sub3A_616 = arith.subi %concatenate3A_534, %sub3A_615 : vector<8x2xi32>
      %jit3A_617 = arith.constant 0 : i32
      %broadcast_in_dim3A_618 = vector.broadcast %jit3A_617 : i32 to vector<8x2xi32>
      %select_n3A_619 = arith.select %and3A_613, %sub3A_616, %broadcast_in_dim3A_618 : vector<8x2xi1>, vector<8x2xi32>
      %reduce_sum3A_620 = vector.shape_cast %select_n3A_619 : vector<8x2xi32> to vector<1x8x2xi32>
      %reduce_sum3A_621 = arith.constant dense<0> : vector<1xi32>
      %reduce_sum3A_622 = vector.multi_reduction <add>, %reduce_sum3A_620, %reduce_sum3A_621 [1, 2] : vector<1x8x2xi32> to vector<1xi32>
      %reduce_sum3A_623 = vector.shape_cast %reduce_sum3A_622 : vector<1xi32> to vector<1x1x1xi32>
      %reduce_sum3A_624 = vector.extract %reduce_sum3A_623[0, 0, 0] : i32 from vector<1x1x1xi32>
      %dma_start3A_625 = arith.constant 1 : i32
      %dma_start3A_626 = arith.constant 0 : i32
      %dma_start3A_627 = tpu.memref_slice %arg15[%dma_start3A_625, %dma_start3A_626] : memref<16x64xf32, #tpu.memory_space<vmem>> -> memref<1x64xf32, #tpu.memory_space<vmem>>
      %dma_start3A_628 = arith.constant 0 : i32
      %dma_start3A_629 = tpu.memref_slice %arg8[%reduce_sum3A_612, %dma_start3A_628] : memref<100000x64xf32, #tpu.memory_space<any>> -> memref<1x64xf32, #tpu.memory_space<any>>
      tpu.enqueue_dma source(%dma_start3A_629 : memref<1x64xf32, #tpu.memory_space<any>>) target(%dma_start3A_627 : memref<1x64xf32, #tpu.memory_space<vmem>>) target_semaphore(%arg17 : memref<!tpu.dma_semaphore, #tpu.memory_space<semaphore_mem>>)
      %get3A_630 = arith.index_cast %reduce_sum3A_624 : i32 to index
      %get3A_631 = arith.constant 0 : index
      %get3A_632 = vector.load %arg6[%get3A_630, %get3A_631] : memref<16384x64xf32, #tpu.memory_space<vmem>>, vector<1x64xf32>
      %swap3A_633 = arith.constant 1 : index
      %swap3A_634 = arith.constant 0 : index
      %swap3A_635 = vector.load %arg16[%swap3A_633, %swap3A_634] : memref<16x64xf32, #tpu.memory_space<vmem>>, vector<1x64xf32>
      tpu.vector_store %arg16[%swap3A_633, %swap3A_634], %get3A_632 {strides = array<i32>} : memref<16x64xf32, #tpu.memory_space<vmem>>, vector<1x64xf32>,
      %eq3A_636 = arith.constant 1 : i32
      %eq3A_637 = vector.broadcast %eq3A_636 : i32 to vector<8x2xi32>
      %eq3A_638 = arith.cmpi eq, %iota3A_555, %eq3A_637 : vector<8x2xi32>
      %eq3A_639 = arith.constant 0 : i32
      %eq3A_640 = vector.broadcast %eq3A_639 : i32 to vector<8x2xi32>
      %eq3A_641 = arith.cmpi eq, %iota3A_556, %eq3A_640 : vector<8x2xi32>
      %and3A_642 = arith.andi %eq3A_638, %eq3A_641 : vector<8x2xi1>
      %not3A_643 = arith.constant dense<true> : vector<8x2xi1>
      %not3A_644 = arith.xori %ge3A_554, %not3A_643 : vector<8x2xi1>
      %and3A_645 = arith.andi %and3A_642, %not3A_644 : vector<8x2xi1>
      %jit3A_646 = arith.constant 0 : i32
      %broadcast_in_dim3A_647 = vector.broadcast %jit3A_646 : i32 to vector<8x2xi32>
      %select_n3A_648 = arith.select %and3A_645, %concatenate3A_534, %broadcast_in_dim3A_647 : vector<8x2xi1>, vector<8x2xi32>
      %reduce_sum3A_649 = vector.shape_cast %select_n3A_648 : vector<8x2xi32> to vector<1x8x2xi32>
      %reduce_sum3A_650 = arith.constant dense<0> : vector<1xi32>
      %reduce_sum3A_651 = vector.multi_reduction <add>, %reduce_sum3A_649, %reduce_sum3A_650 [1, 2] : vector<1x8x2xi32> to vector<1xi32>
      %reduce_sum3A_652 = vector.shape_cast %reduce_sum3A_651 : vector<1xi32> to vector<1x1x1xi32>
      %reduce_sum3A_653 = vector.extract %reduce_sum3A_652[0, 0, 0] : i32 from vector<1x1x1xi32>
      %and3A_654 = arith.andi %and3A_642, %ge3A_554 : vector<8x2xi1>
      %sub3A_655 = arith.constant 100000 : i32
      %sub3A_656 = vector.broadcast %sub3A_655 : i32 to vector<8x2xi32>
      %sub3A_657 = arith.subi %concatenate3A_534, %sub3A_656 : vector<8x2xi32>
      %jit3A_658 = arith.constant 0 : i32
      %broadcast_in_dim3A_659 = vector.broadcast %jit3A_658 : i32 to vector<8x2xi32>
      %select_n3A_660 = arith.select %and3A_654, %sub3A_657, %broadcast_in_dim3A_659 : vector<8x2xi1>, vector<8x2xi32>
      %reduce_sum3A_661 = vector.shape_cast %select_n3A_660 : vector<8x2xi32> to vector<1x8x2xi32>
      %reduce_sum3A_662 = arith.constant dense<0> : vector<1xi32>
      %reduce_sum3A_663 = vector.multi_reduction <add>, %reduce_sum3A_661, %reduce_sum3A_662 [1, 2] : vector<1x8x2xi32> to vector<1xi32>
      %reduce_sum3A_664 = vector.shape_cast %reduce_sum3A_663 : vector<1xi32> to vector<1x1x1xi32>
      %reduce_sum3A_665 = vector.extract %reduce_sum3A_664[0, 0, 0] : i32 from vector<1x1x1xi32>
      %dma_start3A_666 = arith.constant 2 : i32
      %dma_start3A_667 = arith.constant 0 : i32
      %dma_start3A_668 = tpu.memref_slice %arg15[%dma_start3A_666, %dma_start3A_667] : memref<16x64xf32, #tpu.memory_space<vmem>> -> memref<1x64xf32, #tpu.memory_space<vmem>>
      %dma_start3A_669 = arith.constant 0 : i32
      %dma_start3A_670 = tpu.memref_slice %arg8[%reduce_sum3A_653, %dma_start3A_669] : memref<100000x64xf32, #tpu.memory_space<any>> -> memref<1x64xf32, #tpu.memory_space<any>>
      tpu.enqueue_dma source(%dma_start3A_670 : memref<1x64xf32, #tpu.memory_space<any>>) target(%dma_start3A_668 : memref<1x64xf32, #tpu.memory_space<vmem>>) target_semaphore(%arg17 : memref<!tpu.dma_semaphore, #tpu.memory_space<semaphore_mem>>)
      %get3A_671 = arith.index_cast %reduce_sum3A_665 : i32 to index
      %get3A_672 = arith.constant 0 : index
      %get3A_673 = vector.load %arg6[%get3A_671, %get3A_672] : memref<16384x64xf32, #tpu.memory_space<vmem>>, vector<1x64xf32>
      %swap3A_674 = arith.constant 2 : index
      %swap3A_675 = arith.constant 0 : index
      %swap3A_676 = vector.load %arg16[%swap3A_674, %swap3A_675] : memref<16x64xf32, #tpu.memory_space<vmem>>, vector<1x64xf32>
      tpu.vector_store %arg16[%swap3A_674, %swap3A_675], %get3A_673 {strides = array<i32>} : memref<16x64xf32, #tpu.memory_space<vmem>>, vector<1x64xf32>,
      %eq3A_677 = arith.constant 1 : i32
      %eq3A_678 = vector.broadcast %eq3A_677 : i32 to vector<8x2xi32>
      %eq3A_679 = arith.cmpi eq, %iota3A_555, %eq3A_678 : vector<8x2xi32>
      %eq3A_680 = arith.constant 1 : i32
      %eq3A_681 = vector.broadcast %eq3A_680 : i32 to vector<8x2xi32>
      %eq3A_682 = arith.cmpi eq, %iota3A_556, %eq3A_681 : vector<8x2xi32>
      %and3A_683 = arith.andi %eq3A_679, %eq3A_682 : vector<8x2xi1>
      %not3A_684 = arith.constant dense<true> : vector<8x2xi1>
      %not3A_685 = arith.xori %ge3A_554, %not3A_684 : vector<8x2xi1>
      %and3A_686 = arith.andi %and3A_683, %not3A_685 : vector<8x2xi1>
      %jit3A_687 = arith.constant 0 : i32
      %broadcast_in_dim3A_688 = vector.broadcast %jit3A_687 : i32 to vector<8x2xi32>
      %select_n3A_689 = arith.select %and3A_686, %concatenate3A_534, %broadcast_in_dim3A_688 : vector<8x2xi1>, vector<8x2xi32>
      %reduce_sum3A_690 = vector.shape_cast %select_n3A_689 : vector<8x2xi32> to vector<1x8x2xi32>
      %reduce_sum3A_691 = arith.constant dense<0> : vector<1xi32>
      %reduce_sum3A_692 = vector.multi_reduction <add>, %reduce_sum3A_690, %reduce_sum3A_691 [1, 2] : vector<1x8x2xi32> to vector<1xi32>
      %reduce_sum3A_693 = vector.shape_cast %reduce_sum3A_692 : vector<1xi32> to vector<1x1x1xi32>
      %reduce_sum3A_694 = vector.extract %reduce_sum3A_693[0, 0, 0] : i32 from vector<1x1x1xi32>
      %and3A_695 = arith.andi %and3A_683, %ge3A_554 : vector<8x2xi1>
      %sub3A_696 = arith.constant 100000 : i32
      %sub3A_697 = vector.broadcast %sub3A_696 : i32 to vector<8x2xi32>
      %sub3A_698 = arith.subi %concatenate3A_534, %sub3A_697 : vector<8x2xi32>
      %jit3A_699 = arith.constant 0 : i32
      %broadcast_in_dim3A_700 = vector.broadcast %jit3A_699 : i32 to vector<8x2xi32>
      %select_n3A_701 = arith.select %and3A_695, %sub3A_698, %broadcast_in_dim3A_700 : vector<8x2xi1>, vector<8x2xi32>
      %reduce_sum3A_702 = vector.shape_cast %select_n3A_701 : vector<8x2xi32> to vector<1x8x2xi32>
      %reduce_sum3A_703 = arith.constant dense<0> : vector<1xi32>
      %reduce_sum3A_704 = vector.multi_reduction <add>, %reduce_sum3A_702, %reduce_sum3A_703 [1, 2] : vector<1x8x2xi32> to vector<1xi32>
      %reduce_sum3A_705 = vector.shape_cast %reduce_sum3A_704 : vector<1xi32> to vector<1x1x1xi32>
      %reduce_sum3A_706 = vector.extract %reduce_sum3A_705[0, 0, 0] : i32 from vector<1x1x1xi32>
      %dma_start3A_707 = arith.constant 3 : i32
      %dma_start3A_708 = arith.constant 0 : i32
      %dma_start3A_709 = tpu.memref_slice %arg15[%dma_start3A_707, %dma_start3A_708] : memref<16x64xf32, #tpu.memory_space<vmem>> -> memref<1x64xf32, #tpu.memory_space<vmem>>
      %dma_start3A_710 = arith.constant 0 : i32
      %dma_start3A_711 = tpu.memref_slice %arg8[%reduce_sum3A_694, %dma_start3A_710] : memref<100000x64xf32, #tpu.memory_space<any>> -> memref<1x64xf32, #tpu.memory_space<any>>
      tpu.enqueue_dma source(%dma_start3A_711 : memref<1x64xf32, #tpu.memory_space<any>>) target(%dma_start3A_709 : memref<1x64xf32, #tpu.memory_space<vmem>>) target_semaphore(%arg17 : memref<!tpu.dma_semaphore, #tpu.memory_space<semaphore_mem>>)
      %get3A_712 = arith.index_cast %reduce_sum3A_706 : i32 to index
      %get3A_713 = arith.constant 0 : index
      %get3A_714 = vector.load %arg6[%get3A_712, %get3A_713] : memref<16384x64xf32, #tpu.memory_space<vmem>>, vector<1x64xf32>
      %swap3A_715 = arith.constant 3 : index
      %swap3A_716 = arith.constant 0 : index
      %swap3A_717 = vector.load %arg16[%swap3A_715, %swap3A_716] : memref<16x64xf32, #tpu.memory_space<vmem>>, vector<1x64xf32>
      tpu.vector_store %arg16[%swap3A_715, %swap3A_716], %get3A_714 {strides = array<i32>} : memref<16x64xf32, #tpu.memory_space<vmem>>, vector<1x64xf32>,
      %eq3A_718 = arith.constant 2 : i32
      %eq3A_719 = vector.broadcast %eq3A_718 : i32 to vector<8x2xi32>
      %eq3A_720 = arith.cmpi eq, %iota3A_555, %eq3A_719 : vector<8x2xi32>
      %eq3A_721 = arith.constant 0 : i32
      %eq3A_722 = vector.broadcast %eq3A_721 : i32 to vector<8x2xi32>
      %eq3A_723 = arith.cmpi eq, %iota3A_556, %eq3A_722 : vector<8x2xi32>
      %and3A_724 = arith.andi %eq3A_720, %eq3A_723 : vector<8x2xi1>
      %not3A_725 = arith.constant dense<true> : vector<8x2xi1>
      %not3A_726 = arith.xori %ge3A_554, %not3A_725 : vector<8x2xi1>
      %and3A_727 = arith.andi %and3A_724, %not3A_726 : vector<8x2xi1>
      %jit3A_728 = arith.constant 0 : i32
      %broadcast_in_dim3A_729 = vector.broadcast %jit3A_728 : i32 to vector<8x2xi32>
      %select_n3A_730 = arith.select %and3A_727, %concatenate3A_534, %broadcast_in_dim3A_729 : vector<8x2xi1>, vector<8x2xi32>
      %reduce_sum3A_731 = vector.shape_cast %select_n3A_730 : vector<8x2xi32> to vector<1x8x2xi32>
      %reduce_sum3A_732 = arith.constant dense<0> : vector<1xi32>
      %reduce_sum3A_733 = vector.multi_reduction <add>, %reduce_sum3A_731, %reduce_sum3A_732 [1, 2] : vector<1x8x2xi32> to vector<1xi32>
      %reduce_sum3A_734 = vector.shape_cast %reduce_sum3A_733 : vector<1xi32> to vector<1x1x1xi32>
      %reduce_sum3A_735 = vector.extract %reduce_sum3A_734[0, 0, 0] : i32 from vector<1x1x1xi32>
      %and3A_736 = arith.andi %and3A_724, %ge3A_554 : vector<8x2xi1>
      %sub3A_737 = arith.constant 100000 : i32
      %sub3A_738 = vector.broadcast %sub3A_737 : i32 to vector<8x2xi32>
      %sub3A_739 = arith.subi %concatenate3A_534, %sub3A_738 : vector<8x2xi32>
      %jit3A_740 = arith.constant 0 : i32
      %broadcast_in_dim3A_741 = vector.broadcast %jit3A_740 : i32 to vector<8x2xi32>
      %select_n3A_742 = arith.select %and3A_736, %sub3A_739, %broadcast_in_dim3A_741 : vector<8x2xi1>, vector<8x2xi32>
      %reduce_sum3A_743 = vector.shape_cast %select_n3A_742 : vector<8x2xi32> to vector<1x8x2xi32>
      %reduce_sum3A_744 = arith.constant dense<0> : vector<1xi32>
      %reduce_sum3A_745 = vector.multi_reduction <add>, %reduce_sum3A_743, %reduce_sum3A_744 [1, 2] : vector<1x8x2xi32> to vector<1xi32>
      %reduce_sum3A_746 = vector.shape_cast %reduce_sum3A_745 : vector<1xi32> to vector<1x1x1xi32>
      %reduce_sum3A_747 = vector.extract %reduce_sum3A_746[0, 0, 0] : i32 from vector<1x1x1xi32>
      %dma_start3A_748 = arith.constant 4 : i32
      %dma_start3A_749 = arith.constant 0 : i32
      %dma_start3A_750 = tpu.memref_slice %arg15[%dma_start3A_748, %dma_start3A_749] : memref<16x64xf32, #tpu.memory_space<vmem>> -> memref<1x64xf32, #tpu.memory_space<vmem>>
      %dma_start3A_751 = arith.constant 0 : i32
      %dma_start3A_752 = tpu.memref_slice %arg8[%reduce_sum3A_735, %dma_start3A_751] : memref<100000x64xf32, #tpu.memory_space<any>> -> memref<1x64xf32, #tpu.memory_space<any>>
      tpu.enqueue_dma source(%dma_start3A_752 : memref<1x64xf32, #tpu.memory_space<any>>) target(%dma_start3A_750 : memref<1x64xf32, #tpu.memory_space<vmem>>) target_semaphore(%arg17 : memref<!tpu.dma_semaphore, #tpu.memory_space<semaphore_mem>>)
      %get3A_753 = arith.index_cast %reduce_sum3A_747 : i32 to index
      %get3A_754 = arith.constant 0 : index
      %get3A_755 = vector.load %arg6[%get3A_753, %get3A_754] : memref<16384x64xf32, #tpu.memory_space<vmem>>, vector<1x64xf32>
      %swap3A_756 = arith.constant 4 : index
      %swap3A_757 = arith.constant 0 : index
      %swap3A_758 = vector.load %arg16[%swap3A_756, %swap3A_757] : memref<16x64xf32, #tpu.memory_space<vmem>>, vector<1x64xf32>
      tpu.vector_store %arg16[%swap3A_756, %swap3A_757], %get3A_755 {strides = array<i32>} : memref<16x64xf32, #tpu.memory_space<vmem>>, vector<1x64xf32>,
      %eq3A_759 = arith.constant 2 : i32
      %eq3A_760 = vector.broadcast %eq3A_759 : i32 to vector<8x2xi32>
      %eq3A_761 = arith.cmpi eq, %iota3A_555, %eq3A_760 : vector<8x2xi32>
      %eq3A_762 = arith.constant 1 : i32
      %eq3A_763 = vector.broadcast %eq3A_762 : i32 to vector<8x2xi32>
      %eq3A_764 = arith.cmpi eq, %iota3A_556, %eq3A_763 : vector<8x2xi32>
      %and3A_765 = arith.andi %eq3A_761, %eq3A_764 : vector<8x2xi1>
      %not3A_766 = arith.constant dense<true> : vector<8x2xi1>
      %not3A_767 = arith.xori %ge3A_554, %not3A_766 : vector<8x2xi1>
      %and3A_768 = arith.andi %and3A_765, %not3A_767 : vector<8x2xi1>
      %jit3A_769 = arith.constant 0 : i32
      %broadcast_in_dim3A_770 = vector.broadcast %jit3A_769 : i32 to vector<8x2xi32>
      %select_n3A_771 = arith.select %and3A_768, %concatenate3A_534, %broadcast_in_dim3A_770 : vector<8x2xi1>, vector<8x2xi32>
      %reduce_sum3A_772 = vector.shape_cast %select_n3A_771 : vector<8x2xi32> to vector<1x8x2xi32>
      %reduce_sum3A_773 = arith.constant dense<0> : vector<1xi32>
      %reduce_sum3A_774 = vector.multi_reduction <add>, %reduce_sum3A_772, %reduce_sum3A_773 [1, 2] : vector<1x8x2xi32> to vector<1xi32>
      %reduce_sum3A_775 = vector.shape_cast %reduce_sum3A_774 : vector<1xi32> to vector<1x1x1xi32>
      %reduce_sum3A_776 = vector.extract %reduce_sum3A_775[0, 0, 0] : i32 from vector<1x1x1xi32>
      %and3A_777 = arith.andi %and3A_765, %ge3A_554 : vector<8x2xi1>
      %sub3A_778 = arith.constant 100000 : i32
      %sub3A_779 = vector.broadcast %sub3A_778 : i32 to vector<8x2xi32>
      %sub3A_780 = arith.subi %concatenate3A_534, %sub3A_779 : vector<8x2xi32>
      %jit3A_781 = arith.constant 0 : i32
      %broadcast_in_dim3A_782 = vector.broadcast %jit3A_781 : i32 to vector<8x2xi32>
      %select_n3A_783 = arith.select %and3A_777, %sub3A_780, %broadcast_in_dim3A_782 : vector<8x2xi1>, vector<8x2xi32>
      %reduce_sum3A_784 = vector.shape_cast %select_n3A_783 : vector<8x2xi32> to vector<1x8x2xi32>
      %reduce_sum3A_785 = arith.constant dense<0> : vector<1xi32>
      %reduce_sum3A_786 = vector.multi_reduction <add>, %reduce_sum3A_784, %reduce_sum3A_785 [1, 2] : vector<1x8x2xi32> to vector<1xi32>
      %reduce_sum3A_787 = vector.shape_cast %reduce_sum3A_786 : vector<1xi32> to vector<1x1x1xi32>
      %reduce_sum3A_788 = vector.extract %reduce_sum3A_787[0, 0, 0] : i32 from vector<1x1x1xi32>
      %dma_start3A_789 = arith.constant 5 : i32
      %dma_start3A_790 = arith.constant 0 : i32
      %dma_start3A_791 = tpu.memref_slice %arg15[%dma_start3A_789, %dma_start3A_790] : memref<16x64xf32, #tpu.memory_space<vmem>> -> memref<1x64xf32, #tpu.memory_space<vmem>>
      %dma_start3A_792 = arith.constant 0 : i32
      %dma_start3A_793 = tpu.memref_slice %arg8[%reduce_sum3A_776, %dma_start3A_792] : memref<100000x64xf32, #tpu.memory_space<any>> -> memref<1x64xf32, #tpu.memory_space<any>>
      tpu.enqueue_dma source(%dma_start3A_793 : memref<1x64xf32, #tpu.memory_space<any>>) target(%dma_start3A_791 : memref<1x64xf32, #tpu.memory_space<vmem>>) target_semaphore(%arg17 : memref<!tpu.dma_semaphore, #tpu.memory_space<semaphore_mem>>)
      %get3A_794 = arith.index_cast %reduce_sum3A_788 : i32 to index
      %get3A_795 = arith.constant 0 : index
      %get3A_796 = vector.load %arg6[%get3A_794, %get3A_795] : memref<16384x64xf32, #tpu.memory_space<vmem>>, vector<1x64xf32>
      %swap3A_797 = arith.constant 5 : index
      %swap3A_798 = arith.constant 0 : index
      %swap3A_799 = vector.load %arg16[%swap3A_797, %swap3A_798] : memref<16x64xf32, #tpu.memory_space<vmem>>, vector<1x64xf32>
      tpu.vector_store %arg16[%swap3A_797, %swap3A_798], %get3A_796 {strides = array<i32>} : memref<16x64xf32, #tpu.memory_space<vmem>>, vector<1x64xf32>,
      %eq3A_800 = arith.constant 3 : i32
      %eq3A_801 = vector.broadcast %eq3A_800 : i32 to vector<8x2xi32>
      %eq3A_802 = arith.cmpi eq, %iota3A_555, %eq3A_801 : vector<8x2xi32>
      %eq3A_803 = arith.constant 0 : i32
      %eq3A_804 = vector.broadcast %eq3A_803 : i32 to vector<8x2xi32>
      %eq3A_805 = arith.cmpi eq, %iota3A_556, %eq3A_804 : vector<8x2xi32>
      %and3A_806 = arith.andi %eq3A_802, %eq3A_805 : vector<8x2xi1>
      %not3A_807 = arith.constant dense<true> : vector<8x2xi1>
      %not3A_808 = arith.xori %ge3A_554, %not3A_807 : vector<8x2xi1>
      %and3A_809 = arith.andi %and3A_806, %not3A_808 : vector<8x2xi1>
      %jit3A_810 = arith.constant 0 : i32
      %broadcast_in_dim3A_811 = vector.broadcast %jit3A_810 : i32 to vector<8x2xi32>
      %select_n3A_812 = arith.select %and3A_809, %concatenate3A_534, %broadcast_in_dim3A_811 : vector<8x2xi1>, vector<8x2xi32>
      %reduce_sum3A_813 = vector.shape_cast %select_n3A_812 : vector<8x2xi32> to vector<1x8x2xi32>
      %reduce_sum3A_814 = arith.constant dense<0> : vector<1xi32>
      %reduce_sum3A_815 = vector.multi_reduction <add>, %reduce_sum3A_813, %reduce_sum3A_814 [1, 2] : vector<1x8x2xi32> to vector<1xi32>
      %reduce_sum3A_816 = vector.shape_cast %reduce_sum3A_815 : vector<1xi32> to vector<1x1x1xi32>
      %reduce_sum3A_817 = vector.extract %reduce_sum3A_816[0, 0, 0] : i32 from vector<1x1x1xi32>
      %and3A_818 = arith.andi %and3A_806, %ge3A_554 : vector<8x2xi1>
      %sub3A_819 = arith.constant 100000 : i32
      %sub3A_820 = vector.broadcast %sub3A_819 : i32 to vector<8x2xi32>
      %sub3A_821 = arith.subi %concatenate3A_534, %sub3A_820 : vector<8x2xi32>
      %jit3A_822 = arith.constant 0 : i32
      %broadcast_in_dim3A_823 = vector.broadcast %jit3A_822 : i32 to vector<8x2xi32>
      %select_n3A_824 = arith.select %and3A_818, %sub3A_821, %broadcast_in_dim3A_823 : vector<8x2xi1>, vector<8x2xi32>
      %reduce_sum3A_825 = vector.shape_cast %select_n3A_824 : vector<8x2xi32> to vector<1x8x2xi32>
      %reduce_sum3A_826 = arith.constant dense<0> : vector<1xi32>
      %reduce_sum3A_827 = vector.multi_reduction <add>, %reduce_sum3A_825, %reduce_sum3A_826 [1, 2] : vector<1x8x2xi32> to vector<1xi32>
      %reduce_sum3A_828 = vector.shape_cast %reduce_sum3A_827 : vector<1xi32> to vector<1x1x1xi32>
      %reduce_sum3A_829 = vector.extract %reduce_sum3A_828[0, 0, 0] : i32 from vector<1x1x1xi32>
      %dma_start3A_830 = arith.constant 6 : i32
      %dma_start3A_831 = arith.constant 0 : i32
      %dma_start3A_832 = tpu.memref_slice %arg15[%dma_start3A_830, %dma_start3A_831] : memref<16x64xf32, #tpu.memory_space<vmem>> -> memref<1x64xf32, #tpu.memory_space<vmem>>
      %dma_start3A_833 = arith.constant 0 : i32
      %dma_start3A_834 = tpu.memref_slice %arg8[%reduce_sum3A_817, %dma_start3A_833] : memref<100000x64xf32, #tpu.memory_space<any>> -> memref<1x64xf32, #tpu.memory_space<any>>
      tpu.enqueue_dma source(%dma_start3A_834 : memref<1x64xf32, #tpu.memory_space<any>>) target(%dma_start3A_832 : memref<1x64xf32, #tpu.memory_space<vmem>>) target_semaphore(%arg17 : memref<!tpu.dma_semaphore, #tpu.memory_space<semaphore_mem>>)
      %get3A_835 = arith.index_cast %reduce_sum3A_829 : i32 to index
      %get3A_836 = arith.constant 0 : index
      %get3A_837 = vector.load %arg6[%get3A_835, %get3A_836] : memref<16384x64xf32, #tpu.memory_space<vmem>>, vector<1x64xf32>
      %swap3A_838 = arith.constant 6 : index
      %swap3A_839 = arith.constant 0 : index
      %swap3A_840 = vector.load %arg16[%swap3A_838, %swap3A_839] : memref<16x64xf32, #tpu.memory_space<vmem>>, vector<1x64xf32>
      tpu.vector_store %arg16[%swap3A_838, %swap3A_839], %get3A_837 {strides = array<i32>} : memref<16x64xf32, #tpu.memory_space<vmem>>, vector<1x64xf32>,
      %eq3A_841 = arith.constant 3 : i32
      %eq3A_842 = vector.broadcast %eq3A_841 : i32 to vector<8x2xi32>
      %eq3A_843 = arith.cmpi eq, %iota3A_555, %eq3A_842 : vector<8x2xi32>
      %eq3A_844 = arith.constant 1 : i32
      %eq3A_845 = vector.broadcast %eq3A_844 : i32 to vector<8x2xi32>
      %eq3A_846 = arith.cmpi eq, %iota3A_556, %eq3A_845 : vector<8x2xi32>
      %and3A_847 = arith.andi %eq3A_843, %eq3A_846 : vector<8x2xi1>
      %not3A_848 = arith.constant dense<true> : vector<8x2xi1>
      %not3A_849 = arith.xori %ge3A_554, %not3A_848 : vector<8x2xi1>
      %and3A_850 = arith.andi %and3A_847, %not3A_849 : vector<8x2xi1>
      %jit3A_851 = arith.constant 0 : i32
      %broadcast_in_dim3A_852 = vector.broadcast %jit3A_851 : i32 to vector<8x2xi32>
      %select_n3A_853 = arith.select %and3A_850, %concatenate3A_534, %broadcast_in_dim3A_852 : vector<8x2xi1>, vector<8x2xi32>
      %reduce_sum3A_854 = vector.shape_cast %select_n3A_853 : vector<8x2xi32> to vector<1x8x2xi32>
      %reduce_sum3A_855 = arith.constant dense<0> : vector<1xi32>
      %reduce_sum3A_856 = vector.multi_reduction <add>, %reduce_sum3A_854, %reduce_sum3A_855 [1, 2] : vector<1x8x2xi32> to vector<1xi32>
      %reduce_sum3A_857 = vector.shape_cast %reduce_sum3A_856 : vector<1xi32> to vector<1x1x1xi32>
      %reduce_sum3A_858 = vector.extract %reduce_sum3A_857[0, 0, 0] : i32 from vector<1x1x1xi32>
      %and3A_859 = arith.andi %and3A_847, %ge3A_554 : vector<8x2xi1>
      %sub3A_860 = arith.constant 100000 : i32
      %sub3A_861 = vector.broadcast %sub3A_860 : i32 to vector<8x2xi32>
      %sub3A_862 = arith.subi %concatenate3A_534, %sub3A_861 : vector<8x2xi32>
      %jit3A_863 = arith.constant 0 : i32
      %broadcast_in_dim3A_864 = vector.broadcast %jit3A_863 : i32 to vector<8x2xi32>
      %select_n3A_865 = arith.select %and3A_859, %sub3A_862, %broadcast_in_dim3A_864 : vector<8x2xi1>, vector<8x2xi32>
      %reduce_sum3A_866 = vector.shape_cast %select_n3A_865 : vector<8x2xi32> to vector<1x8x2xi32>
      %reduce_sum3A_867 = arith.constant dense<0> : vector<1xi32>
      %reduce_sum3A_868 = vector.multi_reduction <add>, %reduce_sum3A_866, %reduce_sum3A_867 [1, 2] : vector<1x8x2xi32> to vector<1xi32>
      %reduce_sum3A_869 = vector.shape_cast %reduce_sum3A_868 : vector<1xi32> to vector<1x1x1xi32>
      %reduce_sum3A_870 = vector.extract %reduce_sum3A_869[0, 0, 0] : i32 from vector<1x1x1xi32>
      %dma_start3A_871 = arith.constant 7 : i32
      %dma_start3A_872 = arith.constant 0 : i32
      %dma_start3A_873 = tpu.memref_slice %arg15[%dma_start3A_871, %dma_start3A_872] : memref<16x64xf32, #tpu.memory_space<vmem>> -> memref<1x64xf32, #tpu.memory_space<vmem>>
      %dma_start3A_874 = arith.constant 0 : i32
      %dma_start3A_875 = tpu.memref_slice %arg8[%reduce_sum3A_858, %dma_start3A_874] : memref<100000x64xf32, #tpu.memory_space<any>> -> memref<1x64xf32, #tpu.memory_space<any>>
      tpu.enqueue_dma source(%dma_start3A_875 : memref<1x64xf32, #tpu.memory_space<any>>) target(%dma_start3A_873 : memref<1x64xf32, #tpu.memory_space<vmem>>) target_semaphore(%arg17 : memref<!tpu.dma_semaphore, #tpu.memory_space<semaphore_mem>>)
      %get3A_876 = arith.index_cast %reduce_sum3A_870 : i32 to index
      %get3A_877 = arith.constant 0 : index
      %get3A_878 = vector.load %arg6[%get3A_876, %get3A_877] : memref<16384x64xf32, #tpu.memory_space<vmem>>, vector<1x64xf32>
      %swap3A_879 = arith.constant 7 : index
      %swap3A_880 = arith.constant 0 : index
      %swap3A_881 = vector.load %arg16[%swap3A_879, %swap3A_880] : memref<16x64xf32, #tpu.memory_space<vmem>>, vector<1x64xf32>
      tpu.vector_store %arg16[%swap3A_879, %swap3A_880], %get3A_878 {strides = array<i32>} : memref<16x64xf32, #tpu.memory_space<vmem>>, vector<1x64xf32>,
      %eq3A_882 = arith.constant 4 : i32
      %eq3A_883 = vector.broadcast %eq3A_882 : i32 to vector<8x2xi32>
      %eq3A_884 = arith.cmpi eq, %iota3A_555, %eq3A_883 : vector<8x2xi32>
      %eq3A_885 = arith.constant 0 : i32
      %eq3A_886 = vector.broadcast %eq3A_885 : i32 to vector<8x2xi32>
      %eq3A_887 = arith.cmpi eq, %iota3A_556, %eq3A_886 : vector<8x2xi32>
      %and3A_888 = arith.andi %eq3A_884, %eq3A_887 : vector<8x2xi1>
      %not3A_889 = arith.constant dense<true> : vector<8x2xi1>
      %not3A_890 = arith.xori %ge3A_554, %not3A_889 : vector<8x2xi1>
      %and3A_891 = arith.andi %and3A_888, %not3A_890 : vector<8x2xi1>
      %jit3A_892 = arith.constant 0 : i32
      %broadcast_in_dim3A_893 = vector.broadcast %jit3A_892 : i32 to vector<8x2xi32>
      %select_n3A_894 = arith.select %and3A_891, %concatenate3A_534, %broadcast_in_dim3A_893 : vector<8x2xi1>, vector<8x2xi32>
      %reduce_sum3A_895 = vector.shape_cast %select_n3A_894 : vector<8x2xi32> to vector<1x8x2xi32>
      %reduce_sum3A_896 = arith.constant dense<0> : vector<1xi32>
      %reduce_sum3A_897 = vector.multi_reduction <add>, %reduce_sum3A_895, %reduce_sum3A_896 [1, 2] : vector<1x8x2xi32> to vector<1xi32>
      %reduce_sum3A_898 = vector.shape_cast %reduce_sum3A_897 : vector<1xi32> to vector<1x1x1xi32>
      %reduce_sum3A_899 = vector.extract %reduce_sum3A_898[0, 0, 0] : i32 from vector<1x1x1xi32>
      %and3A_900 = arith.andi %and3A_888, %ge3A_554 : vector<8x2xi1>
      %sub3A_901 = arith.constant 100000 : i32
      %sub3A_902 = vector.broadcast %sub3A_901 : i32 to vector<8x2xi32>
      %sub3A_903 = arith.subi %concatenate3A_534, %sub3A_902 : vector<8x2xi32>
      %jit3A_904 = arith.constant 0 : i32
      %broadcast_in_dim3A_905 = vector.broadcast %jit3A_904 : i32 to vector<8x2xi32>
      %select_n3A_906 = arith.select %and3A_900, %sub3A_903, %broadcast_in_dim3A_905 : vector<8x2xi1>, vector<8x2xi32>
      %reduce_sum3A_907 = vector.shape_cast %select_n3A_906 : vector<8x2xi32> to vector<1x8x2xi32>
      %reduce_sum3A_908 = arith.constant dense<0> : vector<1xi32>
      %reduce_sum3A_909 = vector.multi_reduction <add>, %reduce_sum3A_907, %reduce_sum3A_908 [1, 2] : vector<1x8x2xi32> to vector<1xi32>
      %reduce_sum3A_910 = vector.shape_cast %reduce_sum3A_909 : vector<1xi32> to vector<1x1x1xi32>
      %reduce_sum3A_911 = vector.extract %reduce_sum3A_910[0, 0, 0] : i32 from vector<1x1x1xi32>
      %dma_start3A_912 = arith.constant 8 : i32
      %dma_start3A_913 = arith.constant 0 : i32
      %dma_start3A_914 = tpu.memref_slice %arg15[%dma_start3A_912, %dma_start3A_913] : memref<16x64xf32, #tpu.memory_space<vmem>> -> memref<1x64xf32, #tpu.memory_space<vmem>>
      %dma_start3A_915 = arith.constant 0 : i32
      %dma_start3A_916 = tpu.memref_slice %arg8[%reduce_sum3A_899, %dma_start3A_915] : memref<100000x64xf32, #tpu.memory_space<any>> -> memref<1x64xf32, #tpu.memory_space<any>>
      tpu.enqueue_dma source(%dma_start3A_916 : memref<1x64xf32, #tpu.memory_space<any>>) target(%dma_start3A_914 : memref<1x64xf32, #tpu.memory_space<vmem>>) target_semaphore(%arg17 : memref<!tpu.dma_semaphore, #tpu.memory_space<semaphore_mem>>)
      %get3A_917 = arith.index_cast %reduce_sum3A_911 : i32 to index
      %get3A_918 = arith.constant 0 : index
      %get3A_919 = vector.load %arg6[%get3A_917, %get3A_918] : memref<16384x64xf32, #tpu.memory_space<vmem>>, vector<1x64xf32>
      %swap3A_920 = arith.constant 8 : index
      %swap3A_921 = arith.constant 0 : index
      %swap3A_922 = vector.load %arg16[%swap3A_920, %swap3A_921] : memref<16x64xf32, #tpu.memory_space<vmem>>, vector<1x64xf32>
      tpu.vector_store %arg16[%swap3A_920, %swap3A_921], %get3A_919 {strides = array<i32>} : memref<16x64xf32, #tpu.memory_space<vmem>>, vector<1x64xf32>,
      %eq3A_923 = arith.constant 4 : i32
      %eq3A_924 = vector.broadcast %eq3A_923 : i32 to vector<8x2xi32>
      %eq3A_925 = arith.cmpi eq, %iota3A_555, %eq3A_924 : vector<8x2xi32>
      %eq3A_926 = arith.constant 1 : i32
      %eq3A_927 = vector.broadcast %eq3A_926 : i32 to vector<8x2xi32>
      %eq3A_928 = arith.cmpi eq, %iota3A_556, %eq3A_927 : vector<8x2xi32>
      %and3A_929 = arith.andi %eq3A_925, %eq3A_928 : vector<8x2xi1>
      %not3A_930 = arith.constant dense<true> : vector<8x2xi1>
      %not3A_931 = arith.xori %ge3A_554, %not3A_930 : vector<8x2xi1>
      %and3A_932 = arith.andi %and3A_929, %not3A_931 : vector<8x2xi1>
      %jit3A_933 = arith.constant 0 : i32
      %broadcast_in_dim3A_934 = vector.broadcast %jit3A_933 : i32 to vector<8x2xi32>
      %select_n3A_935 = arith.select %and3A_932, %concatenate3A_534, %broadcast_in_dim3A_934 : vector<8x2xi1>, vector<8x2xi32>
      %reduce_sum3A_936 = vector.shape_cast %select_n3A_935 : vector<8x2xi32> to vector<1x8x2xi32>
      %reduce_sum3A_937 = arith.constant dense<0> : vector<1xi32>
      %reduce_sum3A_938 = vector.multi_reduction <add>, %reduce_sum3A_936, %reduce_sum3A_937 [1, 2] : vector<1x8x2xi32> to vector<1xi32>
      %reduce_sum3A_939 = vector.shape_cast %reduce_sum3A_938 : vector<1xi32> to vector<1x1x1xi32>
      %reduce_sum3A_940 = vector.extract %reduce_sum3A_939[0, 0, 0] : i32 from vector<1x1x1xi32>
      %and3A_941 = arith.andi %and3A_929, %ge3A_554 : vector<8x2xi1>
      %sub3A_942 = arith.constant 100000 : i32
      %sub3A_943 = vector.broadcast %sub3A_942 : i32 to vector<8x2xi32>
      %sub3A_944 = arith.subi %concatenate3A_534, %sub3A_943 : vector<8x2xi32>
      %jit3A_945 = arith.constant 0 : i32
      %broadcast_in_dim3A_946 = vector.broadcast %jit3A_945 : i32 to vector<8x2xi32>
      %select_n3A_947 = arith.select %and3A_941, %sub3A_944, %broadcast_in_dim3A_946 : vector<8x2xi1>, vector<8x2xi32>
      %reduce_sum3A_948 = vector.shape_cast %select_n3A_947 : vector<8x2xi32> to vector<1x8x2xi32>
      %reduce_sum3A_949 = arith.constant dense<0> : vector<1xi32>
      %reduce_sum3A_950 = vector.multi_reduction <add>, %reduce_sum3A_948, %reduce_sum3A_949 [1, 2] : vector<1x8x2xi32> to vector<1xi32>
      %reduce_sum3A_951 = vector.shape_cast %reduce_sum3A_950 : vector<1xi32> to vector<1x1x1xi32>
      %reduce_sum3A_952 = vector.extract %reduce_sum3A_951[0, 0, 0] : i32 from vector<1x1x1xi32>
      %dma_start3A_953 = arith.constant 9 : i32
      %dma_start3A_954 = arith.constant 0 : i32
      %dma_start3A_955 = tpu.memref_slice %arg15[%dma_start3A_953, %dma_start3A_954] : memref<16x64xf32, #tpu.memory_space<vmem>> -> memref<1x64xf32, #tpu.memory_space<vmem>>
      %dma_start3A_956 = arith.constant 0 : i32
      %dma_start3A_957 = tpu.memref_slice %arg8[%reduce_sum3A_940, %dma_start3A_956] : memref<100000x64xf32, #tpu.memory_space<any>> -> memref<1x64xf32, #tpu.memory_space<any>>
      tpu.enqueue_dma source(%dma_start3A_957 : memref<1x64xf32, #tpu.memory_space<any>>) target(%dma_start3A_955 : memref<1x64xf32, #tpu.memory_space<vmem>>) target_semaphore(%arg17 : memref<!tpu.dma_semaphore, #tpu.memory_space<semaphore_mem>>)
      %get3A_958 = arith.index_cast %reduce_sum3A_952 : i32 to index
      %get3A_959 = arith.constant 0 : index
      %get3A_960 = vector.load %arg6[%get3A_958, %get3A_959] : memref<16384x64xf32, #tpu.memory_space<vmem>>, vector<1x64xf32>
      %swap3A_961 = arith.constant 9 : index
      %swap3A_962 = arith.constant 0 : index
      %swap3A_963 = vector.load %arg16[%swap3A_961, %swap3A_962] : memref<16x64xf32, #tpu.memory_space<vmem>>, vector<1x64xf32>
      tpu.vector_store %arg16[%swap3A_961, %swap3A_962], %get3A_960 {strides = array<i32>} : memref<16x64xf32, #tpu.memory_space<vmem>>, vector<1x64xf32>,
      %eq3A_964 = arith.constant 5 : i32
      %eq3A_965 = vector.broadcast %eq3A_964 : i32 to vector<8x2xi32>
      %eq3A_966 = arith.cmpi eq, %iota3A_555, %eq3A_965 : vector<8x2xi32>
      %eq3A_967 = arith.constant 0 : i32
      %eq3A_968 = vector.broadcast %eq3A_967 : i32 to vector<8x2xi32>
      %eq3A_969 = arith.cmpi eq, %iota3A_556, %eq3A_968 : vector<8x2xi32>
      %and3A_970 = arith.andi %eq3A_966, %eq3A_969 : vector<8x2xi1>
      %not3A_971 = arith.constant dense<true> : vector<8x2xi1>
      %not3A_972 = arith.xori %ge3A_554, %not3A_971 : vector<8x2xi1>
      %and3A_973 = arith.andi %and3A_970, %not3A_972 : vector<8x2xi1>
      %jit3A_974 = arith.constant 0 : i32
      %broadcast_in_dim3A_975 = vector.broadcast %jit3A_974 : i32 to vector<8x2xi32>
      %select_n3A_976 = arith.select %and3A_973, %concatenate3A_534, %broadcast_in_dim3A_975 : vector<8x2xi1>, vector<8x2xi32>
      %reduce_sum3A_977 = vector.shape_cast %select_n3A_976 : vector<8x2xi32> to vector<1x8x2xi32>
      %reduce_sum3A_978 = arith.constant dense<0> : vector<1xi32>
      %reduce_sum3A_979 = vector.multi_reduction <add>, %reduce_sum3A_977, %reduce_sum3A_978 [1, 2] : vector<1x8x2xi32> to vector<1xi32>
      %reduce_sum3A_980 = vector.shape_cast %reduce_sum3A_979 : vector<1xi32> to vector<1x1x1xi32>
      %reduce_sum3A_981 = vector.extract %reduce_sum3A_980[0, 0, 0] : i32 from vector<1x1x1xi32>
      %and3A_982 = arith.andi %and3A_970, %ge3A_554 : vector<8x2xi1>
      %sub3A_983 = arith.constant 100000 : i32
      %sub3A_984 = vector.broadcast %sub3A_983 : i32 to vector<8x2xi32>
      %sub3A_985 = arith.subi %concatenate3A_534, %sub3A_984 : vector<8x2xi32>
      %jit3A_986 = arith.constant 0 : i32
      %broadcast_in_dim3A_987 = vector.broadcast %jit3A_986 : i32 to vector<8x2xi32>
      %select_n3A_988 = arith.select %and3A_982, %sub3A_985, %broadcast_in_dim3A_987 : vector<8x2xi1>, vector<8x2xi32>
      %reduce_sum3A_989 = vector.shape_cast %select_n3A_988 : vector<8x2xi32> to vector<1x8x2xi32>
      %reduce_sum3A_990 = arith.constant dense<0> : vector<1xi32>
      %reduce_sum3A_991 = vector.multi_reduction <add>, %reduce_sum3A_989, %reduce_sum3A_990 [1, 2] : vector<1x8x2xi32> to vector<1xi32>
      %reduce_sum3A_992 = vector.shape_cast %reduce_sum3A_991 : vector<1xi32> to vector<1x1x1xi32>
      %reduce_sum3A_993 = vector.extract %reduce_sum3A_992[0, 0, 0] : i32 from vector<1x1x1xi32>
      %dma_start3A_994 = arith.constant 10 : i32
      %dma_start3A_995 = arith.constant 0 : i32
      %dma_start3A_996 = tpu.memref_slice %arg15[%dma_start3A_994, %dma_start3A_995] : memref<16x64xf32, #tpu.memory_space<vmem>> -> memref<1x64xf32, #tpu.memory_space<vmem>>
      %dma_start3A_997 = arith.constant 0 : i32
      %dma_start3A_998 = tpu.memref_slice %arg8[%reduce_sum3A_981, %dma_start3A_997] : memref<100000x64xf32, #tpu.memory_space<any>> -> memref<1x64xf32, #tpu.memory_space<any>>
      tpu.enqueue_dma source(%dma_start3A_998 : memref<1x64xf32, #tpu.memory_space<any>>) target(%dma_start3A_996 : memref<1x64xf32, #tpu.memory_space<vmem>>) target_semaphore(%arg17 : memref<!tpu.dma_semaphore, #tpu.memory_space<semaphore_mem>>)
      %get3A_999 = arith.index_cast %reduce_sum3A_993 : i32 to index
      %get3A_1000 = arith.constant 0 : index
      %get3A_1001 = vector.load %arg6[%get3A_999, %get3A_1000] : memref<16384x64xf32, #tpu.memory_space<vmem>>, vector<1x64xf32>
      %swap3A_1002 = arith.constant 10 : index
      %swap3A_1003 = arith.constant 0 : index
      %swap3A_1004 = vector.load %arg16[%swap3A_1002, %swap3A_1003] : memref<16x64xf32, #tpu.memory_space<vmem>>, vector<1x64xf32>
      tpu.vector_store %arg16[%swap3A_1002, %swap3A_1003], %get3A_1001 {strides = array<i32>} : memref<16x64xf32, #tpu.memory_space<vmem>>, vector<1x64xf32>,
      %eq3A_1005 = arith.constant 5 : i32
      %eq3A_1006 = vector.broadcast %eq3A_1005 : i32 to vector<8x2xi32>
      %eq3A_1007 = arith.cmpi eq, %iota3A_555, %eq3A_1006 : vector<8x2xi32>
      %eq3A_1008 = arith.constant 1 : i32
      %eq3A_1009 = vector.broadcast %eq3A_1008 : i32 to vector<8x2xi32>
      %eq3A_1010 = arith.cmpi eq, %iota3A_556, %eq3A_1009 : vector<8x2xi32>
      %and3A_1011 = arith.andi %eq3A_1007, %eq3A_1010 : vector<8x2xi1>
      %not3A_1012 = arith.constant dense<true> : vector<8x2xi1>
      %not3A_1013 = arith.xori %ge3A_554, %not3A_1012 : vector<8x2xi1>
      %and3A_1014 = arith.andi %and3A_1011, %not3A_1013 : vector<8x2xi1>
      %jit3A_1015 = arith.constant 0 : i32
      %broadcast_in_dim3A_1016 = vector.broadcast %jit3A_1015 : i32 to vector<8x2xi32>
      %select_n3A_1017 = arith.select %and3A_1014, %concatenate3A_534, %broadcast_in_dim3A_1016 : vector<8x2xi1>, vector<8x2xi32>
      %reduce_sum3A_1018 = vector.shape_cast %select_n3A_1017 : vector<8x2xi32> to vector<1x8x2xi32>
      %reduce_sum3A_1019 = arith.constant dense<0> : vector<1xi32>
      %reduce_sum3A_1020 = vector.multi_reduction <add>, %reduce_sum3A_1018, %reduce_sum3A_1019 [1, 2] : vector<1x8x2xi32> to vector<1xi32>
      %reduce_sum3A_1021 = vector.shape_cast %reduce_sum3A_1020 : vector<1xi32> to vector<1x1x1xi32>
      %reduce_sum3A_1022 = vector.extract %reduce_sum3A_1021[0, 0, 0] : i32 from vector<1x1x1xi32>
      %and3A_1023 = arith.andi %and3A_1011, %ge3A_554 : vector<8x2xi1>
      %sub3A_1024 = arith.constant 100000 : i32
      %sub3A_1025 = vector.broadcast %sub3A_1024 : i32 to vector<8x2xi32>
      %sub3A_1026 = arith.subi %concatenate3A_534, %sub3A_1025 : vector<8x2xi32>
      %jit3A_1027 = arith.constant 0 : i32
      %broadcast_in_dim3A_1028 = vector.broadcast %jit3A_1027 : i32 to vector<8x2xi32>
      %select_n3A_1029 = arith.select %and3A_1023, %sub3A_1026, %broadcast_in_dim3A_1028 : vector<8x2xi1>, vector<8x2xi32>
      %reduce_sum3A_1030 = vector.shape_cast %select_n3A_1029 : vector<8x2xi32> to vector<1x8x2xi32>
      %reduce_sum3A_1031 = arith.constant dense<0> : vector<1xi32>
      %reduce_sum3A_1032 = vector.multi_reduction <add>, %reduce_sum3A_1030, %reduce_sum3A_1031 [1, 2] : vector<1x8x2xi32> to vector<1xi32>
      %reduce_sum3A_1033 = vector.shape_cast %reduce_sum3A_1032 : vector<1xi32> to vector<1x1x1xi32>
      %reduce_sum3A_1034 = vector.extract %reduce_sum3A_1033[0, 0, 0] : i32 from vector<1x1x1xi32>
      %dma_start3A_1035 = arith.constant 11 : i32
      %dma_start3A_1036 = arith.constant 0 : i32
      %dma_start3A_1037 = tpu.memref_slice %arg15[%dma_start3A_1035, %dma_start3A_1036] : memref<16x64xf32, #tpu.memory_space<vmem>> -> memref<1x64xf32, #tpu.memory_space<vmem>>
      %dma_start3A_1038 = arith.constant 0 : i32
      %dma_start3A_1039 = tpu.memref_slice %arg8[%reduce_sum3A_1022, %dma_start3A_1038] : memref<100000x64xf32, #tpu.memory_space<any>> -> memref<1x64xf32, #tpu.memory_space<any>>
      tpu.enqueue_dma source(%dma_start3A_1039 : memref<1x64xf32, #tpu.memory_space<any>>) target(%dma_start3A_1037 : memref<1x64xf32, #tpu.memory_space<vmem>>) target_semaphore(%arg17 : memref<!tpu.dma_semaphore, #tpu.memory_space<semaphore_mem>>)
      %get3A_1040 = arith.index_cast %reduce_sum3A_1034 : i32 to index
      %get3A_1041 = arith.constant 0 : index
      %get3A_1042 = vector.load %arg6[%get3A_1040, %get3A_1041] : memref<16384x64xf32, #tpu.memory_space<vmem>>, vector<1x64xf32>
      %swap3A_1043 = arith.constant 11 : index
      %swap3A_1044 = arith.constant 0 : index
      %swap3A_1045 = vector.load %arg16[%swap3A_1043, %swap3A_1044] : memref<16x64xf32, #tpu.memory_space<vmem>>, vector<1x64xf32>
      tpu.vector_store %arg16[%swap3A_1043, %swap3A_1044], %get3A_1042 {strides = array<i32>} : memref<16x64xf32, #tpu.memory_space<vmem>>, vector<1x64xf32>,
      %eq3A_1046 = arith.constant 6 : i32
      %eq3A_1047 = vector.broadcast %eq3A_1046 : i32 to vector<8x2xi32>
      %eq3A_1048 = arith.cmpi eq, %iota3A_555, %eq3A_1047 : vector<8x2xi32>
      %eq3A_1049 = arith.constant 0 : i32
      %eq3A_1050 = vector.broadcast %eq3A_1049 : i32 to vector<8x2xi32>
      %eq3A_1051 = arith.cmpi eq, %iota3A_556, %eq3A_1050 : vector<8x2xi32>
      %and3A_1052 = arith.andi %eq3A_1048, %eq3A_1051 : vector<8x2xi1>
      %not3A_1053 = arith.constant dense<true> : vector<8x2xi1>
      %not3A_1054 = arith.xori %ge3A_554, %not3A_1053 : vector<8x2xi1>
      %and3A_1055 = arith.andi %and3A_1052, %not3A_1054 : vector<8x2xi1>
      %jit3A_1056 = arith.constant 0 : i32
      %broadcast_in_dim3A_1057 = vector.broadcast %jit3A_1056 : i32 to vector<8x2xi32>
      %select_n3A_1058 = arith.select %and3A_1055, %concatenate3A_534, %broadcast_in_dim3A_1057 : vector<8x2xi1>, vector<8x2xi32>
      %reduce_sum3A_1059 = vector.shape_cast %select_n3A_1058 : vector<8x2xi32> to vector<1x8x2xi32>
      %reduce_sum3A_1060 = arith.constant dense<0> : vector<1xi32>
      %reduce_sum3A_1061 = vector.multi_reduction <add>, %reduce_sum3A_1059, %reduce_sum3A_1060 [1, 2] : vector<1x8x2xi32> to vector<1xi32>
      %reduce_sum3A_1062 = vector.shape_cast %reduce_sum3A_1061 : vector<1xi32> to vector<1x1x1xi32>
      %reduce_sum3A_1063 = vector.extract %reduce_sum3A_1062[0, 0, 0] : i32 from vector<1x1x1xi32>
      %and3A_1064 = arith.andi %and3A_1052, %ge3A_554 : vector<8x2xi1>
      %sub3A_1065 = arith.constant 100000 : i32
      %sub3A_1066 = vector.broadcast %sub3A_1065 : i32 to vector<8x2xi32>
      %sub3A_1067 = arith.subi %concatenate3A_534, %sub3A_1066 : vector<8x2xi32>
      %jit3A_1068 = arith.constant 0 : i32
      %broadcast_in_dim3A_1069 = vector.broadcast %jit3A_1068 : i32 to vector<8x2xi32>
      %select_n3A_1070 = arith.select %and3A_1064, %sub3A_1067, %broadcast_in_dim3A_1069 : vector<8x2xi1>, vector<8x2xi32>
      %reduce_sum3A_1071 = vector.shape_cast %select_n3A_1070 : vector<8x2xi32> to vector<1x8x2xi32>
      %reduce_sum3A_1072 = arith.constant dense<0> : vector<1xi32>
      %reduce_sum3A_1073 = vector.multi_reduction <add>, %reduce_sum3A_1071, %reduce_sum3A_1072 [1, 2] : vector<1x8x2xi32> to vector<1xi32>
      %reduce_sum3A_1074 = vector.shape_cast %reduce_sum3A_1073 : vector<1xi32> to vector<1x1x1xi32>
      %reduce_sum3A_1075 = vector.extract %reduce_sum3A_1074[0, 0, 0] : i32 from vector<1x1x1xi32>
      %dma_start3A_1076 = arith.constant 12 : i32
      %dma_start3A_1077 = arith.constant 0 : i32
      %dma_start3A_1078 = tpu.memref_slice %arg15[%dma_start3A_1076, %dma_start3A_1077] : memref<16x64xf32, #tpu.memory_space<vmem>> -> memref<1x64xf32, #tpu.memory_space<vmem>>
      %dma_start3A_1079 = arith.constant 0 : i32
      %dma_start3A_1080 = tpu.memref_slice %arg8[%reduce_sum3A_1063, %dma_start3A_1079] : memref<100000x64xf32, #tpu.memory_space<any>> -> memref<1x64xf32, #tpu.memory_space<any>>
      tpu.enqueue_dma source(%dma_start3A_1080 : memref<1x64xf32, #tpu.memory_space<any>>) target(%dma_start3A_1078 : memref<1x64xf32, #tpu.memory_space<vmem>>) target_semaphore(%arg17 : memref<!tpu.dma_semaphore, #tpu.memory_space<semaphore_mem>>)
      %get3A_1081 = arith.index_cast %reduce_sum3A_1075 : i32 to index
      %get3A_1082 = arith.constant 0 : index
      %get3A_1083 = vector.load %arg6[%get3A_1081, %get3A_1082] : memref<16384x64xf32, #tpu.memory_space<vmem>>, vector<1x64xf32>
      %swap3A_1084 = arith.constant 12 : index
      %swap3A_1085 = arith.constant 0 : index
      %swap3A_1086 = vector.load %arg16[%swap3A_1084, %swap3A_1085] : memref<16x64xf32, #tpu.memory_space<vmem>>, vector<1x64xf32>
      tpu.vector_store %arg16[%swap3A_1084, %swap3A_1085], %get3A_1083 {strides = array<i32>} : memref<16x64xf32, #tpu.memory_space<vmem>>, vector<1x64xf32>,
      %eq3A_1087 = arith.constant 6 : i32
      %eq3A_1088 = vector.broadcast %eq3A_1087 : i32 to vector<8x2xi32>
      %eq3A_1089 = arith.cmpi eq, %iota3A_555, %eq3A_1088 : vector<8x2xi32>
      %eq3A_1090 = arith.constant 1 : i32
      %eq3A_1091 = vector.broadcast %eq3A_1090 : i32 to vector<8x2xi32>
      %eq3A_1092 = arith.cmpi eq, %iota3A_556, %eq3A_1091 : vector<8x2xi32>
      %and3A_1093 = arith.andi %eq3A_1089, %eq3A_1092 : vector<8x2xi1>
      %not3A_1094 = arith.constant dense<true> : vector<8x2xi1>
      %not3A_1095 = arith.xori %ge3A_554, %not3A_1094 : vector<8x2xi1>
      %and3A_1096 = arith.andi %and3A_1093, %not3A_1095 : vector<8x2xi1>
      %jit3A_1097 = arith.constant 0 : i32
      %broadcast_in_dim3A_1098 = vector.broadcast %jit3A_1097 : i32 to vector<8x2xi32>
      %select_n3A_1099 = arith.select %and3A_1096, %concatenate3A_534, %broadcast_in_dim3A_1098 : vector<8x2xi1>, vector<8x2xi32>
      %reduce_sum3A_1100 = vector.shape_cast %select_n3A_1099 : vector<8x2xi32> to vector<1x8x2xi32>
      %reduce_sum3A_1101 = arith.constant dense<0> : vector<1xi32>
      %reduce_sum3A_1102 = vector.multi_reduction <add>, %reduce_sum3A_1100, %reduce_sum3A_1101 [1, 2] : vector<1x8x2xi32> to vector<1xi32>
      %reduce_sum3A_1103 = vector.shape_cast %reduce_sum3A_1102 : vector<1xi32> to vector<1x1x1xi32>
      %reduce_sum3A_1104 = vector.extract %reduce_sum3A_1103[0, 0, 0] : i32 from vector<1x1x1xi32>
      %and3A_1105 = arith.andi %and3A_1093, %ge3A_554 : vector<8x2xi1>
      %sub3A_1106 = arith.constant 100000 : i32
      %sub3A_1107 = vector.broadcast %sub3A_1106 : i32 to vector<8x2xi32>
      %sub3A_1108 = arith.subi %concatenate3A_534, %sub3A_1107 : vector<8x2xi32>
      %jit3A_1109 = arith.constant 0 : i32
      %broadcast_in_dim3A_1110 = vector.broadcast %jit3A_1109 : i32 to vector<8x2xi32>
      %select_n3A_1111 = arith.select %and3A_1105, %sub3A_1108, %broadcast_in_dim3A_1110 : vector<8x2xi1>, vector<8x2xi32>
      %reduce_sum3A_1112 = vector.shape_cast %select_n3A_1111 : vector<8x2xi32> to vector<1x8x2xi32>
      %reduce_sum3A_1113 = arith.constant dense<0> : vector<1xi32>
      %reduce_sum3A_1114 = vector.multi_reduction <add>, %reduce_sum3A_1112, %reduce_sum3A_1113 [1, 2] : vector<1x8x2xi32> to vector<1xi32>
      %reduce_sum3A_1115 = vector.shape_cast %reduce_sum3A_1114 : vector<1xi32> to vector<1x1x1xi32>
      %reduce_sum3A_1116 = vector.extract %reduce_sum3A_1115[0, 0, 0] : i32 from vector<1x1x1xi32>
      %dma_start3A_1117 = arith.constant 13 : i32
      %dma_start3A_1118 = arith.constant 0 : i32
      %dma_start3A_1119 = tpu.memref_slice %arg15[%dma_start3A_1117, %dma_start3A_1118] : memref<16x64xf32, #tpu.memory_space<vmem>> -> memref<1x64xf32, #tpu.memory_space<vmem>>
      %dma_start3A_1120 = arith.constant 0 : i32
      %dma_start3A_1121 = tpu.memref_slice %arg8[%reduce_sum3A_1104, %dma_start3A_1120] : memref<100000x64xf32, #tpu.memory_space<any>> -> memref<1x64xf32, #tpu.memory_space<any>>
      tpu.enqueue_dma source(%dma_start3A_1121 : memref<1x64xf32, #tpu.memory_space<any>>) target(%dma_start3A_1119 : memref<1x64xf32, #tpu.memory_space<vmem>>) target_semaphore(%arg17 : memref<!tpu.dma_semaphore, #tpu.memory_space<semaphore_mem>>)
      %get3A_1122 = arith.index_cast %reduce_sum3A_1116 : i32 to index
      %get3A_1123 = arith.constant 0 : index
      %get3A_1124 = vector.load %arg6[%get3A_1122, %get3A_1123] : memref<16384x64xf32, #tpu.memory_space<vmem>>, vector<1x64xf32>
      %swap3A_1125 = arith.constant 13 : index
      %swap3A_1126 = arith.constant 0 : index
      %swap3A_1127 = vector.load %arg16[%swap3A_1125, %swap3A_1126] : memref<16x64xf32, #tpu.memory_space<vmem>>, vector<1x64xf32>
      tpu.vector_store %arg16[%swap3A_1125, %swap3A_1126], %get3A_1124 {strides = array<i32>} : memref<16x64xf32, #tpu.memory_space<vmem>>, vector<1x64xf32>,
      %eq3A_1128 = arith.constant 7 : i32
      %eq3A_1129 = vector.broadcast %eq3A_1128 : i32 to vector<8x2xi32>
      %eq3A_1130 = arith.cmpi eq, %iota3A_555, %eq3A_1129 : vector<8x2xi32>
      %eq3A_1131 = arith.constant 0 : i32
      %eq3A_1132 = vector.broadcast %eq3A_1131 : i32 to vector<8x2xi32>
      %eq3A_1133 = arith.cmpi eq, %iota3A_556, %eq3A_1132 : vector<8x2xi32>
      %and3A_1134 = arith.andi %eq3A_1130, %eq3A_1133 : vector<8x2xi1>
      %not3A_1135 = arith.constant dense<true> : vector<8x2xi1>
      %not3A_1136 = arith.xori %ge3A_554, %not3A_1135 : vector<8x2xi1>
      %and3A_1137 = arith.andi %and3A_1134, %not3A_1136 : vector<8x2xi1>
      %jit3A_1138 = arith.constant 0 : i32
      %broadcast_in_dim3A_1139 = vector.broadcast %jit3A_1138 : i32 to vector<8x2xi32>
      %select_n3A_1140 = arith.select %and3A_1137, %concatenate3A_534, %broadcast_in_dim3A_1139 : vector<8x2xi1>, vector<8x2xi32>
      %reduce_sum3A_1141 = vector.shape_cast %select_n3A_1140 : vector<8x2xi32> to vector<1x8x2xi32>
      %reduce_sum3A_1142 = arith.constant dense<0> : vector<1xi32>
      %reduce_sum3A_1143 = vector.multi_reduction <add>, %reduce_sum3A_1141, %reduce_sum3A_1142 [1, 2] : vector<1x8x2xi32> to vector<1xi32>
      %reduce_sum3A_1144 = vector.shape_cast %reduce_sum3A_1143 : vector<1xi32> to vector<1x1x1xi32>
      %reduce_sum3A_1145 = vector.extract %reduce_sum3A_1144[0, 0, 0] : i32 from vector<1x1x1xi32>
      %and3A_1146 = arith.andi %and3A_1134, %ge3A_554 : vector<8x2xi1>
      %sub3A_1147 = arith.constant 100000 : i32
      %sub3A_1148 = vector.broadcast %sub3A_1147 : i32 to vector<8x2xi32>
      %sub3A_1149 = arith.subi %concatenate3A_534, %sub3A_1148 : vector<8x2xi32>
      %jit3A_1150 = arith.constant 0 : i32
      %broadcast_in_dim3A_1151 = vector.broadcast %jit3A_1150 : i32 to vector<8x2xi32>
      %select_n3A_1152 = arith.select %and3A_1146, %sub3A_1149, %broadcast_in_dim3A_1151 : vector<8x2xi1>, vector<8x2xi32>
      %reduce_sum3A_1153 = vector.shape_cast %select_n3A_1152 : vector<8x2xi32> to vector<1x8x2xi32>
      %reduce_sum3A_1154 = arith.constant dense<0> : vector<1xi32>
      %reduce_sum3A_1155 = vector.multi_reduction <add>, %reduce_sum3A_1153, %reduce_sum3A_1154 [1, 2] : vector<1x8x2xi32> to vector<1xi32>
      %reduce_sum3A_1156 = vector.shape_cast %reduce_sum3A_1155 : vector<1xi32> to vector<1x1x1xi32>
      %reduce_sum3A_1157 = vector.extract %reduce_sum3A_1156[0, 0, 0] : i32 from vector<1x1x1xi32>
      %dma_start3A_1158 = arith.constant 14 : i32
      %dma_start3A_1159 = arith.constant 0 : i32
      %dma_start3A_1160 = tpu.memref_slice %arg15[%dma_start3A_1158, %dma_start3A_1159] : memref<16x64xf32, #tpu.memory_space<vmem>> -> memref<1x64xf32, #tpu.memory_space<vmem>>
      %dma_start3A_1161 = arith.constant 0 : i32
      %dma_start3A_1162 = tpu.memref_slice %arg8[%reduce_sum3A_1145, %dma_start3A_1161] : memref<100000x64xf32, #tpu.memory_space<any>> -> memref<1x64xf32, #tpu.memory_space<any>>
      tpu.enqueue_dma source(%dma_start3A_1162 : memref<1x64xf32, #tpu.memory_space<any>>) target(%dma_start3A_1160 : memref<1x64xf32, #tpu.memory_space<vmem>>) target_semaphore(%arg17 : memref<!tpu.dma_semaphore, #tpu.memory_space<semaphore_mem>>)
      %get3A_1163 = arith.index_cast %reduce_sum3A_1157 : i32 to index
      %get3A_1164 = arith.constant 0 : index
      %get3A_1165 = vector.load %arg6[%get3A_1163, %get3A_1164] : memref<16384x64xf32, #tpu.memory_space<vmem>>, vector<1x64xf32>
      %swap3A_1166 = arith.constant 14 : index
      %swap3A_1167 = arith.constant 0 : index
      %swap3A_1168 = vector.load %arg16[%swap3A_1166, %swap3A_1167] : memref<16x64xf32, #tpu.memory_space<vmem>>, vector<1x64xf32>
      tpu.vector_store %arg16[%swap3A_1166, %swap3A_1167], %get3A_1165 {strides = array<i32>} : memref<16x64xf32, #tpu.memory_space<vmem>>, vector<1x64xf32>,
      %eq3A_1169 = arith.constant 7 : i32
      %eq3A_1170 = vector.broadcast %eq3A_1169 : i32 to vector<8x2xi32>
      %eq3A_1171 = arith.cmpi eq, %iota3A_555, %eq3A_1170 : vector<8x2xi32>
      %eq3A_1172 = arith.constant 1 : i32
      %eq3A_1173 = vector.broadcast %eq3A_1172 : i32 to vector<8x2xi32>
      %eq3A_1174 = arith.cmpi eq, %iota3A_556, %eq3A_1173 : vector<8x2xi32>
      %and3A_1175 = arith.andi %eq3A_1171, %eq3A_1174 : vector<8x2xi1>
      %not3A_1176 = arith.constant dense<true> : vector<8x2xi1>
      %not3A_1177 = arith.xori %ge3A_554, %not3A_1176 : vector<8x2xi1>
      %and3A_1178 = arith.andi %and3A_1175, %not3A_1177 : vector<8x2xi1>
      %jit3A_1179 = arith.constant 0 : i32
      %broadcast_in_dim3A_1180 = vector.broadcast %jit3A_1179 : i32 to vector<8x2xi32>
      %select_n3A_1181 = arith.select %and3A_1178, %concatenate3A_534, %broadcast_in_dim3A_1180 : vector<8x2xi1>, vector<8x2xi32>
      %reduce_sum3A_1182 = vector.shape_cast %select_n3A_1181 : vector<8x2xi32> to vector<1x8x2xi32>
      %reduce_sum3A_1183 = arith.constant dense<0> : vector<1xi32>
      %reduce_sum3A_1184 = vector.multi_reduction <add>, %reduce_sum3A_1182, %reduce_sum3A_1183 [1, 2] : vector<1x8x2xi32> to vector<1xi32>
      %reduce_sum3A_1185 = vector.shape_cast %reduce_sum3A_1184 : vector<1xi32> to vector<1x1x1xi32>
      %reduce_sum3A_1186 = vector.extract %reduce_sum3A_1185[0, 0, 0] : i32 from vector<1x1x1xi32>
      %and3A_1187 = arith.andi %and3A_1175, %ge3A_554 : vector<8x2xi1>
      %sub3A_1188 = arith.constant 100000 : i32
      %sub3A_1189 = vector.broadcast %sub3A_1188 : i32 to vector<8x2xi32>
      %sub3A_1190 = arith.subi %concatenate3A_534, %sub3A_1189 : vector<8x2xi32>
      %jit3A_1191 = arith.constant 0 : i32
      %broadcast_in_dim3A_1192 = vector.broadcast %jit3A_1191 : i32 to vector<8x2xi32>
      %select_n3A_1193 = arith.select %and3A_1187, %sub3A_1190, %broadcast_in_dim3A_1192 : vector<8x2xi1>, vector<8x2xi32>
      %reduce_sum3A_1194 = vector.shape_cast %select_n3A_1193 : vector<8x2xi32> to vector<1x8x2xi32>
      %reduce_sum3A_1195 = arith.constant dense<0> : vector<1xi32>
      %reduce_sum3A_1196 = vector.multi_reduction <add>, %reduce_sum3A_1194, %reduce_sum3A_1195 [1, 2] : vector<1x8x2xi32> to vector<1xi32>
      %reduce_sum3A_1197 = vector.shape_cast %reduce_sum3A_1196 : vector<1xi32> to vector<1x1x1xi32>
      %reduce_sum3A_1198 = vector.extract %reduce_sum3A_1197[0, 0, 0] : i32 from vector<1x1x1xi32>
      %dma_start3A_1199 = arith.constant 15 : i32
      %dma_start3A_1200 = arith.constant 0 : i32
      %dma_start3A_1201 = tpu.memref_slice %arg15[%dma_start3A_1199, %dma_start3A_1200] : memref<16x64xf32, #tpu.memory_space<vmem>> -> memref<1x64xf32, #tpu.memory_space<vmem>>
      %dma_start3A_1202 = arith.constant 0 : i32
      %dma_start3A_1203 = tpu.memref_slice %arg8[%reduce_sum3A_1186, %dma_start3A_1202] : memref<100000x64xf32, #tpu.memory_space<any>> -> memref<1x64xf32, #tpu.memory_space<any>>
      tpu.enqueue_dma source(%dma_start3A_1203 : memref<1x64xf32, #tpu.memory_space<any>>) target(%dma_start3A_1201 : memref<1x64xf32, #tpu.memory_space<vmem>>) target_semaphore(%arg17 : memref<!tpu.dma_semaphore, #tpu.memory_space<semaphore_mem>>)
      %get3A_1204 = arith.index_cast %reduce_sum3A_1198 : i32 to index
      %get3A_1205 = arith.constant 0 : index
      %get3A_1206 = vector.load %arg6[%get3A_1204, %get3A_1205] : memref<16384x64xf32, #tpu.memory_space<vmem>>, vector<1x64xf32>
      %swap3A_1207 = arith.constant 15 : index
      %swap3A_1208 = arith.constant 0 : index
      %swap3A_1209 = vector.load %arg16[%swap3A_1207, %swap3A_1208] : memref<16x64xf32, #tpu.memory_space<vmem>>, vector<1x64xf32>
      tpu.vector_store %arg16[%swap3A_1207, %swap3A_1208], %get3A_1206 {strides = array<i32>} : memref<16x64xf32, #tpu.memory_space<vmem>>, vector<1x64xf32>,
      %dma_wait3A = arith.constant 0 : i32
      %dma_wait3A_1210 = arith.constant 0 : i32
      %dma_wait3A_1211 = tpu.memref_slice %arg15[%dma_wait3A, %dma_wait3A_1210] : memref<16x64xf32, #tpu.memory_space<vmem>> -> memref<1x64xf32, #tpu.memory_space<vmem>>
      %dma_wait3A_1212 = arith.constant 0 : i32
      %dma_wait3A_1213 = tpu.memref_slice %arg8[%reduce_sum3A_573, %dma_wait3A_1212] : memref<100000x64xf32, #tpu.memory_space<any>> -> memref<1x64xf32, #tpu.memory_space<any>>
      tpu.wait_dma2 semaphore(%arg17 : memref<!tpu.dma_semaphore, #tpu.memory_space<semaphore_mem>>) src(%dma_wait3A_1213 : memref<1x64xf32, #tpu.memory_space<any>>) dst(%dma_wait3A_1211 : memref<1x64xf32, #tpu.memory_space<vmem>>)
      %dma_wait3A_1214 = arith.constant 1 : i32
      %dma_wait3A_1215 = arith.constant 0 : i32
      %dma_wait3A_1216 = tpu.memref_slice %arg15[%dma_wait3A_1214, %dma_wait3A_1215] : memref<16x64xf32, #tpu.memory_space<vmem>> -> memref<1x64xf32, #tpu.memory_space<vmem>>
      %dma_wait3A_1217 = arith.constant 0 : i32
      %dma_wait3A_1218 = tpu.memref_slice %arg8[%reduce_sum3A_612, %dma_wait3A_1217] : memref<100000x64xf32, #tpu.memory_space<any>> -> memref<1x64xf32, #tpu.memory_space<any>>
      tpu.wait_dma2 semaphore(%arg17 : memref<!tpu.dma_semaphore, #tpu.memory_space<semaphore_mem>>) src(%dma_wait3A_1218 : memref<1x64xf32, #tpu.memory_space<any>>) dst(%dma_wait3A_1216 : memref<1x64xf32, #tpu.memory_space<vmem>>)
      %dma_wait3A_1219 = arith.constant 2 : i32
      %dma_wait3A_1220 = arith.constant 0 : i32
      %dma_wait3A_1221 = tpu.memref_slice %arg15[%dma_wait3A_1219, %dma_wait3A_1220] : memref<16x64xf32, #tpu.memory_space<vmem>> -> memref<1x64xf32, #tpu.memory_space<vmem>>
      %dma_wait3A_1222 = arith.constant 0 : i32
      %dma_wait3A_1223 = tpu.memref_slice %arg8[%reduce_sum3A_653, %dma_wait3A_1222] : memref<100000x64xf32, #tpu.memory_space<any>> -> memref<1x64xf32, #tpu.memory_space<any>>
      tpu.wait_dma2 semaphore(%arg17 : memref<!tpu.dma_semaphore, #tpu.memory_space<semaphore_mem>>) src(%dma_wait3A_1223 : memref<1x64xf32, #tpu.memory_space<any>>) dst(%dma_wait3A_1221 : memref<1x64xf32, #tpu.memory_space<vmem>>)
      %dma_wait3A_1224 = arith.constant 3 : i32
      %dma_wait3A_1225 = arith.constant 0 : i32
      %dma_wait3A_1226 = tpu.memref_slice %arg15[%dma_wait3A_1224, %dma_wait3A_1225] : memref<16x64xf32, #tpu.memory_space<vmem>> -> memref<1x64xf32, #tpu.memory_space<vmem>>
      %dma_wait3A_1227 = arith.constant 0 : i32
      %dma_wait3A_1228 = tpu.memref_slice %arg8[%reduce_sum3A_694, %dma_wait3A_1227] : memref<100000x64xf32, #tpu.memory_space<any>> -> memref<1x64xf32, #tpu.memory_space<any>>
      tpu.wait_dma2 semaphore(%arg17 : memref<!tpu.dma_semaphore, #tpu.memory_space<semaphore_mem>>) src(%dma_wait3A_1228 : memref<1x64xf32, #tpu.memory_space<any>>) dst(%dma_wait3A_1226 : memref<1x64xf32, #tpu.memory_space<vmem>>)
      %dma_wait3A_1229 = arith.constant 4 : i32
      %dma_wait3A_1230 = arith.constant 0 : i32
      %dma_wait3A_1231 = tpu.memref_slice %arg15[%dma_wait3A_1229, %dma_wait3A_1230] : memref<16x64xf32, #tpu.memory_space<vmem>> -> memref<1x64xf32, #tpu.memory_space<vmem>>
      %dma_wait3A_1232 = arith.constant 0 : i32
      %dma_wait3A_1233 = tpu.memref_slice %arg8[%reduce_sum3A_735, %dma_wait3A_1232] : memref<100000x64xf32, #tpu.memory_space<any>> -> memref<1x64xf32, #tpu.memory_space<any>>
      tpu.wait_dma2 semaphore(%arg17 : memref<!tpu.dma_semaphore, #tpu.memory_space<semaphore_mem>>) src(%dma_wait3A_1233 : memref<1x64xf32, #tpu.memory_space<any>>) dst(%dma_wait3A_1231 : memref<1x64xf32, #tpu.memory_space<vmem>>)
      %dma_wait3A_1234 = arith.constant 5 : i32
      %dma_wait3A_1235 = arith.constant 0 : i32
      %dma_wait3A_1236 = tpu.memref_slice %arg15[%dma_wait3A_1234, %dma_wait3A_1235] : memref<16x64xf32, #tpu.memory_space<vmem>> -> memref<1x64xf32, #tpu.memory_space<vmem>>
      %dma_wait3A_1237 = arith.constant 0 : i32
      %dma_wait3A_1238 = tpu.memref_slice %arg8[%reduce_sum3A_776, %dma_wait3A_1237] : memref<100000x64xf32, #tpu.memory_space<any>> -> memref<1x64xf32, #tpu.memory_space<any>>
      tpu.wait_dma2 semaphore(%arg17 : memref<!tpu.dma_semaphore, #tpu.memory_space<semaphore_mem>>) src(%dma_wait3A_1238 : memref<1x64xf32, #tpu.memory_space<any>>) dst(%dma_wait3A_1236 : memref<1x64xf32, #tpu.memory_space<vmem>>)
      %dma_wait3A_1239 = arith.constant 6 : i32
      %dma_wait3A_1240 = arith.constant 0 : i32
      %dma_wait3A_1241 = tpu.memref_slice %arg15[%dma_wait3A_1239, %dma_wait3A_1240] : memref<16x64xf32, #tpu.memory_space<vmem>> -> memref<1x64xf32, #tpu.memory_space<vmem>>
      %dma_wait3A_1242 = arith.constant 0 : i32
      %dma_wait3A_1243 = tpu.memref_slice %arg8[%reduce_sum3A_817, %dma_wait3A_1242] : memref<100000x64xf32, #tpu.memory_space<any>> -> memref<1x64xf32, #tpu.memory_space<any>>
      tpu.wait_dma2 semaphore(%arg17 : memref<!tpu.dma_semaphore, #tpu.memory_space<semaphore_mem>>) src(%dma_wait3A_1243 : memref<1x64xf32, #tpu.memory_space<any>>) dst(%dma_wait3A_1241 : memref<1x64xf32, #tpu.memory_space<vmem>>)
      %dma_wait3A_1244 = arith.constant 7 : i32
      %dma_wait3A_1245 = arith.constant 0 : i32
      %dma_wait3A_1246 = tpu.memref_slice %arg15[%dma_wait3A_1244, %dma_wait3A_1245] : memref<16x64xf32, #tpu.memory_space<vmem>> -> memref<1x64xf32, #tpu.memory_space<vmem>>
      %dma_wait3A_1247 = arith.constant 0 : i32
      %dma_wait3A_1248 = tpu.memref_slice %arg8[%reduce_sum3A_858, %dma_wait3A_1247] : memref<100000x64xf32, #tpu.memory_space<any>> -> memref<1x64xf32, #tpu.memory_space<any>>
      tpu.wait_dma2 semaphore(%arg17 : memref<!tpu.dma_semaphore, #tpu.memory_space<semaphore_mem>>) src(%dma_wait3A_1248 : memref<1x64xf32, #tpu.memory_space<any>>) dst(%dma_wait3A_1246 : memref<1x64xf32, #tpu.memory_space<vmem>>)
      %dma_wait3A_1249 = arith.constant 8 : i32
      %dma_wait3A_1250 = arith.constant 0 : i32
      %dma_wait3A_1251 = tpu.memref_slice %arg15[%dma_wait3A_1249, %dma_wait3A_1250] : memref<16x64xf32, #tpu.memory_space<vmem>> -> memref<1x64xf32, #tpu.memory_space<vmem>>
      %dma_wait3A_1252 = arith.constant 0 : i32
      %dma_wait3A_1253 = tpu.memref_slice %arg8[%reduce_sum3A_899, %dma_wait3A_1252] : memref<100000x64xf32, #tpu.memory_space<any>> -> memref<1x64xf32, #tpu.memory_space<any>>
      tpu.wait_dma2 semaphore(%arg17 : memref<!tpu.dma_semaphore, #tpu.memory_space<semaphore_mem>>) src(%dma_wait3A_1253 : memref<1x64xf32, #tpu.memory_space<any>>) dst(%dma_wait3A_1251 : memref<1x64xf32, #tpu.memory_space<vmem>>)
      %dma_wait3A_1254 = arith.constant 9 : i32
      %dma_wait3A_1255 = arith.constant 0 : i32
      %dma_wait3A_1256 = tpu.memref_slice %arg15[%dma_wait3A_1254, %dma_wait3A_1255] : memref<16x64xf32, #tpu.memory_space<vmem>> -> memref<1x64xf32, #tpu.memory_space<vmem>>
      %dma_wait3A_1257 = arith.constant 0 : i32
      %dma_wait3A_1258 = tpu.memref_slice %arg8[%reduce_sum3A_940, %dma_wait3A_1257] : memref<100000x64xf32, #tpu.memory_space<any>> -> memref<1x64xf32, #tpu.memory_space<any>>
      tpu.wait_dma2 semaphore(%arg17 : memref<!tpu.dma_semaphore, #tpu.memory_space<semaphore_mem>>) src(%dma_wait3A_1258 : memref<1x64xf32, #tpu.memory_space<any>>) dst(%dma_wait3A_1256 : memref<1x64xf32, #tpu.memory_space<vmem>>)
      %dma_wait3A_1259 = arith.constant 10 : i32
      %dma_wait3A_1260 = arith.constant 0 : i32
      %dma_wait3A_1261 = tpu.memref_slice %arg15[%dma_wait3A_1259, %dma_wait3A_1260] : memref<16x64xf32, #tpu.memory_space<vmem>> -> memref<1x64xf32, #tpu.memory_space<vmem>>
      %dma_wait3A_1262 = arith.constant 0 : i32
      %dma_wait3A_1263 = tpu.memref_slice %arg8[%reduce_sum3A_981, %dma_wait3A_1262] : memref<100000x64xf32, #tpu.memory_space<any>> -> memref<1x64xf32, #tpu.memory_space<any>>
      tpu.wait_dma2 semaphore(%arg17 : memref<!tpu.dma_semaphore, #tpu.memory_space<semaphore_mem>>) src(%dma_wait3A_1263 : memref<1x64xf32, #tpu.memory_space<any>>) dst(%dma_wait3A_1261 : memref<1x64xf32, #tpu.memory_space<vmem>>)
      %dma_wait3A_1264 = arith.constant 11 : i32
      %dma_wait3A_1265 = arith.constant 0 : i32
      %dma_wait3A_1266 = tpu.memref_slice %arg15[%dma_wait3A_1264, %dma_wait3A_1265] : memref<16x64xf32, #tpu.memory_space<vmem>> -> memref<1x64xf32, #tpu.memory_space<vmem>>
      %dma_wait3A_1267 = arith.constant 0 : i32
      %dma_wait3A_1268 = tpu.memref_slice %arg8[%reduce_sum3A_1022, %dma_wait3A_1267] : memref<100000x64xf32, #tpu.memory_space<any>> -> memref<1x64xf32, #tpu.memory_space<any>>
      tpu.wait_dma2 semaphore(%arg17 : memref<!tpu.dma_semaphore, #tpu.memory_space<semaphore_mem>>) src(%dma_wait3A_1268 : memref<1x64xf32, #tpu.memory_space<any>>) dst(%dma_wait3A_1266 : memref<1x64xf32, #tpu.memory_space<vmem>>)
      %dma_wait3A_1269 = arith.constant 12 : i32
      %dma_wait3A_1270 = arith.constant 0 : i32
      %dma_wait3A_1271 = tpu.memref_slice %arg15[%dma_wait3A_1269, %dma_wait3A_1270] : memref<16x64xf32, #tpu.memory_space<vmem>> -> memref<1x64xf32, #tpu.memory_space<vmem>>
      %dma_wait3A_1272 = arith.constant 0 : i32
      %dma_wait3A_1273 = tpu.memref_slice %arg8[%reduce_sum3A_1063, %dma_wait3A_1272] : memref<100000x64xf32, #tpu.memory_space<any>> -> memref<1x64xf32, #tpu.memory_space<any>>
      tpu.wait_dma2 semaphore(%arg17 : memref<!tpu.dma_semaphore, #tpu.memory_space<semaphore_mem>>) src(%dma_wait3A_1273 : memref<1x64xf32, #tpu.memory_space<any>>) dst(%dma_wait3A_1271 : memref<1x64xf32, #tpu.memory_space<vmem>>)
      %dma_wait3A_1274 = arith.constant 13 : i32
      %dma_wait3A_1275 = arith.constant 0 : i32
      %dma_wait3A_1276 = tpu.memref_slice %arg15[%dma_wait3A_1274, %dma_wait3A_1275] : memref<16x64xf32, #tpu.memory_space<vmem>> -> memref<1x64xf32, #tpu.memory_space<vmem>>
      %dma_wait3A_1277 = arith.constant 0 : i32
      %dma_wait3A_1278 = tpu.memref_slice %arg8[%reduce_sum3A_1104, %dma_wait3A_1277] : memref<100000x64xf32, #tpu.memory_space<any>> -> memref<1x64xf32, #tpu.memory_space<any>>
      tpu.wait_dma2 semaphore(%arg17 : memref<!tpu.dma_semaphore, #tpu.memory_space<semaphore_mem>>) src(%dma_wait3A_1278 : memref<1x64xf32, #tpu.memory_space<any>>) dst(%dma_wait3A_1276 : memref<1x64xf32, #tpu.memory_space<vmem>>)
      %dma_wait3A_1279 = arith.constant 14 : i32
      %dma_wait3A_1280 = arith.constant 0 : i32
      %dma_wait3A_1281 = tpu.memref_slice %arg15[%dma_wait3A_1279, %dma_wait3A_1280] : memref<16x64xf32, #tpu.memory_space<vmem>> -> memref<1x64xf32, #tpu.memory_space<vmem>>
      %dma_wait3A_1282 = arith.constant 0 : i32
      %dma_wait3A_1283 = tpu.memref_slice %arg8[%reduce_sum3A_1145, %dma_wait3A_1282] : memref<100000x64xf32, #tpu.memory_space<any>> -> memref<1x64xf32, #tpu.memory_space<any>>
      tpu.wait_dma2 semaphore(%arg17 : memref<!tpu.dma_semaphore, #tpu.memory_space<semaphore_mem>>) src(%dma_wait3A_1283 : memref<1x64xf32, #tpu.memory_space<any>>) dst(%dma_wait3A_1281 : memref<1x64xf32, #tpu.memory_space<vmem>>)
      %dma_wait3A_1284 = arith.constant 15 : i32
      %dma_wait3A_1285 = arith.constant 0 : i32
      %dma_wait3A_1286 = tpu.memref_slice %arg15[%dma_wait3A_1284, %dma_wait3A_1285] : memref<16x64xf32, #tpu.memory_space<vmem>> -> memref<1x64xf32, #tpu.memory_space<vmem>>
      %dma_wait3A_1287 = arith.constant 0 : i32
      %dma_wait3A_1288 = tpu.memref_slice %arg8[%reduce_sum3A_1186, %dma_wait3A_1287] : memref<100000x64xf32, #tpu.memory_space<any>> -> memref<1x64xf32, #tpu.memory_space<any>>
      tpu.wait_dma2 semaphore(%arg17 : memref<!tpu.dma_semaphore, #tpu.memory_space<semaphore_mem>>) src(%dma_wait3A_1288 : memref<1x64xf32, #tpu.memory_space<any>>) dst(%dma_wait3A_1286 : memref<1x64xf32, #tpu.memory_space<vmem>>)
      %iota3A_1289 = tpu.iota {dimensions = array<i32: 0>} : vector<16x64xi32>
      %broadcast_in_dim3A_1290 = arith.constant 0.000000e+00 : f32
      %broadcast_in_dim3A_1291 = vector.broadcast %broadcast_in_dim3A_1290 : f32 to vector<16x64xf32>
      %broadcast_in_dim3A_1292 = arith.constant 0.000000e+00 : f32
      %broadcast_in_dim3A_1293 = vector.broadcast %broadcast_in_dim3A_1292 : f32 to vector<16x64xf32>
      %convert_element_type3A_1294 = arith.extui %ge3A_554 : vector<8x2xi1> to vector<8x2xi32>
      %convert_element_type3A_1295 = arith.sitofp %convert_element_type3A_1294 : vector<8x2xi32> to vector<8x2xf32>
      %slice3A_1296 = vector.extract_strided_slice %add3A_541 {offsets = [0, 0], sizes = [1, 1], strides = [1, 1]} : vector<8x2xf32> to vector<1x1xf32>
      %broadcast_in_dim3A_1297 = vector.shape_cast %slice3A_1296 : vector<1x1xf32> to vector<1x1xf32>
      %broadcast_in_dim3A_1298 = vector.broadcast %broadcast_in_dim3A_1297 : vector<1x1xf32> to vector<16x64xf32>
      %slice3A_1299 = vector.extract_strided_slice %convert_element_type3A_1295 {offsets = [0, 0], sizes = [1, 1], strides = [1, 1]} : vector<8x2xf32> to vector<1x1xf32>
      %broadcast_in_dim3A_1300 = vector.shape_cast %slice3A_1299 : vector<1x1xf32> to vector<1x1xf32>
      %broadcast_in_dim3A_1301 = vector.broadcast %broadcast_in_dim3A_1300 : vector<1x1xf32> to vector<16x64xf32>
      %eq3A_1302 = arith.constant 0 : i32
      %eq3A_1303 = vector.broadcast %eq3A_1302 : i32 to vector<16x64xi32>
      %eq3A_1304 = arith.cmpi eq, %iota3A_1289, %eq3A_1303 : vector<16x64xi32>
      %convert_element_type3A_1305 = arith.extui %eq3A_1304 : vector<16x64xi1> to vector<16x64xi32>
      %convert_element_type3A_1306 = arith.sitofp %convert_element_type3A_1305 : vector<16x64xi32> to vector<16x64xf32>
      %mul3A_1307 = arith.mulf %convert_element_type3A_1306, %broadcast_in_dim3A_1298 : vector<16x64xf32>
      %sub3A_1308 = arith.constant 1.000000e+00 : f32
      %sub3A_1309 = vector.broadcast %sub3A_1308 : f32 to vector<16x64xf32>
      %sub3A_1310 = arith.subf %sub3A_1309, %broadcast_in_dim3A_1301 : vector<16x64xf32>
      %mul3A_1311 = arith.mulf %mul3A_1307, %sub3A_1310 : vector<16x64xf32>
      %add3A_1312 = arith.addf %broadcast_in_dim3A_1291, %mul3A_1311 : vector<16x64xf32>
      %mul3A_1313 = arith.mulf %convert_element_type3A_1306, %broadcast_in_dim3A_1298 : vector<16x64xf32>
      %mul3A_1314 = arith.mulf %mul3A_1313, %broadcast_in_dim3A_1301 : vector<16x64xf32>
      %add3A_1315 = arith.addf %broadcast_in_dim3A_1293, %mul3A_1314 : vector<16x64xf32>
      %slice3A_1316 = vector.extract_strided_slice %add3A_541 {offsets = [0, 1], sizes = [1, 1], strides = [1, 1]} : vector<8x2xf32> to vector<1x1xf32>
      %broadcast_in_dim3A_1317 = vector.shape_cast %slice3A_1316 : vector<1x1xf32> to vector<1x1xf32>
      %broadcast_in_dim3A_1318 = vector.broadcast %broadcast_in_dim3A_1317 : vector<1x1xf32> to vector<16x64xf32>
      %slice3A_1319 = vector.extract_strided_slice %convert_element_type3A_1295 {offsets = [0, 1], sizes = [1, 1], strides = [1, 1]} : vector<8x2xf32> to vector<1x1xf32>
      %broadcast_in_dim3A_1320 = vector.shape_cast %slice3A_1319 : vector<1x1xf32> to vector<1x1xf32>
      %broadcast_in_dim3A_1321 = vector.broadcast %broadcast_in_dim3A_1320 : vector<1x1xf32> to vector<16x64xf32>
      %eq3A_1322 = arith.constant 1 : i32
      %eq3A_1323 = vector.broadcast %eq3A_1322 : i32 to vector<16x64xi32>
      %eq3A_1324 = arith.cmpi eq, %iota3A_1289, %eq3A_1323 : vector<16x64xi32>
      %convert_element_type3A_1325 = arith.extui %eq3A_1324 : vector<16x64xi1> to vector<16x64xi32>
      %convert_element_type3A_1326 = arith.sitofp %convert_element_type3A_1325 : vector<16x64xi32> to vector<16x64xf32>
      %mul3A_1327 = arith.mulf %convert_element_type3A_1326, %broadcast_in_dim3A_1318 : vector<16x64xf32>
      %sub3A_1328 = arith.constant 1.000000e+00 : f32
      %sub3A_1329 = vector.broadcast %sub3A_1328 : f32 to vector<16x64xf32>
      %sub3A_1330 = arith.subf %sub3A_1329, %broadcast_in_dim3A_1321 : vector<16x64xf32>
      %mul3A_1331 = arith.mulf %mul3A_1327, %sub3A_1330 : vector<16x64xf32>
      %add3A_1332 = arith.addf %add3A_1312, %mul3A_1331 : vector<16x64xf32>
      %mul3A_1333 = arith.mulf %convert_element_type3A_1326, %broadcast_in_dim3A_1318 : vector<16x64xf32>
      %mul3A_1334 = arith.mulf %mul3A_1333, %broadcast_in_dim3A_1321 : vector<16x64xf32>
      %add3A_1335 = arith.addf %add3A_1315, %mul3A_1334 : vector<16x64xf32>
      %slice3A_1336 = vector.extract_strided_slice %add3A_541 {offsets = [1, 0], sizes = [1, 1], strides = [1, 1]} : vector<8x2xf32> to vector<1x1xf32>
      %broadcast_in_dim3A_1337 = vector.shape_cast %slice3A_1336 : vector<1x1xf32> to vector<1x1xf32>
      %broadcast_in_dim3A_1338 = vector.broadcast %broadcast_in_dim3A_1337 : vector<1x1xf32> to vector<16x64xf32>
      %slice3A_1339 = vector.extract_strided_slice %convert_element_type3A_1295 {offsets = [1, 0], sizes = [1, 1], strides = [1, 1]} : vector<8x2xf32> to vector<1x1xf32>
      %broadcast_in_dim3A_1340 = vector.shape_cast %slice3A_1339 : vector<1x1xf32> to vector<1x1xf32>
      %broadcast_in_dim3A_1341 = vector.broadcast %broadcast_in_dim3A_1340 : vector<1x1xf32> to vector<16x64xf32>
      %eq3A_1342 = arith.constant 2 : i32
      %eq3A_1343 = vector.broadcast %eq3A_1342 : i32 to vector<16x64xi32>
      %eq3A_1344 = arith.cmpi eq, %iota3A_1289, %eq3A_1343 : vector<16x64xi32>
      %convert_element_type3A_1345 = arith.extui %eq3A_1344 : vector<16x64xi1> to vector<16x64xi32>
      %convert_element_type3A_1346 = arith.sitofp %convert_element_type3A_1345 : vector<16x64xi32> to vector<16x64xf32>
      %mul3A_1347 = arith.mulf %convert_element_type3A_1346, %broadcast_in_dim3A_1338 : vector<16x64xf32>
      %sub3A_1348 = arith.constant 1.000000e+00 : f32
      %sub3A_1349 = vector.broadcast %sub3A_1348 : f32 to vector<16x64xf32>
      %sub3A_1350 = arith.subf %sub3A_1349, %broadcast_in_dim3A_1341 : vector<16x64xf32>
      %mul3A_1351 = arith.mulf %mul3A_1347, %sub3A_1350 : vector<16x64xf32>
      %add3A_1352 = arith.addf %add3A_1332, %mul3A_1351 : vector<16x64xf32>
      %mul3A_1353 = arith.mulf %convert_element_type3A_1346, %broadcast_in_dim3A_1338 : vector<16x64xf32>
      %mul3A_1354 = arith.mulf %mul3A_1353, %broadcast_in_dim3A_1341 : vector<16x64xf32>
      %add3A_1355 = arith.addf %add3A_1335, %mul3A_1354 : vector<16x64xf32>
      %slice3A_1356 = vector.extract_strided_slice %add3A_541 {offsets = [1, 1], sizes = [1, 1], strides = [1, 1]} : vector<8x2xf32> to vector<1x1xf32>
      %broadcast_in_dim3A_1357 = vector.shape_cast %slice3A_1356 : vector<1x1xf32> to vector<1x1xf32>
      %broadcast_in_dim3A_1358 = vector.broadcast %broadcast_in_dim3A_1357 : vector<1x1xf32> to vector<16x64xf32>
      %slice3A_1359 = vector.extract_strided_slice %convert_element_type3A_1295 {offsets = [1, 1], sizes = [1, 1], strides = [1, 1]} : vector<8x2xf32> to vector<1x1xf32>
      %broadcast_in_dim3A_1360 = vector.shape_cast %slice3A_1359 : vector<1x1xf32> to vector<1x1xf32>
      %broadcast_in_dim3A_1361 = vector.broadcast %broadcast_in_dim3A_1360 : vector<1x1xf32> to vector<16x64xf32>
      %eq3A_1362 = arith.constant 3 : i32
      %eq3A_1363 = vector.broadcast %eq3A_1362 : i32 to vector<16x64xi32>
      %eq3A_1364 = arith.cmpi eq, %iota3A_1289, %eq3A_1363 : vector<16x64xi32>
      %convert_element_type3A_1365 = arith.extui %eq3A_1364 : vector<16x64xi1> to vector<16x64xi32>
      %convert_element_type3A_1366 = arith.sitofp %convert_element_type3A_1365 : vector<16x64xi32> to vector<16x64xf32>
      %mul3A_1367 = arith.mulf %convert_element_type3A_1366, %broadcast_in_dim3A_1358 : vector<16x64xf32>
      %sub3A_1368 = arith.constant 1.000000e+00 : f32
      %sub3A_1369 = vector.broadcast %sub3A_1368 : f32 to vector<16x64xf32>
      %sub3A_1370 = arith.subf %sub3A_1369, %broadcast_in_dim3A_1361 : vector<16x64xf32>
      %mul3A_1371 = arith.mulf %mul3A_1367, %sub3A_1370 : vector<16x64xf32>
      %add3A_1372 = arith.addf %add3A_1352, %mul3A_1371 : vector<16x64xf32>
      %mul3A_1373 = arith.mulf %convert_element_type3A_1366, %broadcast_in_dim3A_1358 : vector<16x64xf32>
      %mul3A_1374 = arith.mulf %mul3A_1373, %broadcast_in_dim3A_1361 : vector<16x64xf32>
      %add3A_1375 = arith.addf %add3A_1355, %mul3A_1374 : vector<16x64xf32>
      %slice3A_1376 = vector.extract_strided_slice %add3A_541 {offsets = [2, 0], sizes = [1, 1], strides = [1, 1]} : vector<8x2xf32> to vector<1x1xf32>
      %broadcast_in_dim3A_1377 = vector.shape_cast %slice3A_1376 : vector<1x1xf32> to vector<1x1xf32>
      %broadcast_in_dim3A_1378 = vector.broadcast %broadcast_in_dim3A_1377 : vector<1x1xf32> to vector<16x64xf32>
      %slice3A_1379 = vector.extract_strided_slice %convert_element_type3A_1295 {offsets = [2, 0], sizes = [1, 1], strides = [1, 1]} : vector<8x2xf32> to vector<1x1xf32>
      %broadcast_in_dim3A_1380 = vector.shape_cast %slice3A_1379 : vector<1x1xf32> to vector<1x1xf32>
      %broadcast_in_dim3A_1381 = vector.broadcast %broadcast_in_dim3A_1380 : vector<1x1xf32> to vector<16x64xf32>
      %eq3A_1382 = arith.constant 4 : i32
      %eq3A_1383 = vector.broadcast %eq3A_1382 : i32 to vector<16x64xi32>
      %eq3A_1384 = arith.cmpi eq, %iota3A_1289, %eq3A_1383 : vector<16x64xi32>
      %convert_element_type3A_1385 = arith.extui %eq3A_1384 : vector<16x64xi1> to vector<16x64xi32>
      %convert_element_type3A_1386 = arith.sitofp %convert_element_type3A_1385 : vector<16x64xi32> to vector<16x64xf32>
      %mul3A_1387 = arith.mulf %convert_element_type3A_1386, %broadcast_in_dim3A_1378 : vector<16x64xf32>
      %sub3A_1388 = arith.constant 1.000000e+00 : f32
      %sub3A_1389 = vector.broadcast %sub3A_1388 : f32 to vector<16x64xf32>
      %sub3A_1390 = arith.subf %sub3A_1389, %broadcast_in_dim3A_1381 : vector<16x64xf32>
      %mul3A_1391 = arith.mulf %mul3A_1387, %sub3A_1390 : vector<16x64xf32>
      %add3A_1392 = arith.addf %add3A_1372, %mul3A_1391 : vector<16x64xf32>
      %mul3A_1393 = arith.mulf %convert_element_type3A_1386, %broadcast_in_dim3A_1378 : vector<16x64xf32>
      %mul3A_1394 = arith.mulf %mul3A_1393, %broadcast_in_dim3A_1381 : vector<16x64xf32>
      %add3A_1395 = arith.addf %add3A_1375, %mul3A_1394 : vector<16x64xf32>
      %slice3A_1396 = vector.extract_strided_slice %add3A_541 {offsets = [2, 1], sizes = [1, 1], strides = [1, 1]} : vector<8x2xf32> to vector<1x1xf32>
      %broadcast_in_dim3A_1397 = vector.shape_cast %slice3A_1396 : vector<1x1xf32> to vector<1x1xf32>
      %broadcast_in_dim3A_1398 = vector.broadcast %broadcast_in_dim3A_1397 : vector<1x1xf32> to vector<16x64xf32>
      %slice3A_1399 = vector.extract_strided_slice %convert_element_type3A_1295 {offsets = [2, 1], sizes = [1, 1], strides = [1, 1]} : vector<8x2xf32> to vector<1x1xf32>
      %broadcast_in_dim3A_1400 = vector.shape_cast %slice3A_1399 : vector<1x1xf32> to vector<1x1xf32>
      %broadcast_in_dim3A_1401 = vector.broadcast %broadcast_in_dim3A_1400 : vector<1x1xf32> to vector<16x64xf32>
      %eq3A_1402 = arith.constant 5 : i32
      %eq3A_1403 = vector.broadcast %eq3A_1402 : i32 to vector<16x64xi32>
      %eq3A_1404 = arith.cmpi eq, %iota3A_1289, %eq3A_1403 : vector<16x64xi32>
      %convert_element_type3A_1405 = arith.extui %eq3A_1404 : vector<16x64xi1> to vector<16x64xi32>
      %convert_element_type3A_1406 = arith.sitofp %convert_element_type3A_1405 : vector<16x64xi32> to vector<16x64xf32>
      %mul3A_1407 = arith.mulf %convert_element_type3A_1406, %broadcast_in_dim3A_1398 : vector<16x64xf32>
      %sub3A_1408 = arith.constant 1.000000e+00 : f32
      %sub3A_1409 = vector.broadcast %sub3A_1408 : f32 to vector<16x64xf32>
      %sub3A_1410 = arith.subf %sub3A_1409, %broadcast_in_dim3A_1401 : vector<16x64xf32>
      %mul3A_1411 = arith.mulf %mul3A_1407, %sub3A_1410 : vector<16x64xf32>
      %add3A_1412 = arith.addf %add3A_1392, %mul3A_1411 : vector<16x64xf32>
      %mul3A_1413 = arith.mulf %convert_element_type3A_1406, %broadcast_in_dim3A_1398 : vector<16x64xf32>
      %mul3A_1414 = arith.mulf %mul3A_1413, %broadcast_in_dim3A_1401 : vector<16x64xf32>
      %add3A_1415 = arith.addf %add3A_1395, %mul3A_1414 : vector<16x64xf32>
      %slice3A_1416 = vector.extract_strided_slice %add3A_541 {offsets = [3, 0], sizes = [1, 1], strides = [1, 1]} : vector<8x2xf32> to vector<1x1xf32>
      %broadcast_in_dim3A_1417 = vector.shape_cast %slice3A_1416 : vector<1x1xf32> to vector<1x1xf32>
      %broadcast_in_dim3A_1418 = vector.broadcast %broadcast_in_dim3A_1417 : vector<1x1xf32> to vector<16x64xf32>
      %slice3A_1419 = vector.extract_strided_slice %convert_element_type3A_1295 {offsets = [3, 0], sizes = [1, 1], strides = [1, 1]} : vector<8x2xf32> to vector<1x1xf32>
      %broadcast_in_dim3A_1420 = vector.shape_cast %slice3A_1419 : vector<1x1xf32> to vector<1x1xf32>
      %broadcast_in_dim3A_1421 = vector.broadcast %broadcast_in_dim3A_1420 : vector<1x1xf32> to vector<16x64xf32>
      %eq3A_1422 = arith.constant 6 : i32
      %eq3A_1423 = vector.broadcast %eq3A_1422 : i32 to vector<16x64xi32>
      %eq3A_1424 = arith.cmpi eq, %iota3A_1289, %eq3A_1423 : vector<16x64xi32>
      %convert_element_type3A_1425 = arith.extui %eq3A_1424 : vector<16x64xi1> to vector<16x64xi32>
      %convert_element_type3A_1426 = arith.sitofp %convert_element_type3A_1425 : vector<16x64xi32> to vector<16x64xf32>
      %mul3A_1427 = arith.mulf %convert_element_type3A_1426, %broadcast_in_dim3A_1418 : vector<16x64xf32>
      %sub3A_1428 = arith.constant 1.000000e+00 : f32
      %sub3A_1429 = vector.broadcast %sub3A_1428 : f32 to vector<16x64xf32>
      %sub3A_1430 = arith.subf %sub3A_1429, %broadcast_in_dim3A_1421 : vector<16x64xf32>
      %mul3A_1431 = arith.mulf %mul3A_1427, %sub3A_1430 : vector<16x64xf32>
      %add3A_1432 = arith.addf %add3A_1412, %mul3A_1431 : vector<16x64xf32>
      %mul3A_1433 = arith.mulf %convert_element_type3A_1426, %broadcast_in_dim3A_1418 : vector<16x64xf32>
      %mul3A_1434 = arith.mulf %mul3A_1433, %broadcast_in_dim3A_1421 : vector<16x64xf32>
      %add3A_1435 = arith.addf %add3A_1415, %mul3A_1434 : vector<16x64xf32>
      %slice3A_1436 = vector.extract_strided_slice %add3A_541 {offsets = [3, 1], sizes = [1, 1], strides = [1, 1]} : vector<8x2xf32> to vector<1x1xf32>
      %broadcast_in_dim3A_1437 = vector.shape_cast %slice3A_1436 : vector<1x1xf32> to vector<1x1xf32>
      %broadcast_in_dim3A_1438 = vector.broadcast %broadcast_in_dim3A_1437 : vector<1x1xf32> to vector<16x64xf32>
      %slice3A_1439 = vector.extract_strided_slice %convert_element_type3A_1295 {offsets = [3, 1], sizes = [1, 1], strides = [1, 1]} : vector<8x2xf32> to vector<1x1xf32>
      %broadcast_in_dim3A_1440 = vector.shape_cast %slice3A_1439 : vector<1x1xf32> to vector<1x1xf32>
      %broadcast_in_dim3A_1441 = vector.broadcast %broadcast_in_dim3A_1440 : vector<1x1xf32> to vector<16x64xf32>
      %eq3A_1442 = arith.constant 7 : i32
      %eq3A_1443 = vector.broadcast %eq3A_1442 : i32 to vector<16x64xi32>
      %eq3A_1444 = arith.cmpi eq, %iota3A_1289, %eq3A_1443 : vector<16x64xi32>
      %convert_element_type3A_1445 = arith.extui %eq3A_1444 : vector<16x64xi1> to vector<16x64xi32>
      %convert_element_type3A_1446 = arith.sitofp %convert_element_type3A_1445 : vector<16x64xi32> to vector<16x64xf32>
      %mul3A_1447 = arith.mulf %convert_element_type3A_1446, %broadcast_in_dim3A_1438 : vector<16x64xf32>
      %sub3A_1448 = arith.constant 1.000000e+00 : f32
      %sub3A_1449 = vector.broadcast %sub3A_1448 : f32 to vector<16x64xf32>
      %sub3A_1450 = arith.subf %sub3A_1449, %broadcast_in_dim3A_1441 : vector<16x64xf32>
      %mul3A_1451 = arith.mulf %mul3A_1447, %sub3A_1450 : vector<16x64xf32>
      %add3A_1452 = arith.addf %add3A_1432, %mul3A_1451 : vector<16x64xf32>
      %mul3A_1453 = arith.mulf %convert_element_type3A_1446, %broadcast_in_dim3A_1438 : vector<16x64xf32>
      %mul3A_1454 = arith.mulf %mul3A_1453, %broadcast_in_dim3A_1441 : vector<16x64xf32>
      %add3A_1455 = arith.addf %add3A_1435, %mul3A_1454 : vector<16x64xf32>
      %slice3A_1456 = vector.extract_strided_slice %add3A_541 {offsets = [4, 0], sizes = [1, 1], strides = [1, 1]} : vector<8x2xf32> to vector<1x1xf32>
      %broadcast_in_dim3A_1457 = vector.shape_cast %slice3A_1456 : vector<1x1xf32> to vector<1x1xf32>
      %broadcast_in_dim3A_1458 = vector.broadcast %broadcast_in_dim3A_1457 : vector<1x1xf32> to vector<16x64xf32>
      %slice3A_1459 = vector.extract_strided_slice %convert_element_type3A_1295 {offsets = [4, 0], sizes = [1, 1], strides = [1, 1]} : vector<8x2xf32> to vector<1x1xf32>
      %broadcast_in_dim3A_1460 = vector.shape_cast %slice3A_1459 : vector<1x1xf32> to vector<1x1xf32>
      %broadcast_in_dim3A_1461 = vector.broadcast %broadcast_in_dim3A_1460 : vector<1x1xf32> to vector<16x64xf32>
      %eq3A_1462 = arith.constant 8 : i32
      %eq3A_1463 = vector.broadcast %eq3A_1462 : i32 to vector<16x64xi32>
      %eq3A_1464 = arith.cmpi eq, %iota3A_1289, %eq3A_1463 : vector<16x64xi32>
      %convert_element_type3A_1465 = arith.extui %eq3A_1464 : vector<16x64xi1> to vector<16x64xi32>
      %convert_element_type3A_1466 = arith.sitofp %convert_element_type3A_1465 : vector<16x64xi32> to vector<16x64xf32>
      %mul3A_1467 = arith.mulf %convert_element_type3A_1466, %broadcast_in_dim3A_1458 : vector<16x64xf32>
      %sub3A_1468 = arith.constant 1.000000e+00 : f32
      %sub3A_1469 = vector.broadcast %sub3A_1468 : f32 to vector<16x64xf32>
      %sub3A_1470 = arith.subf %sub3A_1469, %broadcast_in_dim3A_1461 : vector<16x64xf32>
      %mul3A_1471 = arith.mulf %mul3A_1467, %sub3A_1470 : vector<16x64xf32>
      %add3A_1472 = arith.addf %add3A_1452, %mul3A_1471 : vector<16x64xf32>
      %mul3A_1473 = arith.mulf %convert_element_type3A_1466, %broadcast_in_dim3A_1458 : vector<16x64xf32>
      %mul3A_1474 = arith.mulf %mul3A_1473, %broadcast_in_dim3A_1461 : vector<16x64xf32>
      %add3A_1475 = arith.addf %add3A_1455, %mul3A_1474 : vector<16x64xf32>
      %slice3A_1476 = vector.extract_strided_slice %add3A_541 {offsets = [4, 1], sizes = [1, 1], strides = [1, 1]} : vector<8x2xf32> to vector<1x1xf32>
      %broadcast_in_dim3A_1477 = vector.shape_cast %slice3A_1476 : vector<1x1xf32> to vector<1x1xf32>
      %broadcast_in_dim3A_1478 = vector.broadcast %broadcast_in_dim3A_1477 : vector<1x1xf32> to vector<16x64xf32>
      %slice3A_1479 = vector.extract_strided_slice %convert_element_type3A_1295 {offsets = [4, 1], sizes = [1, 1], strides = [1, 1]} : vector<8x2xf32> to vector<1x1xf32>
      %broadcast_in_dim3A_1480 = vector.shape_cast %slice3A_1479 : vector<1x1xf32> to vector<1x1xf32>
      %broadcast_in_dim3A_1481 = vector.broadcast %broadcast_in_dim3A_1480 : vector<1x1xf32> to vector<16x64xf32>
      %eq3A_1482 = arith.constant 9 : i32
      %eq3A_1483 = vector.broadcast %eq3A_1482 : i32 to vector<16x64xi32>
      %eq3A_1484 = arith.cmpi eq, %iota3A_1289, %eq3A_1483 : vector<16x64xi32>
      %convert_element_type3A_1485 = arith.extui %eq3A_1484 : vector<16x64xi1> to vector<16x64xi32>
      %convert_element_type3A_1486 = arith.sitofp %convert_element_type3A_1485 : vector<16x64xi32> to vector<16x64xf32>
      %mul3A_1487 = arith.mulf %convert_element_type3A_1486, %broadcast_in_dim3A_1478 : vector<16x64xf32>
      %sub3A_1488 = arith.constant 1.000000e+00 : f32
      %sub3A_1489 = vector.broadcast %sub3A_1488 : f32 to vector<16x64xf32>
      %sub3A_1490 = arith.subf %sub3A_1489, %broadcast_in_dim3A_1481 : vector<16x64xf32>
      %mul3A_1491 = arith.mulf %mul3A_1487, %sub3A_1490 : vector<16x64xf32>
      %add3A_1492 = arith.addf %add3A_1472, %mul3A_1491 : vector<16x64xf32>
      %mul3A_1493 = arith.mulf %convert_element_type3A_1486, %broadcast_in_dim3A_1478 : vector<16x64xf32>
      %mul3A_1494 = arith.mulf %mul3A_1493, %broadcast_in_dim3A_1481 : vector<16x64xf32>
      %add3A_1495 = arith.addf %add3A_1475, %mul3A_1494 : vector<16x64xf32>
      %slice3A_1496 = vector.extract_strided_slice %add3A_541 {offsets = [5, 0], sizes = [1, 1], strides = [1, 1]} : vector<8x2xf32> to vector<1x1xf32>
      %broadcast_in_dim3A_1497 = vector.shape_cast %slice3A_1496 : vector<1x1xf32> to vector<1x1xf32>
      %broadcast_in_dim3A_1498 = vector.broadcast %broadcast_in_dim3A_1497 : vector<1x1xf32> to vector<16x64xf32>
      %slice3A_1499 = vector.extract_strided_slice %convert_element_type3A_1295 {offsets = [5, 0], sizes = [1, 1], strides = [1, 1]} : vector<8x2xf32> to vector<1x1xf32>
      %broadcast_in_dim3A_1500 = vector.shape_cast %slice3A_1499 : vector<1x1xf32> to vector<1x1xf32>
      %broadcast_in_dim3A_1501 = vector.broadcast %broadcast_in_dim3A_1500 : vector<1x1xf32> to vector<16x64xf32>
      %eq3A_1502 = arith.constant 10 : i32
      %eq3A_1503 = vector.broadcast %eq3A_1502 : i32 to vector<16x64xi32>
      %eq3A_1504 = arith.cmpi eq, %iota3A_1289, %eq3A_1503 : vector<16x64xi32>
      %convert_element_type3A_1505 = arith.extui %eq3A_1504 : vector<16x64xi1> to vector<16x64xi32>
      %convert_element_type3A_1506 = arith.sitofp %convert_element_type3A_1505 : vector<16x64xi32> to vector<16x64xf32>
      %mul3A_1507 = arith.mulf %convert_element_type3A_1506, %broadcast_in_dim3A_1498 : vector<16x64xf32>
      %sub3A_1508 = arith.constant 1.000000e+00 : f32
      %sub3A_1509 = vector.broadcast %sub3A_1508 : f32 to vector<16x64xf32>
      %sub3A_1510 = arith.subf %sub3A_1509, %broadcast_in_dim3A_1501 : vector<16x64xf32>
      %mul3A_1511 = arith.mulf %mul3A_1507, %sub3A_1510 : vector<16x64xf32>
      %add3A_1512 = arith.addf %add3A_1492, %mul3A_1511 : vector<16x64xf32>
      %mul3A_1513 = arith.mulf %convert_element_type3A_1506, %broadcast_in_dim3A_1498 : vector<16x64xf32>
      %mul3A_1514 = arith.mulf %mul3A_1513, %broadcast_in_dim3A_1501 : vector<16x64xf32>
      %add3A_1515 = arith.addf %add3A_1495, %mul3A_1514 : vector<16x64xf32>
      %slice3A_1516 = vector.extract_strided_slice %add3A_541 {offsets = [5, 1], sizes = [1, 1], strides = [1, 1]} : vector<8x2xf32> to vector<1x1xf32>
      %broadcast_in_dim3A_1517 = vector.shape_cast %slice3A_1516 : vector<1x1xf32> to vector<1x1xf32>
      %broadcast_in_dim3A_1518 = vector.broadcast %broadcast_in_dim3A_1517 : vector<1x1xf32> to vector<16x64xf32>
      %slice3A_1519 = vector.extract_strided_slice %convert_element_type3A_1295 {offsets = [5, 1], sizes = [1, 1], strides = [1, 1]} : vector<8x2xf32> to vector<1x1xf32>
      %broadcast_in_dim3A_1520 = vector.shape_cast %slice3A_1519 : vector<1x1xf32> to vector<1x1xf32>
      %broadcast_in_dim3A_1521 = vector.broadcast %broadcast_in_dim3A_1520 : vector<1x1xf32> to vector<16x64xf32>
      %eq3A_1522 = arith.constant 11 : i32
      %eq3A_1523 = vector.broadcast %eq3A_1522 : i32 to vector<16x64xi32>
      %eq3A_1524 = arith.cmpi eq, %iota3A_1289, %eq3A_1523 : vector<16x64xi32>
      %convert_element_type3A_1525 = arith.extui %eq3A_1524 : vector<16x64xi1> to vector<16x64xi32>
      %convert_element_type3A_1526 = arith.sitofp %convert_element_type3A_1525 : vector<16x64xi32> to vector<16x64xf32>
      %mul3A_1527 = arith.mulf %convert_element_type3A_1526, %broadcast_in_dim3A_1518 : vector<16x64xf32>
      %sub3A_1528 = arith.constant 1.000000e+00 : f32
      %sub3A_1529 = vector.broadcast %sub3A_1528 : f32 to vector<16x64xf32>
      %sub3A_1530 = arith.subf %sub3A_1529, %broadcast_in_dim3A_1521 : vector<16x64xf32>
      %mul3A_1531 = arith.mulf %mul3A_1527, %sub3A_1530 : vector<16x64xf32>
      %add3A_1532 = arith.addf %add3A_1512, %mul3A_1531 : vector<16x64xf32>
      %mul3A_1533 = arith.mulf %convert_element_type3A_1526, %broadcast_in_dim3A_1518 : vector<16x64xf32>
      %mul3A_1534 = arith.mulf %mul3A_1533, %broadcast_in_dim3A_1521 : vector<16x64xf32>
      %add3A_1535 = arith.addf %add3A_1515, %mul3A_1534 : vector<16x64xf32>
      %slice3A_1536 = vector.extract_strided_slice %add3A_541 {offsets = [6, 0], sizes = [1, 1], strides = [1, 1]} : vector<8x2xf32> to vector<1x1xf32>
      %broadcast_in_dim3A_1537 = vector.shape_cast %slice3A_1536 : vector<1x1xf32> to vector<1x1xf32>
      %broadcast_in_dim3A_1538 = vector.broadcast %broadcast_in_dim3A_1537 : vector<1x1xf32> to vector<16x64xf32>
      %slice3A_1539 = vector.extract_strided_slice %convert_element_type3A_1295 {offsets = [6, 0], sizes = [1, 1], strides = [1, 1]} : vector<8x2xf32> to vector<1x1xf32>
      %broadcast_in_dim3A_1540 = vector.shape_cast %slice3A_1539 : vector<1x1xf32> to vector<1x1xf32>
      %broadcast_in_dim3A_1541 = vector.broadcast %broadcast_in_dim3A_1540 : vector<1x1xf32> to vector<16x64xf32>
      %eq3A_1542 = arith.constant 12 : i32
      %eq3A_1543 = vector.broadcast %eq3A_1542 : i32 to vector<16x64xi32>
      %eq3A_1544 = arith.cmpi eq, %iota3A_1289, %eq3A_1543 : vector<16x64xi32>
      %convert_element_type3A_1545 = arith.extui %eq3A_1544 : vector<16x64xi1> to vector<16x64xi32>
      %convert_element_type3A_1546 = arith.sitofp %convert_element_type3A_1545 : vector<16x64xi32> to vector<16x64xf32>
      %mul3A_1547 = arith.mulf %convert_element_type3A_1546, %broadcast_in_dim3A_1538 : vector<16x64xf32>
      %sub3A_1548 = arith.constant 1.000000e+00 : f32
      %sub3A_1549 = vector.broadcast %sub3A_1548 : f32 to vector<16x64xf32>
      %sub3A_1550 = arith.subf %sub3A_1549, %broadcast_in_dim3A_1541 : vector<16x64xf32>
      %mul3A_1551 = arith.mulf %mul3A_1547, %sub3A_1550 : vector<16x64xf32>
      %add3A_1552 = arith.addf %add3A_1532, %mul3A_1551 : vector<16x64xf32>
      %mul3A_1553 = arith.mulf %convert_element_type3A_1546, %broadcast_in_dim3A_1538 : vector<16x64xf32>
      %mul3A_1554 = arith.mulf %mul3A_1553, %broadcast_in_dim3A_1541 : vector<16x64xf32>
      %add3A_1555 = arith.addf %add3A_1535, %mul3A_1554 : vector<16x64xf32>
      %slice3A_1556 = vector.extract_strided_slice %add3A_541 {offsets = [6, 1], sizes = [1, 1], strides = [1, 1]} : vector<8x2xf32> to vector<1x1xf32>
      %broadcast_in_dim3A_1557 = vector.shape_cast %slice3A_1556 : vector<1x1xf32> to vector<1x1xf32>
      %broadcast_in_dim3A_1558 = vector.broadcast %broadcast_in_dim3A_1557 : vector<1x1xf32> to vector<16x64xf32>
      %slice3A_1559 = vector.extract_strided_slice %convert_element_type3A_1295 {offsets = [6, 1], sizes = [1, 1], strides = [1, 1]} : vector<8x2xf32> to vector<1x1xf32>
      %broadcast_in_dim3A_1560 = vector.shape_cast %slice3A_1559 : vector<1x1xf32> to vector<1x1xf32>
      %broadcast_in_dim3A_1561 = vector.broadcast %broadcast_in_dim3A_1560 : vector<1x1xf32> to vector<16x64xf32>
      %eq3A_1562 = arith.constant 13 : i32
      %eq3A_1563 = vector.broadcast %eq3A_1562 : i32 to vector<16x64xi32>
      %eq3A_1564 = arith.cmpi eq, %iota3A_1289, %eq3A_1563 : vector<16x64xi32>
      %convert_element_type3A_1565 = arith.extui %eq3A_1564 : vector<16x64xi1> to vector<16x64xi32>
      %convert_element_type3A_1566 = arith.sitofp %convert_element_type3A_1565 : vector<16x64xi32> to vector<16x64xf32>
      %mul3A_1567 = arith.mulf %convert_element_type3A_1566, %broadcast_in_dim3A_1558 : vector<16x64xf32>
      %sub3A_1568 = arith.constant 1.000000e+00 : f32
      %sub3A_1569 = vector.broadcast %sub3A_1568 : f32 to vector<16x64xf32>
      %sub3A_1570 = arith.subf %sub3A_1569, %broadcast_in_dim3A_1561 : vector<16x64xf32>
      %mul3A_1571 = arith.mulf %mul3A_1567, %sub3A_1570 : vector<16x64xf32>
      %add3A_1572 = arith.addf %add3A_1552, %mul3A_1571 : vector<16x64xf32>
      %mul3A_1573 = arith.mulf %convert_element_type3A_1566, %broadcast_in_dim3A_1558 : vector<16x64xf32>
      %mul3A_1574 = arith.mulf %mul3A_1573, %broadcast_in_dim3A_1561 : vector<16x64xf32>
      %add3A_1575 = arith.addf %add3A_1555, %mul3A_1574 : vector<16x64xf32>
      %slice3A_1576 = vector.extract_strided_slice %add3A_541 {offsets = [7, 0], sizes = [1, 1], strides = [1, 1]} : vector<8x2xf32> to vector<1x1xf32>
      %broadcast_in_dim3A_1577 = vector.shape_cast %slice3A_1576 : vector<1x1xf32> to vector<1x1xf32>
      %broadcast_in_dim3A_1578 = vector.broadcast %broadcast_in_dim3A_1577 : vector<1x1xf32> to vector<16x64xf32>
      %slice3A_1579 = vector.extract_strided_slice %convert_element_type3A_1295 {offsets = [7, 0], sizes = [1, 1], strides = [1, 1]} : vector<8x2xf32> to vector<1x1xf32>
      %broadcast_in_dim3A_1580 = vector.shape_cast %slice3A_1579 : vector<1x1xf32> to vector<1x1xf32>
      %broadcast_in_dim3A_1581 = vector.broadcast %broadcast_in_dim3A_1580 : vector<1x1xf32> to vector<16x64xf32>
      %eq3A_1582 = arith.constant 14 : i32
      %eq3A_1583 = vector.broadcast %eq3A_1582 : i32 to vector<16x64xi32>
      %eq3A_1584 = arith.cmpi eq, %iota3A_1289, %eq3A_1583 : vector<16x64xi32>
      %convert_element_type3A_1585 = arith.extui %eq3A_1584 : vector<16x64xi1> to vector<16x64xi32>
      %convert_element_type3A_1586 = arith.sitofp %convert_element_type3A_1585 : vector<16x64xi32> to vector<16x64xf32>
      %mul3A_1587 = arith.mulf %convert_element_type3A_1586, %broadcast_in_dim3A_1578 : vector<16x64xf32>
      %sub3A_1588 = arith.constant 1.000000e+00 : f32
      %sub3A_1589 = vector.broadcast %sub3A_1588 : f32 to vector<16x64xf32>
      %sub3A_1590 = arith.subf %sub3A_1589, %broadcast_in_dim3A_1581 : vector<16x64xf32>
      %mul3A_1591 = arith.mulf %mul3A_1587, %sub3A_1590 : vector<16x64xf32>
      %add3A_1592 = arith.addf %add3A_1572, %mul3A_1591 : vector<16x64xf32>
      %mul3A_1593 = arith.mulf %convert_element_type3A_1586, %broadcast_in_dim3A_1578 : vector<16x64xf32>
      %mul3A_1594 = arith.mulf %mul3A_1593, %broadcast_in_dim3A_1581 : vector<16x64xf32>
      %add3A_1595 = arith.addf %add3A_1575, %mul3A_1594 : vector<16x64xf32>
      %slice3A_1596 = vector.extract_strided_slice %add3A_541 {offsets = [7, 1], sizes = [1, 1], strides = [1, 1]} : vector<8x2xf32> to vector<1x1xf32>
      %broadcast_in_dim3A_1597 = vector.shape_cast %slice3A_1596 : vector<1x1xf32> to vector<1x1xf32>
      %broadcast_in_dim3A_1598 = vector.broadcast %broadcast_in_dim3A_1597 : vector<1x1xf32> to vector<16x64xf32>
      %slice3A_1599 = vector.extract_strided_slice %convert_element_type3A_1295 {offsets = [7, 1], sizes = [1, 1], strides = [1, 1]} : vector<8x2xf32> to vector<1x1xf32>
      %broadcast_in_dim3A_1600 = vector.shape_cast %slice3A_1599 : vector<1x1xf32> to vector<1x1xf32>
      %broadcast_in_dim3A_1601 = vector.broadcast %broadcast_in_dim3A_1600 : vector<1x1xf32> to vector<16x64xf32>
      %eq3A_1602 = arith.constant 15 : i32
      %eq3A_1603 = vector.broadcast %eq3A_1602 : i32 to vector<16x64xi32>
      %eq3A_1604 = arith.cmpi eq, %iota3A_1289, %eq3A_1603 : vector<16x64xi32>
      %convert_element_type3A_1605 = arith.extui %eq3A_1604 : vector<16x64xi1> to vector<16x64xi32>
      %convert_element_type3A_1606 = arith.sitofp %convert_element_type3A_1605 : vector<16x64xi32> to vector<16x64xf32>
      %mul3A_1607 = arith.mulf %convert_element_type3A_1606, %broadcast_in_dim3A_1598 : vector<16x64xf32>
      %sub3A_1608 = arith.constant 1.000000e+00 : f32
      %sub3A_1609 = vector.broadcast %sub3A_1608 : f32 to vector<16x64xf32>
      %sub3A_1610 = arith.subf %sub3A_1609, %broadcast_in_dim3A_1601 : vector<16x64xf32>
      %mul3A_1611 = arith.mulf %mul3A_1607, %sub3A_1610 : vector<16x64xf32>
      %add3A_1612 = arith.addf %add3A_1592, %mul3A_1611 : vector<16x64xf32>
      %mul3A_1613 = arith.mulf %convert_element_type3A_1606, %broadcast_in_dim3A_1598 : vector<16x64xf32>
      %mul3A_1614 = arith.mulf %mul3A_1613, %broadcast_in_dim3A_1601 : vector<16x64xf32>
      %add3A_1615 = arith.addf %add3A_1595, %mul3A_1614 : vector<16x64xf32>
      %get3A_1616 = arith.constant 0 : index
      %get3A_1617 = arith.constant 0 : index
      %get3A_1618 = vector.load %arg15[%get3A_1616, %get3A_1617] : memref<16x64xf32, #tpu.memory_space<vmem>>, vector<16x64xf32>
      %mul3A_1619 = arith.mulf %get3A_1618, %add3A_1612 : vector<16x64xf32>
      %get3A_1620 = arith.constant 0 : index
      %get3A_1621 = arith.constant 0 : index
      %get3A_1622 = vector.load %arg16[%get3A_1620, %get3A_1621] : memref<16x64xf32, #tpu.memory_space<vmem>>, vector<16x64xf32>
      %mul3A_1623 = arith.mulf %get3A_1622, %add3A_1615 : vector<16x64xf32>
      %add3A_1624 = arith.addf %mul3A_1619, %mul3A_1623 : vector<16x64xf32>
      %swap3A_1625 = arith.constant 0 : index
      %swap3A_1626 = arith.constant 0 : index
      %swap3A_1627 = vector.load %arg11[%swap3A_1625, %swap3A_1626] : memref<16x64xf32, #tpu.memory_space<vmem>>, vector<16x64xf32>
      tpu.vector_store %arg11[%swap3A_1625, %swap3A_1626], %add3A_1624 {strides = array<i32>} : memref<16x64xf32, #tpu.memory_space<vmem>>, vector<16x64xf32>,
    } else {
    }
    return
  }
  func.func @transform_0(%arg0: i32) -> (i32, i32) {
    %c0_i32 = arith.constant 0 : i32
    %c0_i32_0 = arith.constant 0 : i32
    %c0_i32_1 = arith.constant 0 : i32
    return %c0_i32, %c0_i32_0 : i32, i32
  }
  func.func @transform_1(%arg0: i32) -> (i32, i32) {
    %min3A = arith.constant 3 : i32
    %min3A_0 = arith.minsi %arg0, %min3A : i32
    %c0_i32 = arith.constant 0 : i32
    %c0_i32_1 = arith.constant 0 : i32
    return %min3A_0, %c0_i32 : i32, i32
  }
  func.func @transform_2(%arg0: i32) -> (i32, i32) {
    %min3A = arith.constant 3 : i32
    %min3A_0 = arith.minsi %arg0, %min3A : i32
    %c0_i32 = arith.constant 0 : i32
    %c0_i32_1 = arith.constant 0 : i32
    return %c0_i32, %min3A_0 : i32, i32
  }
  func.func @transform_3(%arg0: i32) -> (i32, i32) {
    %min3A = arith.constant 3 : i32
    %min3A_0 = arith.minsi %arg0, %min3A : i32
    %c0_i32 = arith.constant 0 : i32
    %c0_i32_1 = arith.constant 0 : i32
    return %c0_i32, %min3A_0 : i32, i32
  }
  func.func @transform_4(%arg0: i32) -> (i32, i32) {
    %min3A = arith.constant 3 : i32
    %min3A_0 = arith.minsi %arg0, %min3A : i32
    %c0_i32 = arith.constant 0 : i32
    %c0_i32_1 = arith.constant 0 : i32
    return %c0_i32, %min3A_0 : i32, i32
  }
  func.func @transform_5(%arg0: i32) -> (i32, i32) {
    %c0_i32 = arith.constant 0 : i32
    %c0_i32_0 = arith.constant 0 : i32
    %c0_i32_1 = arith.constant 0 : i32
    return %c0_i32, %c0_i32_0 : i32, i32
  }
  func.func @transform_6(%arg0: i32) -> (i32, i32) {
    %c0_i32 = arith.constant 0 : i32
    %c0_i32_0 = arith.constant 0 : i32
    %c0_i32_1 = arith.constant 0 : i32
    return %c0_i32, %c0_i32_0 : i32, i32
  }
  func.func @transform_8(%arg0: i32) -> (i32, i32) {
    %c0_i32 = arith.constant 0 : i32
    %c0_i32_0 = arith.constant 0 : i32
    %c0_i32_1 = arith.constant 0 : i32
    return %c0_i32, %c0_i32_0 : i32, i32
  }
  func.func @transform_9(%arg0: i32) -> (i32, i32) {
    %c0_i32 = arith.constant 0 : i32
    %c0_i32_0 = arith.constant 0 : i32
    %c0_i32_1 = arith.constant 0 : i32
    return %c0_i32, %c0_i32_0 : i32, i32
  }
  func.func @transform_10(%arg0: i32) -> (i32, i32) {
    %c0_i32 = arith.constant 0 : i32
    %c0_i32_0 = arith.constant 0 : i32
    %c0_i32_1 = arith.constant 0 : i32
    return %c0_i32, %c0_i32_0 : i32, i32
  }
}

</mosaic_0001>

<sc_bundles>
// kernel: kernel.4.cloned.1.call-start
scs
__scs_entry_jumppad:
0x0: {  	(pc) =	sbr.rel $0x88, $3  }
0x1: {  	(tag) =	ssettag $0x0;
	lr =	simm.s32 $0x1  }
0x2: {  	[smem:$0x3F9C] =	sst lr;
	_ =	strace $0xD0000000  }
0x3: {  	_ = 	snop  }
0x4: {  	_ = 	snop  }
0x5: {  	_ = 	snop  }
0x6: {  	_ = 	snop  }
0x7: {  	_ = 	snop  }
__scs_overlays_trampoline_lowered:
0x8: {  	[smem:$0x3FAB] =	sst s0  }
0x9: {  	[smem:$0x3FAC] =	sst s1  }
0xa: {  	[smem:$0x3FAD] =	sst s2  }
0xb: {  	[smem:$0x3FAE] =	sst s3  }
0xc: {  	[smem:$0x3FAF] =	sst s4  }
0xd: {  	[smem:$0x3FB0] =	sst s5  }
0xe: {  	[smem:$0x3FB1] =	sst s6  }
0xf: {  	[smem:$0x3FB2] =	sst s7  }
0x10: {  	[smem:$0x3FB3] =	sst s8  }
0x11: {  	[smem:$0x3FB4] =	sst s9;
	s0 =	simm.s32 @!p0 $0x0  }
0x12: {  	s1 =	sld [smem:$0x3F9A];
	s0 =	simm.s32 @p0 $0x1  }
0x13: {  	[smem:$0x3FB5] =	sst s0;
	s0 =	simm.s32 @!p1 $0x0  }
0x14: {  	s2 =	sld [smem:$0x3F99];
	s0 =	simm.s32 @p1 $0x1  }
0x15: {  	[smem:$0x3FB6] =	sst s0;
	s0 =	simm.s32 @!p2 $0x0  }
0x16: {  	s3 =	sld [smem:$0x3FDB];
	s0 =	simm.s32 @p2 $0x1  }
0x17: {  	s4 =	simm.s32 $0x1BF5;
	[smem:$0x3FB8] =	sst s0  }
0x18: {  	s0 =	sld [smem:$0x3F9B];
	_ =	swait.ge [sflag:s4], $0x0  }
0x19: {  	s7 =	sld [smem:$0x3F9C]  }
0x1a: {  	s8 =	sadd.s32 $0xFFFFE003, lr  }
0x1b: {  	s9 =	sadd.s32 $0xFFFFFEF7, lr;
	s5 =	simm.s32 $0xFFFFFFFF;
	p2 =	slt.u32 s8, $0xFFFFF086  }
0x1c: {  	p1 =	slt.u32 s9, $0xF7A;
	s5 =	simm.s32 @!p2 $0x0  }
0x1d: {  	s5 =	simm.s32 @p1 $0x1;
	p0 =	seq.s32 s7, s2  }
0x1e: {  	s7 =	smul.u32 @!p0 $0xF7A, s2;
	p2 =	seq.s32 @!p0 s5, $0x0  }
0x1f: {  	s9 =	smul.u32 $0xF7A, s1;
	s8 =	simm.s32 @!p0 $0x1BF5;
	p2 =	por !p2, p0  }
0x20: {  	[sflag:s8] =	ssyncset.s32 @!p0 $0xFFFFF086;
	s6 =	sadd.s32 @!p0 s3, s7;
	s7 =	simm.s32 @!p0 $0x108  }
0x21: {  	s3 =	sadd.s32 s3, s9;
	s6 =	sadd.s32 @!p0 $0x88, s6;
	s7 =	simm.s32 @p2 $0x1082  }
0x22: {  	[simem:s7], [sflag:s8] =	dma.local @!p0 [hbm:s6], $0xF7A  }
0x23: {  	s9 =	sor.u32 $0xD0000000, s2;
	s6 =	simm.s32 $0x108;
	_ =	swait.ge @!p0 [sflag:s8], $0x0  }
0x24: {  	s3 =	sadd.s32 $0x88, s3;
	s6 =	simm.s32 @!p1 $0x1082;
	[sflag:s4] =	ssyncset.s32 $0xFFFFF086  }
0x25: {  	[simem:s6], [sflag:s4] =	dma.local [hbm:s3], $0xF7A  }
0x26: {  	[smem:$0x3F9C] =	sst s1;
	(tag) =	ssettag s2;
	_ =	strace s9  }
0x27: {  	s1 =	sld [smem:$0x3FAC]  }
0x28: {  	s2 =	sld [smem:$0x3FAD]  }
0x29: {  	s4 =	sld [smem:$0x3FAF]  }
0x2a: {  	p0 =	seq.s32 s5, $0x0;
	s5 =	sld [smem:$0x3FB0]  }
0x2b: {  	s6 =	sld [smem:$0x3FB1]  }
0x2c: {  	s7 =	sld [smem:$0x3FB2]  }
0x2d: {  	s3 =	simm.s32 $0x108;
	s8 =	sld [smem:$0x3FB3]  }
0x2e: {  	s3 =	simm.s32 @!p0 $0x1082;
	s9 =	sld [smem:$0x3FB4]  }
0x2f: {  	lr =	sadd.s32 s0, s3;
	s0 =	sld [smem:$0x3FAB]  }
0x30: {  	s3 =	sld [smem:$0x3FAE]  }
0x31: {  	[smem:$0x3FB7] =	sst s10  }
0x32: {  	s10 =	sld [smem:$0x3FB5];
	_ =	sdelay $0x3  }
0x33: {  	p0 =	seq.s32 s10, $0x1;
	s10 =	sld [smem:$0x3FB7];
	_ =	sdelay $0x3  }
0x34: {  	[smem:$0x3FB7] =	sst s10  }
0x35: {  	s10 =	sld [smem:$0x3FB6];
	_ =	sdelay $0x3  }
0x36: {  	p1 =	seq.s32 s10, $0x1;
	s10 =	sld [smem:$0x3FB7];
	_ =	sdelay $0x3  }
0x37: {  	[smem:$0x3FB7] =	sst s10  }
0x38: {  	s10 =	sld [smem:$0x3FB8]  }
0x39: {  	_ = 	snop;
	(pc) =	sbr.ind lr, $3  }
0x3a: {  	_ = 	snop  }
0x3b: {  	_ = 	snop  }
0x3c: {  	p2 =	seq.s32 s10, $0x1;
	s10 =	sld [smem:$0x3FB7]  }
0x3d: {  	_ =	shalt  }
0x3e: {  	_ =	shalt  }
0x3f: {  	_ =	shalt  }
0x40: {  	_ =	shalt  }
0x41: {  	_ =	shalt  }
0x42: {  	_ =	shalt  }
0x43: {  	_ =	shalt  }
0x44: {  	_ =	shalt  }
0x45: {  	_ =	shalt  }
0x46: {  	_ =	shalt  }
0x47: {  	_ =	shalt  }
0x48: {  	_ =	shalt  }
0x49: {  	_ =	shalt  }
0x4a: {  	_ =	shalt  }
0x4b: {  	_ =	shalt  }
0x4c: {  	_ =	shalt  }
0x4d: {  	_ =	shalt  }
0x4e: {  	_ =	shalt  }
0x4f: {  	_ =	shalt  }
0x50: {  	_ =	shalt  }
0x51: {  	_ =	shalt  }
0x52: {  	_ =	shalt  }
0x53: {  	_ =	shalt  }
0x54: {  	_ =	shalt  }
0x55: {  	_ =	shalt  }
0x56: {  	_ =	shalt  }
0x57: {  	_ =	shalt  }
0x58: {  	_ =	shalt  }
0x59: {  	_ =	shalt  }
0x5a: {  	_ =	shalt  }
0x5b: {  	_ =	shalt  }
0x5c: {  	_ =	shalt  }
0x5d: {  	_ =	shalt  }
0x5e: {  	_ =	shalt  }
0x5f: {  	_ =	shalt  }
0x60: {  	_ =	shalt  }
0x61: {  	_ =	shalt  }
0x62: {  	_ =	shalt  }
0x63: {  	_ =	shalt  }
0x64: {  	_ =	shalt  }
0x65: {  	_ =	shalt  }
0x66: {  	_ =	shalt  }
0x67: {  	_ =	shalt  }
0x68: {  	_ =	shalt  }
0x69: {  	_ =	shalt  }
0x6a: {  	_ =	shalt  }
0x6b: {  	_ =	shalt  }
0x6c: {  	_ =	shalt  }
0x6d: {  	_ =	shalt  }
0x6e: {  	_ =	shalt  }
0x6f: {  	_ =	shalt  }
0x70: {  	_ =	shalt  }
0x71: {  	_ =	shalt  }
0x72: {  	_ =	shalt  }
0x73: {  	_ =	shalt  }
0x74: {  	_ =	shalt  }
0x75: {  	_ =	shalt  }
0x76: {  	_ =	shalt  }
0x77: {  	_ =	shalt  }
0x78: {  	_ =	shalt  }
0x79: {  	_ =	shalt  }
0x7a: {  	_ =	shalt  }
0x7b: {  	_ =	shalt  }
0x7c: {  	_ =	shalt  }
0x7d: {  	_ =	shalt  }
0x7e: {  	_ =	shalt  }
0x7f: {  	_ =	shalt  }
0x80: {  	_ =	shalt  }
0x81: {  	_ =	shalt  }
0x82: {  	_ =	shalt  }
0x83: {  	_ =	shalt  }
0x84: {  	_ =	shalt  }
0x85: {  	_ =	shalt  }
0x86: {  	_ =	shalt  }
0x87: {  	_ =	shalt  }
.Lfunc_end0:
.L_simem_size_0:
called_computation_lowered:
.L_overlay_start_0:
0x88: {  	s2 =	sld [smem:$0x3FD9]  }
0x89: {  	s3 =	sld [smem:$0x3FFE];
	_ =	sdelay $0x1  }
0x8a: {  	s1 =	srdreg.scid  }
0x8b: {  	s0 =	sand.u32 $0x1, s1  }
0x8c: {  	s17 =	sshll.u32 s0, $0xA;
	s2 =	sadd.s32 s3, s2  }
0x8d: {  	s2 =	sadd.s32 s2, s17  }
0x8e: {  	[smem:$0x3FC3] =	sst s2  }
0x8f: {  	_ = 	snop  }
0x90: {  	s2 =	sld [smem:$0x3FC5];
	(tm) =	ssettm $0x1  }
0x91: {  	s18 =	sld [smem:$0x3FFB];
	_ =	sdelay $0x3  }
0x92: {  	_ =	strace s18  }
0x93: {  	s3 =	sld [smem:$0x3FFC];
	_ =	sdelay $0x3  }
0x94: {  	_ =	strace s3  }
0x95: {  	s3 =	sld [smem:$0x3FFD];
	_ =	sdelay $0x3  }
0x96: {  	_ =	strace s3  }
0x97: {  	_ =	strace $0x8FFFFFFF  }
0x98: {  	s19 =	sld [smem:$0x3FDB];
	_ =	sdelay $0x1  }
0x99: {  	s4 =	simm.s32 $_scs_section_size  }
0x9a: {  	s5 =	simm.s32 $_size__tile_overlayer_lowered;
	s6 =	simm.s32 $_tile_overlayer_lowered  }
0x9b: {  	s22 =	simm.s32 $0x1BFF;
	s21 =	sshll.u32 s6, $0x1;
	s3 =	sadd.s32 s4, s19  }
0x9c: {  	s7 =	simm.s32 $0x0;
	s20 =	sshll.u32 s5, $0x1;
	s5 =	sadd.s32 s21, s3  }
0x9d: {  	[timem:s7], [sflag:s22] =	dma.local [hbm:s5], s20  }
0x9e: {  	_ =	swait.ge [sflag:s22], s20  }
0x9f: {  	s4 =	ssub.s32 $0x0, s20;
	[sflag:s22] =	ssyncset.done $0x0  }
0xa0: {  	[sflag:s22] =	ssyncadd.s32 s4;
	_ =	sdelay $0x1  }
0xa1: {  	s23 =	simm.s32 $0x1B8B  }
0xa2: {  	_ =	swait.ge [sflag:s23], $0x1  }
0xa3: {  	[sflag:s23] =	ssyncset.done $0x0  }
0xa4: {  	s25 =	simm.s32 $0x1B8E;
	s24 =	sld [smem:$0x3FFE];
	[sflag:s23] =	ssyncadd.s32 $0xFFFFFFFF  }
0xa5: {  	s26 =	simm.s32 $execute0_lowered;
	[smem:$0x3FD2] =	sst s25  }
0xa6: {  	s5 =	sshll.u32 s26, $0x1;
	_ =	strace $0x80000046;
	[dreg:$0x1] =	wrdreg $0xFFFFFFFF  }
0xa7: {  	s28 =	simm.s32 $_size_execute0_lowered;
	s3 =	sadd.s32 s3, s5;
	[dreg:$0x0] =	wrdreg $0x0  }
0xa8: {  	s5 =	sshll.u32 s28, $0x1;
	[dreg:$0x2] =	wrdreg s3  }
0xa9: {  	[dreg:$0x3] =	wrdreg s5  }
0xaa: {  	[dreg:$0x4] =	wrdreg $0xC0  }
0xab: {  	_ =	task [dreg:s7], $0x5FFFF  }
0xac: {  	[dreg:$0x1] =	wrdreg $0xFFFFFFFF  }
0xad: {  	[dreg:$0x0] =	wrdreg $0x60  }
0xae: {  	[dreg:$0x2] =	wrdreg s2  }
0xaf: {  	[dreg:$0x3] =	wrdreg s24  }
0xb0: {  	[dreg:$0x4] =	wrdreg $0x1D000  }
0xb1: {  	[dreg:$0x5] =	wrdreg $0x9  }
0xb2: {  	_ =	task.clear_ibuf [dreg:s7], $0x6FFFF;
	_ =	strace $0x90000046  }
0xb3: {  	s29 =	simm.s32 $0x9;
	_ =	strace $0x80000048  }
0xb4: {  	_ =	swait.ge [sflag:s29], $0x1  }
0xb5: {  	[sflag:s29] =	ssyncadd.s32 $0xFFFFFFFF  }
0xb6: {  	_ =	strace $0x90000048  }
0xb7: {  	_ =	sfence  }
0xb8: {  	s30 =	sld [smem:$0x0];
	_ =	sdelay $0x2  }
0xb9: {  	s31 =	sshll.u32 s1, $0xD;
	s1 =	sshrl.u32 s1, $0x2  }
0xba: {  	s3 =	sand.u32 $0x4000, s31;
	s1 =	sadd.s32 s1, s30  }
0xbb: {  	s0 =	sor.u32 s3, s0;
	s1 =	sshll.u32 s1, $0x11  }
0xbc: {  	s0 =	sor.u32 s1, s0  }
0xbd: {  	s0 =	sadd.s32 $0x8F2B, s0  }
0xbe: {  	[sflag:s0] =	ssyncadd.remote.s32 $0x1  }
0xbf: {  	_ =	sfence.sel $0xFFFF  }
0xc0: {  	[dreg:$0x0] =	wrdreg $0xFFFFFFFF;
	(pc) =	sbr.abs _section_cstart, $3  }
0xc1: {  	[dreg:$0x1] =	wrdreg $0xFFFFFFFF  }
0xc2: {  	_ =	task.clear_ibuf [dreg:s7], $0x2FFFF;
	_ =	strace $0x9FFFFFFF  }
0xc3: {  	(tm) =	ssettm $0x7FFFFFFF  }
tec
execute0_lowered:
.L_overlay_start_1:
0x0: {  	(tag) =	ssettag $0x1  }
0x1: {  	s5 =	rddreg [dreg:$0x0]  }
0x2: {  	s6 =	rddreg [dreg:$0x1]  }
0x3: {  	s2 =	rddreg [dreg:$0x2];
	s3 =	srdreg.scid  }
0x4: {  	s0 =	rddreg [dreg:$0x3];
	s1 =	stileid.u32  }
0x5: {  	s10 =	simm.s32 $0x4000;
	s11 =	simm.s32 $0x1B00;
	s14 =	simm.s32 $0x0  }
0x6: {  	s7 =	sand.u32 $0x1, s3;
	s3 =	simm.s32 $0x0;
	s8 =	smul.u32 $0x1900, s1  }
0x7: {  	s12 =	sshll.u32 s1, $0x6;
	s4 =	ssub.s32 $0x2, s7;
	[smem:$0x7FF] =	sst s3  }
0x8: {  	p0 =	seq.s32 s7, $0x1;
	s7 =	sshll.u32 s7, $0xA;
	s5 =	sadd.s32 s5, s12  }
0x9: {  	s12 =	sor.u32 $0x1C01, s12;
	s9 =	sshrl.u32 s4, $0x1;
	_ =	strace $0x80000047  }
0xa: {  	s10 =	simm.s32 @!p0 $0xE00;
	s5 =	sadd.s32 s7, s5;
	s30 =	sshrl.u32 s8, $0x3  }
0xb: {  	s9 =	ssub.s32 s4, s9;
	s4 =	sadd.s32 s8, s2;
	s31 =	sadd.s32 s10, s6  }
0xc: {  	s8 =	simm.s32 $0x1;
	s10 =	simm.s32 $0x200;
	s6 =	smax.u32 s9, $0x1  }
0xd: {  	v0 =	vimm.f32 $0.0e+00;
	v1 =	vimm.f32 $1.000000000e+00;
	s7 =	sadd.s32 s31, s30;
	s9 =	simm.s32 $0x1900;
	s13 =	sshrl.u32 s4, $0x3  }
.LBB2_1:
0xe: {  	s15 =	simm.s32 $0x40;
	s16 =	simm.s32 $0x0  }
.LBB2_2:
0xf: {  	p0 =	sne.s32 s15, $0x63C0;
	[tilespmem:s16+$0x0] =	vst v0;
	s16 =	smov.u32 s15;
	s15 =	sadd.s32 $0x40, s15  }
.Ltmp0:
0x10: {  	(pc) =	sbr.rel @p0 .LBB2_2-.Ltmp0, $2  }
0x11: {  	_ =	sdelay $0x2  }
0x12: {  	s16 =	sshra.s32 s16, $0x2  }
0x13: {  	[tilespmem:s16+$0x0] =	vst v0  }
0x14: {  	[tilespmem:$0x1B00] =	vst v1  }
0x15: {  	[tilespmem:$0x1B10] =	vst v1  }
0x16: {  	[tilespmem:$0x1B20] =	vst v1  }
0x17: {  	[tilespmem:$0x1B30] =	vst v1  }
0x18: {  	[tilespmem:$0x1B40] =	vst v1  }
0x19: {  	[tilespmem:$0x1B50] =	vst v1  }
0x1a: {  	[tilespmem:$0x1B60] =	vst v1  }
0x1b: {  	[tilespmem:$0x1B70] =	vst v1  }
0x1c: {  	[tilespmem:$0x1B80] =	vst v1  }
0x1d: {  	[tilespmem:$0x1B90] =	vst v1  }
0x1e: {  	[tilespmem:$0x1BA0] =	vst v1  }
0x1f: {  	[tilespmem:$0x1BB0] =	vst v1  }
0x20: {  	[tilespmem:$0x1BC0] =	vst v1  }
0x21: {  	[tilespmem:$0x1BD0] =	vst v1  }
0x22: {  	[tilespmem:$0x1BE0] =	vst v1  }
0x23: {  	[tilespmem:$0x1BF0] =	vst v1  }
0x24: {  	[tilespmem:$0x1C00] =	vst v1  }
0x25: {  	[tilespmem:$0x1C10] =	vst v1  }
0x26: {  	[tilespmem:$0x1C20] =	vst v1  }
0x27: {  	[tilespmem:$0x1C30] =	vst v1  }
0x28: {  	[tilespmem:$0x1C40] =	vst v1  }
0x29: {  	[tilespmem:$0x1C50] =	vst v1  }
0x2a: {  	[tilespmem:$0x1C60] =	vst v1  }
0x2b: {  	[tilespmem:$0x1C70] =	vst v1  }
0x2c: {  	[tilespmem:$0x1C80] =	vst v1  }
0x2d: {  	[tilespmem:$0x1C90] =	vst v1  }
0x2e: {  	[tilespmem:$0x1CA0] =	vst v1  }
0x2f: {  	[tilespmem:$0x1CB0] =	vst v1  }
0x30: {  	[tilespmem:$0x1CC0] =	vst v1  }
0x31: {  	[tilespmem:$0x1CD0] =	vst v1  }
0x32: {  	[tilespmem:$0x1CE0] =	vst v1  }
0x33: {  	[tilespmem:$0x1CF0] =	vst v1  }
0x34: {  	[spmem:s4] =	stream.linear.scatter [tilespmem:s3], [sflag:$0x1], $0x1900, $0x38;
	[tilespmem:$0x3600] =	vst v63  }
0x35: {  	_ =	swait.ge [sflag:s8], $0x1900  }
0x36: {  	[sflag:s8] =	ssyncset.done $0x0  }
0x37: {  	[sflag:s8] =	ssyncadd.s32 $0xFFFFE700  }
0x38: {  	[bflag:$0x0] =	sbarrier.arrive $0xFFFF  }
0x39: {  	[tilespmem:s9], [sflag:$0x1] =	stream.linear.gather [hbm4b:s5+s3], $0x200, $0x38;
	[tilespmem:$0x3600] =	vst v63  }
0x3a: {  	_ =	swait.ge [sflag:s8], $0x200  }
0x3b: {  	[sflag:s8] =	ssyncset.done $0x0  }
0x3c: {  	[sflag:s8] =	ssyncadd.s32 $0xFFFFFE00  }
0x3d: {  	[spmem:s2] =	stream.indirect.scatter.add.f32 [tilespmem:s11], [sflag:$0x1], $0x1, s9, s10, $0xb8;
	[tilespmem:$0x3600] =	vst v63  }
0x3e: {  	_ =	swait.ge [sflag:s8], $0x200  }
0x3f: {  	s14 =	sadd.s32 $0x1, s14;
	[sflag:s8] =	ssyncset.done $0x0  }
0x40: {  	p0 =	sne.s32 s14, s6;
	[sflag:s8] =	ssyncadd.s32 $0xFFFFFE00  }
.Ltmp1:
0x41: {  	[bflag:$0x0] =	sbarrier.arrive $0xFFFF;
	(pc) =	sbr.rel @p0 .LBB2_1-.Ltmp1, $4  }
0x42: {  	[hbm:s7], [sflag:s12] =	dma.local [spmem:s13], $0x320  }
0x43: {  	_ =	swait.ge [sflag:s8], $0x320  }
0x44: {  	[sflag:s8] =	ssyncset.done $0x0  }
0x45: {  	[sflag:s8] =	ssyncadd.s32 $0xFFFFFCE0  }
0x46: {  	_ =	sfence.sel $0x180000  }
0x47: {  	[bflag:$0x0] =	sbarrier.arrive $0xFFFF  }
0x48: {  	p0 =	sne.s32 s1, $0x0;
	_ =	strace $0x90000047  }
0x49: {  	s0 =	sadd.s32 @!p0 $0x100000, s0;
	[bflag:$0x2] =	sbarrier.arrive $0xFFFF  }
0x4a: {  	[sflag:s0] =	ssyncadd.tile.s32 @!p0 $0x1;
	_ =	shalt  }
.Lfunc_end2:
_tile_overlayer_lowered:
.L_overlay_start_2:
0x4b: {  	(tag) =	ssettag $0x2  }
0x4c: {  	s0 =	rddreg [dreg:$0x0];
	s2 =	stileid.u32  }
0x4d: {  	s1 =	rddreg [dreg:$0x1];
	p0 =	sne.s32 s2, $0x0  }
0x4e: {  	s3 =	rddreg [dreg:$0x2];
	[bflag:$0x3] =	sbarrier.arrive $0xFFFF;
	s2 =	simm.s32 @!p0 $0x1C01  }
0x4f: {  	[timem:s3], [sflag:s2] =	dma.local @!p0 [hbm:s0], s1  }
0x50: {  	s0 =	simm.s32 @!p0 $0x1  }
0x51: {  	_ =	swait.ge @!p0 [sflag:s0], s1  }
0x52: {  	s1 =	ssub.s32 @!p0 $0x0, s1;
	[sflag:s0] =	ssyncset.done @!p0 $0x0  }
0x53: {  	[sflag:s0] =	ssyncadd.s32 @!p0 s1  }
0x54: {  	[bflag:$0x3] =	sbarrier.arrive $0xFFFF  }
0x55: {  	_ =	shalt  }

</sc_bundles>
